<compile_context>
chip_gen: v7x
topology: tpu7x:2x2x1
jax: 0.10.2.dev20260603
libtpu: 0.0.44.dev20260713+nightly
codegen_flags: <defaults>
</compile_context>

<pallas_src>
import jax
import jax.numpy as jnp
from jax import lax
from jax.experimental import pallas as pl
from jax.experimental.pallas import tpu as pltpu
from jax.experimental.pallas import tpu_sc as plsc

NN = 50000
H = 32
NC = 2
NS = 16
EB = 256
SB = 100
NBUF = 8
HALVES = 3
EPW = SB * EB
EP = EPW * NC * NS
NPAD = 50304
HNP = NPAD // HALVES
RPSH = HNP // NS
BN = 2000



def _sc_body(y_hbm, edge_hbm, bnd_hbm, out_hbm,
             gi_v, dst_v, bnd_v, rows_v, zbuf_v, agg_sh, sem_g, sem_s):
    c = lax.axis_index("c")
    sid = lax.axis_index("s")
    w = c * NS + sid
    r0 = sid * RPSH

    def _zb(i, carry):
        zbuf_v[i, :] = jnp.zeros((H,), jnp.bfloat16)
        return carry
    lax.fori_loop(0, RPSH, _zb, 0)

    pltpu.sync_copy(edge_hbm.at[0, w], gi_v)
    pltpu.sync_copy(bnd_hbm.at[w], bnd_v)

    def _gather(b, buf):
        return pltpu.make_async_copy(y_hbm.at[gi_v.at[b]], rows_v.at[buf],
                                     sem_g)

    def _scatter(b, buf):
        return pltpu.make_async_copy(rows_v.at[buf], agg_sh.at[dst_v.at[b]],
                                     sem_s)

    for half in range(HALVES):
        pltpu.sync_copy(zbuf_v, agg_sh.at[pl.ds(r0, RPSH), :])
        plsc.subcore_barrier()

        pltpu.sync_copy(edge_hbm.at[1 + half, w], dst_v)

        lo = bnd_v[half, :][0]
        hi = bnd_v[half + 1, :][0]
        b_lo = lo // EB
        b_hi = (hi + EB - 1) // EB

        def _pro(b, carry):
            _gather(b, b & (NBUF - 1)).start()
            return carry
        lax.fori_loop(b_lo, jnp.minimum(b_lo + NBUF - 1, b_hi), _pro, 0)

        def _main(b, carry):
            buf = b & (NBUF - 1)
            _gather(b, buf).wait()
            pltpu.async_copy(rows_v.at[buf], agg_sh.at[dst_v.at[b]],
                             sem_s, add=True)

            @pl.when(b + NBUF - 1 < b_hi)
            def _():
                @pl.when(b > b_lo)
                def _():
                    _scatter(b - 1, (b - 1) & (NBUF - 1)).wait()
                _gather(b + NBUF - 1, (b + NBUF - 1) & (NBUF - 1)).start()

            return carry
        lax.fori_loop(b_lo, b_hi, _main, 0)

        def _tail(b, carry):
            _scatter(b, b & (NBUF - 1)).wait()
            return carry
        lax.fori_loop(jnp.maximum(b_lo, b_hi - NBUF), b_hi, _tail, 0)

        plsc.subcore_barrier()
        pltpu.sync_copy(agg_sh.at[pl.ds(r0, RPSH), :],
                        out_hbm.at[c, pl.ds(half * HNP + r0, RPSH), :])


_sc_scatter = pl.kernel(
    _sc_body,
    out_type=jax.ShapeDtypeStruct((NC, NPAD, H), jnp.bfloat16),
    mesh=plsc.VectorSubcoreMesh(core_axis_name="c", subcore_axis_name="s",
                                num_cores=NC, num_subcores=NS),
    scratch_types=[
        pltpu.VMEM((SB, EB), jnp.int32),
        pltpu.VMEM((SB, EB), jnp.int32),
        pltpu.VMEM((HALVES + 1, 16), jnp.int32),
        pltpu.VMEM((NBUF, EB, H), jnp.bfloat16),
        pltpu.VMEM((RPSH, H), jnp.bfloat16),
        pltpu.VMEM_SHARED((HNP + 8, H), jnp.bfloat16),
        pltpu.SemaphoreType.DMA,
        pltpu.SemaphoreType.DMA,
    ],
    compiler_params=pltpu.CompilerParams(use_tc_tiling_on_sc=False),
)



def _mm_body(x_ref, w_ref, y_ref):
    y_ref[...] = jnp.dot(x_ref[...], w_ref[...],
                         preferred_element_type=jnp.float32
                         ).astype(jnp.bfloat16)


def _tc_layer0(x, wcat):
    return pl.pallas_call(
        _mm_body,
        grid=(NN // BN,),
        in_specs=[pl.BlockSpec((BN, 128), lambda i: (i, 0)),
                  pl.BlockSpec((128, 128), lambda i: (0, 0))],
        out_specs=pl.BlockSpec((BN, 128), lambda i: (i, 0)),
        out_shape=jax.ShapeDtypeStruct((NN, 128), jnp.bfloat16),
    )(x, wcat)


def _comb_body(parts_ref, yp_ref, b_ref, w_ref, h_ref, y_ref):
    h = jnp.tanh(parts_ref[0].astype(jnp.float32)
                 + parts_ref[1].astype(jnp.float32)
                 + yp_ref[:, :H].astype(jnp.float32) + b_ref[...])
    h_ref[...] = h
    y_ref[...] = jnp.dot(h, w_ref[...], preferred_element_type=jnp.float32
                         ).astype(jnp.bfloat16)


def _tc_combine(parts, y_prev, bias, wcat):
    return pl.pallas_call(
        _comb_body,
        grid=(NN // BN,),
        in_specs=[pl.BlockSpec((2, BN, H), lambda i: (0, i, 0)),
                  pl.BlockSpec((BN, 128), lambda i: (i, 0)),
                  pl.BlockSpec((1, H), lambda i: (0, 0)),
                  pl.BlockSpec((H, 128), lambda i: (0, 0))],
        out_specs=[pl.BlockSpec((BN, H), lambda i: (i, 0)),
                   pl.BlockSpec((BN, 128), lambda i: (i, 0))],
        out_shape=[jax.ShapeDtypeStruct((NN, H), jnp.float32),
                   jax.ShapeDtypeStruct((NN, 128), jnp.bfloat16)],
    )(parts, y_prev, bias, wcat)


def _final_body(h1_ref, h2_ref, h3_ref, h4_ref,
                aw1_ref, ab1_ref, aw2_ref, ab2_ref,
                w1_ref, b1_ref, w2_ref, b2_ref,
                out_ref, m_ref, d_ref, num_ref):
    i = pl.program_id(0)

    @pl.when(i == 0)
    def _():
        m_ref[0, 0] = -1e30
        d_ref[0, 0] = 0.0
        num_ref[...] = jnp.zeros_like(num_ref)

    hc = jnp.concatenate([h1_ref[...], h2_ref[...], h3_ref[...],
                          h4_ref[...]], axis=1)
    t = jnp.tanh(jnp.dot(hc, aw1_ref[...],
                         preferred_element_type=jnp.float32) + ab1_ref[...])
    s = jnp.dot(t, aw2_ref[...],
                preferred_element_type=jnp.float32) + ab2_ref[0, 0]
    m_old = m_ref[0, 0]
    m_new = jnp.maximum(m_old, jnp.max(s))
    scale = jnp.exp(m_old - m_new)
    wgt = jnp.exp(s - m_new)
    d_ref[0, 0] = d_ref[0, 0] * scale + jnp.sum(wgt)
    num_ref[...] = num_ref[...] * scale + jnp.sum(wgt * hc, axis=0,
                                                  keepdims=True)
    m_ref[0, 0] = m_new

    @pl.when(i == pl.num_programs(0) - 1)
    def _():
        pooled = num_ref[...] / d_ref[0, 0]
        z = jnp.maximum(jnp.dot(pooled, w1_ref[...],
                                preferred_element_type=jnp.float32)
                        + b1_ref[...], 0.0)
        o = jnp.dot(z, w2_ref[...],
                    preferred_element_type=jnp.float32) + b2_ref[0, 0]
        out_ref[...] = 1.0 / (1.0 + jnp.exp(-o))


def _tc_final(h1, h2, h3, h4, aw1, ab1, aw2, ab2, w1, b1, w2, b2):
    return pl.pallas_call(
        _final_body,
        grid=(NN // BN,),
        in_specs=[pl.BlockSpec((BN, H), lambda i: (i, 0)),
                  pl.BlockSpec((BN, H), lambda i: (i, 0)),
                  pl.BlockSpec((BN, H), lambda i: (i, 0)),
                  pl.BlockSpec((BN, H), lambda i: (i, 0)),
                  pl.BlockSpec((128, 64), lambda i: (0, 0)),
                  pl.BlockSpec((1, 64), lambda i: (0, 0)),
                  pl.BlockSpec((64, 1), lambda i: (0, 0)),
                  pl.BlockSpec((1, 1), lambda i: (0, 0)),
                  pl.BlockSpec((128, 64), lambda i: (0, 0)),
                  pl.BlockSpec((1, 64), lambda i: (0, 0)),
                  pl.BlockSpec((64, 1), lambda i: (0, 0)),
                  pl.BlockSpec((1, 1), lambda i: (0, 0))],
        out_specs=pl.BlockSpec((1, 1), lambda i: (0, 0)),
        out_shape=jax.ShapeDtypeStruct((1, 1), jnp.float32),
        scratch_shapes=[pltpu.SMEM((1, 1), jnp.float32),
                        pltpu.SMEM((1, 1), jnp.float32),
                        pltpu.VMEM((1, 128), jnp.float32)],
    )(h1, h2, h3, h4, aw1, ab1, aw2, ab2, w1, b1, w2, b2)



def _wcat(basis, comp, loop_w):
    wr = jnp.einsum('rb,bio->rio', comp, basis)
    return jnp.concatenate([loop_w, wr[0], wr[1], wr[2]], axis=1)


def kernel(x, edge_index, etype, basis0, comp0, loop0, bias0,
           basis1, comp1, loop1, bias1, basis2, comp2, loop2, bias2,
           basis3, comp3, loop3, bias3, att_w1, att_b1, att_w2, att_b2,
           lin1_w, lin1_b, lin2_w, lin2_b):
    e = edge_index.shape[1]
    pad = EP - e
    shape3 = (NC * NS, SB, EB)
    gidx = jnp.concatenate(
        [edge_index[0] * 4 + 1 + etype, jnp.ones((pad,), jnp.int32)])
    dst = jnp.concatenate(
        [edge_index[1], jnp.full((pad,), NN, jnp.int32)])
    g2 = gidx.reshape(NC * NS, EPW)
    d2 = dst.reshape(NC * NS, EPW)
    key = d2 // HNP
    perm = jnp.argsort(key, axis=1, stable=True)
    g2 = jnp.take_along_axis(g2, perm, axis=1)
    d2 = jnp.take_along_axis(d2, perm, axis=1)
    bnd = jnp.stack([jnp.sum(key < h, axis=1, dtype=jnp.int32)
                     for h in range(HALVES + 1)], axis=1)
    bnd = jnp.broadcast_to(bnd[:, :, None], (NC * NS, HALVES + 1, 16))
    dstl = [jnp.where((d2 >= h * HNP) & (d2 < (h + 1) * HNP),
                      d2 - h * HNP, HNP) for h in range(HALVES)]
    edges = jnp.stack([g2] + dstl).reshape((1 + HALVES,) + shape3)

    wc0 = _wcat(basis0, comp0, loop0)
    wc_next = jnp.stack([_wcat(basis1, comp1, loop1),
                         _wcat(basis2, comp2, loop2),
                         _wcat(basis3, comp3, loop3),
                         _wcat(basis1, comp1, loop1)])
    biases = jnp.stack([bias0.reshape(1, H), bias1.reshape(1, H),
                        bias2.reshape(1, H), bias3.reshape(1, H)])

    y0 = _tc_layer0(x, wc0)

    def _layer(y, xs):
        wc_l, bias_l = xs
        parts = _sc_scatter(y.reshape(4 * NN, H), edges, bnd)
        h, y_next = _tc_combine(parts, y, bias_l, wc_l)
        return y_next, h

    _, hs = lax.scan(_layer, y0, (wc_next, biases))
    out = _tc_final(hs[0], hs[1], hs[2], hs[3],
                    att_w1, att_b1.reshape(1, 64), att_w2,
                    att_b2.reshape(1, 1), lin1_w, lin1_b.reshape(1, 64),
                    lin2_w, lin2_b.reshape(1, 1))
    return out[0, 0]

# --- scband reference (transcript-rebuilt; emitter-appended) ---
"""Pipeline reference for scband-frgcn-38439957299595 (READ-ONLY COPY).

The authoritative reference and input builder live on the scoring server;
editing this copy changes nothing except your own understanding.
"""

import jax, jax.numpy as jnp
import numpy as np

N = 50000
E = 800000
DIN = 128
H = 32
R = 3
NB = 2
L = 4


def _pinit(k, shape, fan):
    return jax.random.normal(k, shape, dtype=jnp.float32) / np.sqrt(fan)


def setup_inputs(seed: int = 0):
    key = jax.random.key(seed)
    ks = jax.random.split(key, 32)
    inp = {}
    inp['x'] = jax.random.normal(ks[0], (N, DIN), dtype=jnp.float32)
    inp['edge_index'] = jax.random.randint(ks[1], (2, E), 0, N, dtype=jnp.int32)
    inp['etype'] = jax.random.randint(ks[2], (E,), 0, R, dtype=jnp.int32)
    dims_in = [DIN, H, H, H]
    ki = 3
    for l in range(L):
        din = dims_in[l]
        inp['basis%d' % l] = _pinit(ks[ki], (NB, din, H), din); ki += 1
        inp['comp%d' % l] = _pinit(ks[ki], (R, NB), NB); ki += 1
        inp['loop%d' % l] = _pinit(ks[ki], (din, H), din); ki += 1
        inp['bias%d' % l] = jnp.zeros((H,), dtype=jnp.float32)
    inp['att_w1'] = _pinit(ks[ki], (128, 64), 128); ki += 1
    inp['att_b1'] = jnp.zeros((64,), dtype=jnp.float32)
    inp['att_w2'] = _pinit(ks[ki], (64, 1), 64); ki += 1
    inp['att_b2'] = jnp.zeros((1,), dtype=jnp.float32)
    inp['lin1_w'] = _pinit(ks[ki], (128, 64), 128); ki += 1
    inp['lin1_b'] = jnp.zeros((64,), dtype=jnp.float32)
    inp['lin2_w'] = _pinit(ks[ki], (64, 1), 64); ki += 1
    inp['lin2_b'] = jnp.zeros((1,), dtype=jnp.float32)
    return inp


def _rel_layer(h, basis, comp, loop_w, bias, src, dst, etype):
    # DGL RelGraphConv with basis regularization (num_bases=2), sum aggregation, self loop
    hb = jnp.einsum('ni,bio->nbo', h, basis)
    coef = comp[etype]
    msg = jnp.einsum('eb,ebo->eo', coef, hb[src])
    agg = jax.ops.segment_sum(msg, dst, num_segments=h.shape[0])
    return agg + h @ loop_w + bias


def reference(x, edge_index, etype, basis0, comp0, loop0, bias0, basis1, comp1, loop1, bias1, basis2, comp2, loop2, bias2, basis3, comp3, loop3, bias3, att_w1, att_b1, att_w2, att_b2, lin1_w, lin1_b, lin2_w, lin2_b):
    src = edge_index[0]
    dst = edge_index[1]
    params = [(basis0, comp0, loop0, bias0), (basis1, comp1, loop1, bias1), (basis2, comp2, loop2, bias2), (basis3, comp3, loop3, bias3)]
    h = x
    states = []
    for (b, c, lw, bi) in params:
        h = jnp.tanh(_rel_layer(h, b, c, lw, bi, src, dst, etype))
        states.append(h)
    hc = jnp.concatenate(states, axis=1)  # [N, 128]
    # target attention pooling: gated attention readout over nodes (single graph)
    score = jnp.tanh(hc @ att_w1 + att_b1) @ att_w2 + att_b2  # [N, 1]
    alpha = jax.nn.softmax(score, axis=0)
    pooled = jnp.sum(alpha * hc, axis=0, keepdims=True)  # [1, 128]
    z = jax.nn.relu(pooled @ lin1_w + lin1_b)
    # dropout p=0.5 is identity in eval mode
    z = z @ lin2_w + lin2_b
    out = jax.nn.sigmoid(z)[:, 0]
    return out.squeeze()

if __name__ == "__main__":
    import jax
    _d = setup_inputs()
    print(jax.jit(kernel)(*tuple(_d.values())))

</pallas_src>

<mosaic_0001>
#map = affine_map<(d0, d1) -> (0, 0)>
#map1 = affine_map<(d0, d1) -> (0, 0, 0, 0)>
#map2 = affine_map<(d0, d1) -> (0, 0, 0)>
module attributes {stable_mosaic.version = 14 : i64} {
  func.func @_sc_body(%arg0: i32, %arg1: i32, %arg2: memref<200000x32xbf16, #tpu.memory_space<hbm>>, %arg3: memref<4x32x100x256xi32, #tpu.memory_space<hbm>>, %arg4: memref<32x4x16xi32, #tpu.memory_space<hbm>>, %arg5: memref<2x50304x32xbf16, #tpu.memory_space<hbm>>, %arg6: memref<100x256xi32, #tpu.memory_space<vmem>>, %arg7: memref<100x256xi32, #tpu.memory_space<vmem>>, %arg8: memref<4x16xi32, #tpu.memory_space<vmem>>, %arg9: memref<8x256x32xbf16, #tpu.memory_space<vmem>>, %arg10: memref<1048x32xbf16, #tpu.memory_space<vmem>>, %arg11: memref<16776x32xbf16, #tpu.memory_space<vmem_shared>>, %arg12: memref<!tpu.dma_semaphore, #tpu.memory_space<semaphore_mem>>, %arg13: memref<!tpu.dma_semaphore, #tpu.memory_space<semaphore_mem>>) attributes {dimension_semantics = [#tpu.dimension_semantics<core_parallel>, #tpu.dimension_semantics<subcore_parallel>], iteration_bounds = array<i64: 2, 16>, scalar_prefetch = 0 : i64, scratch_operands = 8 : i64, tpu.core_type = #tpu.core_type<sc_vector_subcore>, window_params = [{transform_indices = #map}, {transform_indices = #map1}, {transform_indices = #map2}, {transform_indices = #map2}]} {
    %mul3A = arith.constant 16 : i32
    %mul3A_0 = arith.muli %arg0, %mul3A : i32
    %add3A = arith.addi %mul3A_0, %arg1 : i32
    %mul3A_1 = arith.constant 1048 : i32
    %mul3A_2 = arith.muli %arg1, %mul3A_1 : i32
    %scan3A = arith.constant 0 : i32
    %scan3A_3 = arith.constant 0 : i32
    %scan3A_4 = arith.constant 1048 : i32
    %scan3A_5 = arith.addi %scan3A_3, %scan3A_4 : i32
    %scan3A_6 = arith.constant 1 : i32
    scf.for %scan3A_311 = %scan3A_3 to %scan3A_5 step %scan3A_6  : i32 {
      %broadcast_in_dim3A = arith.constant 0.000000e+00 : bf16
      %broadcast_in_dim3A_312 = vector.broadcast %broadcast_in_dim3A : bf16 to vector<32xbf16>
      %swap3A = arith.index_cast %scan3A_311 : i32 to index
      %swap3A_313 = arith.constant 0 : index
      %swap3A_314 = tpu.vector_load %arg10[%swap3A, %swap3A_313] {strides = array<i32>} : memref<1048x32xbf16, #tpu.memory_space<vmem>>, vector<1x32xbf16>,
      %swap3A_315 = vector.shape_cast %swap3A_314 : vector<1x32xbf16> to vector<32xbf16>
      %swap3A_316 = vector.shape_cast %broadcast_in_dim3A_312 : vector<32xbf16> to vector<1x32xbf16>
      tpu.vector_store %arg10[%swap3A, %swap3A_313], %swap3A_316 {strides = array<i32>} : memref<1048x32xbf16, #tpu.memory_space<vmem>>, vector<1x32xbf16>,
    }
    %scan3A_7 = arith.constant 1048 : i32
    %run_scoped3A = arith.constant 0 : i32
    "tpu.region"() ({
      %run_scoped3A_311 = tpu.sem_alloc : memref<!tpu.dma_semaphore, #tpu.memory_space<semaphore_mem>>
      %dma_start3A = arith.constant 0 : i32
      %dma_start3A_312 = arith.constant 0 : i32
      %dma_start3A_313 = tpu.memref_slice %arg3[%run_scoped3A, %add3A, %dma_start3A, %dma_start3A_312] : memref<4x32x100x256xi32, #tpu.memory_space<hbm>> -> memref<1x1x100x256xi32, #tpu.memory_space<hbm>>
      %dma_start3A_314 = tpu.memref_squeeze %dma_start3A_313 : memref<1x1x100x256xi32, #tpu.memory_space<hbm>> -> memref<100x256xi32, #tpu.memory_space<hbm>>
      %dma_start3A_315 = arith.constant 0 : i32
      %dma_start3A_316 = arith.constant 0 : i32
      %dma_start3A_317 = tpu.memref_slice %arg3[%run_scoped3A, %add3A, %dma_start3A_315, %dma_start3A_316] : memref<4x32x100x256xi32, #tpu.memory_space<hbm>> -> memref<1x1x100x256xi32, #tpu.memory_space<hbm>>
      %dma_start3A_318 = tpu.memref_squeeze %dma_start3A_317 : memref<1x1x100x256xi32, #tpu.memory_space<hbm>> -> memref<100x256xi32, #tpu.memory_space<hbm>>
      tpu.enqueue_dma source(%dma_start3A_318 : memref<100x256xi32, #tpu.memory_space<hbm>>) target(%arg6 : memref<100x256xi32, #tpu.memory_space<vmem>>) target_semaphore(%run_scoped3A_311 : memref<!tpu.dma_semaphore, #tpu.memory_space<semaphore_mem>>)
      %dma_wait3A = arith.constant 0 : i32
      %dma_wait3A_319 = arith.constant 0 : i32
      %dma_wait3A_320 = tpu.memref_slice %arg3[%run_scoped3A, %add3A, %dma_wait3A, %dma_wait3A_319] : memref<4x32x100x256xi32, #tpu.memory_space<hbm>> -> memref<1x1x100x256xi32, #tpu.memory_space<hbm>>
      %dma_wait3A_321 = tpu.memref_squeeze %dma_wait3A_320 : memref<1x1x100x256xi32, #tpu.memory_space<hbm>> -> memref<100x256xi32, #tpu.memory_space<hbm>>
      %dma_wait3A_322 = arith.constant 0 : i32
      %dma_wait3A_323 = arith.constant 0 : i32
      %dma_wait3A_324 = tpu.memref_slice %arg3[%run_scoped3A, %add3A, %dma_wait3A_322, %dma_wait3A_323] : memref<4x32x100x256xi32, #tpu.memory_space<hbm>> -> memref<1x1x100x256xi32, #tpu.memory_space<hbm>>
      %dma_wait3A_325 = tpu.memref_squeeze %dma_wait3A_324 : memref<1x1x100x256xi32, #tpu.memory_space<hbm>> -> memref<100x256xi32, #tpu.memory_space<hbm>>
      tpu.wait_dma2 semaphore(%run_scoped3A_311 : memref<!tpu.dma_semaphore, #tpu.memory_space<semaphore_mem>>) src(%dma_wait3A_325 : memref<100x256xi32, #tpu.memory_space<hbm>>) dst(%arg6 : memref<100x256xi32, #tpu.memory_space<vmem>>)
      tpu.yield
    }) : () -> ()
    "tpu.region"() ({
      %run_scoped3A_311 = tpu.sem_alloc : memref<!tpu.dma_semaphore, #tpu.memory_space<semaphore_mem>>
      %dma_start3A = arith.constant 0 : i32
      %dma_start3A_312 = arith.constant 0 : i32
      %dma_start3A_313 = tpu.memref_slice %arg4[%add3A, %dma_start3A, %dma_start3A_312] : memref<32x4x16xi32, #tpu.memory_space<hbm>> -> memref<1x4x16xi32, #tpu.memory_space<hbm>>
      %dma_start3A_314 = tpu.memref_squeeze %dma_start3A_313 : memref<1x4x16xi32, #tpu.memory_space<hbm>> -> memref<4x16xi32, #tpu.memory_space<hbm>>
      %dma_start3A_315 = arith.constant 0 : i32
      %dma_start3A_316 = arith.constant 0 : i32
      %dma_start3A_317 = tpu.memref_slice %arg4[%add3A, %dma_start3A_315, %dma_start3A_316] : memref<32x4x16xi32, #tpu.memory_space<hbm>> -> memref<1x4x16xi32, #tpu.memory_space<hbm>>
      %dma_start3A_318 = tpu.memref_squeeze %dma_start3A_317 : memref<1x4x16xi32, #tpu.memory_space<hbm>> -> memref<4x16xi32, #tpu.memory_space<hbm>>
      tpu.enqueue_dma source(%dma_start3A_318 : memref<4x16xi32, #tpu.memory_space<hbm>>) target(%arg8 : memref<4x16xi32, #tpu.memory_space<vmem>>) target_semaphore(%run_scoped3A_311 : memref<!tpu.dma_semaphore, #tpu.memory_space<semaphore_mem>>)
      %dma_wait3A = arith.constant 0 : i32
      %dma_wait3A_319 = arith.constant 0 : i32
      %dma_wait3A_320 = tpu.memref_slice %arg4[%add3A, %dma_wait3A, %dma_wait3A_319] : memref<32x4x16xi32, #tpu.memory_space<hbm>> -> memref<1x4x16xi32, #tpu.memory_space<hbm>>
      %dma_wait3A_321 = tpu.memref_squeeze %dma_wait3A_320 : memref<1x4x16xi32, #tpu.memory_space<hbm>> -> memref<4x16xi32, #tpu.memory_space<hbm>>
      %dma_wait3A_322 = arith.constant 0 : i32
      %dma_wait3A_323 = arith.constant 0 : i32
      %dma_wait3A_324 = tpu.memref_slice %arg4[%add3A, %dma_wait3A_322, %dma_wait3A_323] : memref<32x4x16xi32, #tpu.memory_space<hbm>> -> memref<1x4x16xi32, #tpu.memory_space<hbm>>
      %dma_wait3A_325 = tpu.memref_squeeze %dma_wait3A_324 : memref<1x4x16xi32, #tpu.memory_space<hbm>> -> memref<4x16xi32, #tpu.memory_space<hbm>>
      tpu.wait_dma2 semaphore(%run_scoped3A_311 : memref<!tpu.dma_semaphore, #tpu.memory_space<semaphore_mem>>) src(%dma_wait3A_325 : memref<4x16xi32, #tpu.memory_space<hbm>>) dst(%arg8 : memref<4x16xi32, #tpu.memory_space<vmem>>)
      tpu.yield
    }) : () -> ()
    "tpu.region"() ({
      %run_scoped3A_311 = tpu.sem_alloc : memref<!tpu.dma_semaphore, #tpu.memory_space<semaphore_mem>>
      %dma_start3A = arith.constant 0 : i32
      %dma_start3A_312 = tpu.memref_slice %arg11[%mul3A_2, %dma_start3A] : memref<16776x32xbf16, #tpu.memory_space<vmem_shared>> -> memref<1048x32xbf16, #tpu.memory_space<vmem_shared>>
      %dma_start3A_313 = arith.constant 0 : i32
      %dma_start3A_314 = tpu.memref_slice %arg11[%mul3A_2, %dma_start3A_313] : memref<16776x32xbf16, #tpu.memory_space<vmem_shared>> -> memref<1048x32xbf16, #tpu.memory_space<vmem_shared>>
      tpu.enqueue_dma source(%arg10 : memref<1048x32xbf16, #tpu.memory_space<vmem>>) target(%dma_start3A_314 : memref<1048x32xbf16, #tpu.memory_space<vmem_shared>>) target_semaphore(%run_scoped3A_311 : memref<!tpu.dma_semaphore, #tpu.memory_space<semaphore_mem>>)
      %dma_wait3A = arith.constant 0 : i32
      %dma_wait3A_315 = tpu.memref_slice %arg11[%mul3A_2, %dma_wait3A] : memref<16776x32xbf16, #tpu.memory_space<vmem_shared>> -> memref<1048x32xbf16, #tpu.memory_space<vmem_shared>>
      %dma_wait3A_316 = arith.constant 0 : i32
      %dma_wait3A_317 = tpu.memref_slice %arg11[%mul3A_2, %dma_wait3A_316] : memref<16776x32xbf16, #tpu.memory_space<vmem_shared>> -> memref<1048x32xbf16, #tpu.memory_space<vmem_shared>>
      tpu.wait_dma2 semaphore(%run_scoped3A_311 : memref<!tpu.dma_semaphore, #tpu.memory_space<semaphore_mem>>) src(%arg10 : memref<1048x32xbf16, #tpu.memory_space<vmem>>) dst(%dma_wait3A_317 : memref<1048x32xbf16, #tpu.memory_space<vmem_shared>>)
      tpu.yield
    }) : () -> ()
    %barrier3A = arith.constant 0 : index
    tpu.barrier barrier_id(%barrier3A)
    %run_scoped3A_8 = arith.constant 1 : i32
    "tpu.region"() ({
      %run_scoped3A_311 = tpu.sem_alloc : memref<!tpu.dma_semaphore, #tpu.memory_space<semaphore_mem>>
      %dma_start3A = arith.constant 0 : i32
      %dma_start3A_312 = arith.constant 0 : i32
      %dma_start3A_313 = tpu.memref_slice %arg3[%run_scoped3A_8, %add3A, %dma_start3A, %dma_start3A_312] : memref<4x32x100x256xi32, #tpu.memory_space<hbm>> -> memref<1x1x100x256xi32, #tpu.memory_space<hbm>>
      %dma_start3A_314 = tpu.memref_squeeze %dma_start3A_313 : memref<1x1x100x256xi32, #tpu.memory_space<hbm>> -> memref<100x256xi32, #tpu.memory_space<hbm>>
      %dma_start3A_315 = arith.constant 0 : i32
      %dma_start3A_316 = arith.constant 0 : i32
      %dma_start3A_317 = tpu.memref_slice %arg3[%run_scoped3A_8, %add3A, %dma_start3A_315, %dma_start3A_316] : memref<4x32x100x256xi32, #tpu.memory_space<hbm>> -> memref<1x1x100x256xi32, #tpu.memory_space<hbm>>
      %dma_start3A_318 = tpu.memref_squeeze %dma_start3A_317 : memref<1x1x100x256xi32, #tpu.memory_space<hbm>> -> memref<100x256xi32, #tpu.memory_space<hbm>>
      tpu.enqueue_dma source(%dma_start3A_318 : memref<100x256xi32, #tpu.memory_space<hbm>>) target(%arg7 : memref<100x256xi32, #tpu.memory_space<vmem>>) target_semaphore(%run_scoped3A_311 : memref<!tpu.dma_semaphore, #tpu.memory_space<semaphore_mem>>)
      %dma_wait3A = arith.constant 0 : i32
      %dma_wait3A_319 = arith.constant 0 : i32
      %dma_wait3A_320 = tpu.memref_slice %arg3[%run_scoped3A_8, %add3A, %dma_wait3A, %dma_wait3A_319] : memref<4x32x100x256xi32, #tpu.memory_space<hbm>> -> memref<1x1x100x256xi32, #tpu.memory_space<hbm>>
      %dma_wait3A_321 = tpu.memref_squeeze %dma_wait3A_320 : memref<1x1x100x256xi32, #tpu.memory_space<hbm>> -> memref<100x256xi32, #tpu.memory_space<hbm>>
      %dma_wait3A_322 = arith.constant 0 : i32
      %dma_wait3A_323 = arith.constant 0 : i32
      %dma_wait3A_324 = tpu.memref_slice %arg3[%run_scoped3A_8, %add3A, %dma_wait3A_322, %dma_wait3A_323] : memref<4x32x100x256xi32, #tpu.memory_space<hbm>> -> memref<1x1x100x256xi32, #tpu.memory_space<hbm>>
      %dma_wait3A_325 = tpu.memref_squeeze %dma_wait3A_324 : memref<1x1x100x256xi32, #tpu.memory_space<hbm>> -> memref<100x256xi32, #tpu.memory_space<hbm>>
      tpu.wait_dma2 semaphore(%run_scoped3A_311 : memref<!tpu.dma_semaphore, #tpu.memory_space<semaphore_mem>>) src(%dma_wait3A_325 : memref<100x256xi32, #tpu.memory_space<hbm>>) dst(%arg7 : memref<100x256xi32, #tpu.memory_space<vmem>>)
      tpu.yield
    }) : () -> ()
    %get3A = arith.constant 0 : i32
    %get3A_9 = arith.index_cast %get3A : i32 to index
    %get3A_10 = arith.constant 0 : index
    %get3A_11 = tpu.vector_load %arg8[%get3A_9, %get3A_10] {strides = array<i32>} : memref<4x16xi32, #tpu.memory_space<vmem>>, vector<1x16xi32>,
    %get3A_12 = vector.shape_cast %get3A_11 : vector<1x16xi32> to vector<16xi32>
    %slice3A = vector.extract_strided_slice %get3A_12 {offsets = [0], sizes = [1], strides = [1]} : vector<16xi32> to vector<1xi32>
    %squeeze3A = vector.extract %slice3A[0] : i32 from vector<1xi32>
    %get3A_13 = arith.constant 1 : i32
    %get3A_14 = arith.index_cast %get3A_13 : i32 to index
    %get3A_15 = arith.constant 0 : index
    %get3A_16 = tpu.vector_load %arg8[%get3A_14, %get3A_15] {strides = array<i32>} : memref<4x16xi32, #tpu.memory_space<vmem>>, vector<1x16xi32>,
    %get3A_17 = vector.shape_cast %get3A_16 : vector<1x16xi32> to vector<16xi32>
    %slice3A_18 = vector.extract_strided_slice %get3A_17 {offsets = [0], sizes = [1], strides = [1]} : vector<16xi32> to vector<1xi32>
    %squeeze3A_19 = vector.extract %slice3A_18[0] : i32 from vector<1xi32>
    %jit3A = arith.constant 256 : i32
    %div3A = arith.divsi %squeeze3A, %jit3A : i32
    %sign3A = arith.constant 0 : i32
    %sign3A_20 = arith.cmpi sgt, %squeeze3A, %sign3A : i32
    %sign3A_21 = arith.extui %sign3A_20 : i1 to i32
    %sign3A_22 = arith.constant 0 : i32
    %sign3A_23 = arith.cmpi slt, %squeeze3A, %sign3A_22 : i32
    %sign3A_24 = arith.extui %sign3A_23 : i1 to i32
    %sign3A_25 = arith.subi %sign3A_21, %sign3A_24 : i32
    %sign3A_26 = arith.constant 0 : i32
    %sign3A_27 = arith.cmpi sgt, %jit3A, %sign3A_26 : i32
    %sign3A_28 = arith.extui %sign3A_27 : i1 to i32
    %sign3A_29 = arith.constant 0 : i32
    %sign3A_30 = arith.cmpi slt, %jit3A, %sign3A_29 : i32
    %sign3A_31 = arith.extui %sign3A_30 : i1 to i32
    %sign3A_32 = arith.subi %sign3A_28, %sign3A_31 : i32
    %ne3A = arith.cmpi ne, %sign3A_25, %sign3A_32 : i32
    %rem3A = arith.remsi %squeeze3A, %jit3A : i32
    %ne3A_33 = arith.constant 0 : i32
    %ne3A_34 = arith.cmpi ne, %rem3A, %ne3A_33 : i32
    %and3A = arith.andi %ne3A, %ne3A_34 : i1
    %sub3A = arith.constant 1 : i32
    %sub3A_35 = arith.subi %div3A, %sub3A : i32
    %select_n3A = arith.select %and3A, %sub3A_35, %div3A : i32
    %add3A_36 = arith.constant 256 : i32
    %add3A_37 = arith.addi %squeeze3A_19, %add3A_36 : i32
    %sub3A_38 = arith.constant 1 : i32
    %sub3A_39 = arith.subi %add3A_37, %sub3A_38 : i32
    %jit3A_40 = arith.constant 256 : i32
    %div3A_41 = arith.divsi %sub3A_39, %jit3A_40 : i32
    %sign3A_42 = arith.constant 0 : i32
    %sign3A_43 = arith.cmpi sgt, %sub3A_39, %sign3A_42 : i32
    %sign3A_44 = arith.extui %sign3A_43 : i1 to i32
    %sign3A_45 = arith.constant 0 : i32
    %sign3A_46 = arith.cmpi slt, %sub3A_39, %sign3A_45 : i32
    %sign3A_47 = arith.extui %sign3A_46 : i1 to i32
    %sign3A_48 = arith.subi %sign3A_44, %sign3A_47 : i32
    %sign3A_49 = arith.constant 0 : i32
    %sign3A_50 = arith.cmpi sgt, %jit3A_40, %sign3A_49 : i32
    %sign3A_51 = arith.extui %sign3A_50 : i1 to i32
    %sign3A_52 = arith.constant 0 : i32
    %sign3A_53 = arith.cmpi slt, %jit3A_40, %sign3A_52 : i32
    %sign3A_54 = arith.extui %sign3A_53 : i1 to i32
    %sign3A_55 = arith.subi %sign3A_51, %sign3A_54 : i32
    %ne3A_56 = arith.cmpi ne, %sign3A_48, %sign3A_55 : i32
    %rem3A_57 = arith.remsi %sub3A_39, %jit3A_40 : i32
    %ne3A_58 = arith.constant 0 : i32
    %ne3A_59 = arith.cmpi ne, %rem3A_57, %ne3A_58 : i32
    %and3A_60 = arith.andi %ne3A_56, %ne3A_59 : i1
    %sub3A_61 = arith.constant 1 : i32
    %sub3A_62 = arith.subi %div3A_41, %sub3A_61 : i32
    %select_n3A_63 = arith.select %and3A_60, %sub3A_62, %div3A_41 : i32
    %add3A_64 = arith.constant 8 : i32
    %add3A_65 = arith.addi %select_n3A, %add3A_64 : i32
    %sub3A_66 = arith.constant 1 : i32
    %sub3A_67 = arith.subi %add3A_65, %sub3A_66 : i32
    %min3A = arith.minsi %sub3A_67, %select_n3A_63 : i32
    %while3A = arith.constant 0 : i32
    %while3A_68 = arith.subi %min3A, %select_n3A : i32
    %while3A_69 = arith.addi %select_n3A, %while3A_68 : i32
    %while3A_70 = arith.constant 1 : i32
    %while3A_71 = arith.divsi %while3A_68, %while3A_70 : i32
    %while3A_72 = arith.muli %while3A_71, %while3A_70 : i32
    %while3A_73 = arith.addi %select_n3A, %while3A_72 : i32
    %while3A_74 = arith.constant 1 : i32
    scf.for %while3A_311 = %select_n3A to %while3A_73 step %while3A_74  : i32 {
      %and3A_312 = arith.constant 7 : i32
      %and3A_313 = arith.andi %while3A_311, %and3A_312 : i32
      %dma_start3A = arith.constant 0 : i32
      %dma_start3A_314 = arith.constant 0 : i32
      %dma_start3A_315 = tpu.memref_slice %arg9[%and3A_313, %dma_start3A, %dma_start3A_314] : memref<8x256x32xbf16, #tpu.memory_space<vmem>> -> memref<1x256x32xbf16, #tpu.memory_space<vmem>>
      %dma_start3A_316 = tpu.memref_squeeze %dma_start3A_315 : memref<1x256x32xbf16, #tpu.memory_space<vmem>> -> memref<256x32xbf16, #tpu.memory_space<vmem>>
      %dma_start3A_317 = arith.constant 0 : i32
      %dma_start3A_318 = tpu.memref_slice %arg6[%while3A_311, %dma_start3A_317] : memref<100x256xi32, #tpu.memory_space<vmem>> -> memref<1x256xi32, #tpu.memory_space<vmem>>
      %dma_start3A_319 = tpu.memref_squeeze %dma_start3A_318 : memref<1x256xi32, #tpu.memory_space<vmem>> -> memref<256xi32, #tpu.memory_space<vmem>>
      %dma_start3A_320 = arith.constant 0 : i32
      %dma_start3A_321 = arith.constant 0 : i32
      %dma_start3A_322 = tpu.memref_slice %arg2[%dma_start3A_320, %dma_start3A_321] : memref<200000x32xbf16, #tpu.memory_space<hbm>> -> memref<200000x32xbf16, #tpu.memory_space<hbm>>
      tpu.enqueue_indirect_dma source(%dma_start3A_322 : memref<200000x32xbf16, #tpu.memory_space<hbm>>) target(%dma_start3A_316 : memref<256x32xbf16, #tpu.memory_space<vmem>>) offsets(%dma_start3A_319 : memref<256xi32, #tpu.memory_space<vmem>>) semaphore(%arg12 : memref<!tpu.dma_semaphore, #tpu.memory_space<semaphore_mem>>)
    }
    %while3A_75 = arith.constant 1 : i32
    scf.for %while3A_311 = %while3A_73 to %while3A_69 step %while3A_75  : i32 {
      %and3A_312 = arith.constant 7 : i32
      %and3A_313 = arith.andi %while3A_311, %and3A_312 : i32
      %dma_start3A = arith.constant 0 : i32
      %dma_start3A_314 = arith.constant 0 : i32
      %dma_start3A_315 = tpu.memref_slice %arg9[%and3A_313, %dma_start3A, %dma_start3A_314] : memref<8x256x32xbf16, #tpu.memory_space<vmem>> -> memref<1x256x32xbf16, #tpu.memory_space<vmem>>
      %dma_start3A_316 = tpu.memref_squeeze %dma_start3A_315 : memref<1x256x32xbf16, #tpu.memory_space<vmem>> -> memref<256x32xbf16, #tpu.memory_space<vmem>>
      %dma_start3A_317 = arith.constant 0 : i32
      %dma_start3A_318 = tpu.memref_slice %arg6[%while3A_311, %dma_start3A_317] : memref<100x256xi32, #tpu.memory_space<vmem>> -> memref<1x256xi32, #tpu.memory_space<vmem>>
      %dma_start3A_319 = tpu.memref_squeeze %dma_start3A_318 : memref<1x256xi32, #tpu.memory_space<vmem>> -> memref<256xi32, #tpu.memory_space<vmem>>
      %dma_start3A_320 = arith.constant 0 : i32
      %dma_start3A_321 = arith.constant 0 : i32
      %dma_start3A_322 = tpu.memref_slice %arg2[%dma_start3A_320, %dma_start3A_321] : memref<200000x32xbf16, #tpu.memory_space<hbm>> -> memref<200000x32xbf16, #tpu.memory_space<hbm>>
      tpu.enqueue_indirect_dma source(%dma_start3A_322 : memref<200000x32xbf16, #tpu.memory_space<hbm>>) target(%dma_start3A_316 : memref<256x32xbf16, #tpu.memory_space<vmem>>) offsets(%dma_start3A_319 : memref<256xi32, #tpu.memory_space<vmem>>) semaphore(%arg12 : memref<!tpu.dma_semaphore, #tpu.memory_space<semaphore_mem>>)
    }
    %while3A_76 = arith.constant 0 : i32
    %while3A_77 = arith.subi %select_n3A_63, %select_n3A : i32
    %while3A_78 = arith.addi %select_n3A, %while3A_77 : i32
    %while3A_79 = arith.constant 1 : i32
    %while3A_80 = arith.divsi %while3A_77, %while3A_79 : i32
    %while3A_81 = arith.muli %while3A_80, %while3A_79 : i32
    %while3A_82 = arith.addi %select_n3A, %while3A_81 : i32
    %while3A_83 = arith.constant 1 : i32
    scf.for %while3A_311 = %select_n3A to %while3A_82 step %while3A_83  : i32 {
      %and3A_312 = arith.constant 7 : i32
      %and3A_313 = arith.andi %while3A_311, %and3A_312 : i32
      %dma_wait3A = arith.constant 0 : i32
      %dma_wait3A_314 = arith.constant 0 : i32
      %dma_wait3A_315 = tpu.memref_slice %arg9[%and3A_313, %dma_wait3A, %dma_wait3A_314] : memref<8x256x32xbf16, #tpu.memory_space<vmem>> -> memref<1x256x32xbf16, #tpu.memory_space<vmem>>
      %dma_wait3A_316 = tpu.memref_squeeze %dma_wait3A_315 : memref<1x256x32xbf16, #tpu.memory_space<vmem>> -> memref<256x32xbf16, #tpu.memory_space<vmem>>
      %dma_wait3A_317 = arith.constant 0 : i32
      %dma_wait3A_318 = tpu.memref_slice %arg6[%while3A_311, %dma_wait3A_317] : memref<100x256xi32, #tpu.memory_space<vmem>> -> memref<1x256xi32, #tpu.memory_space<vmem>>
      %dma_wait3A_319 = tpu.memref_squeeze %dma_wait3A_318 : memref<1x256xi32, #tpu.memory_space<vmem>> -> memref<256xi32, #tpu.memory_space<vmem>>
      %dma_wait3A_320 = arith.constant 0 : i32
      %dma_wait3A_321 = arith.constant 0 : i32
      %dma_wait3A_322 = tpu.memref_slice %arg2[%dma_wait3A_320, %dma_wait3A_321] : memref<200000x32xbf16, #tpu.memory_space<hbm>> -> memref<200000x32xbf16, #tpu.memory_space<hbm>>
      tpu.wait_indirect_dma semaphore(%arg12 : memref<!tpu.dma_semaphore, #tpu.memory_space<semaphore_mem>>) src(%dma_wait3A_322 : memref<200000x32xbf16, #tpu.memory_space<hbm>>) dst(%dma_wait3A_316 : memref<256x32xbf16, #tpu.memory_space<vmem>>)
      %dma_start3A = arith.constant 0 : i32
      %dma_start3A_323 = arith.constant 0 : i32
      %dma_start3A_324 = tpu.memref_slice %arg9[%and3A_313, %dma_start3A, %dma_start3A_323] : memref<8x256x32xbf16, #tpu.memory_space<vmem>> -> memref<1x256x32xbf16, #tpu.memory_space<vmem>>
      %dma_start3A_325 = tpu.memref_squeeze %dma_start3A_324 : memref<1x256x32xbf16, #tpu.memory_space<vmem>> -> memref<256x32xbf16, #tpu.memory_space<vmem>>
      %dma_start3A_326 = arith.constant 0 : i32
      %dma_start3A_327 = tpu.memref_slice %arg7[%while3A_311, %dma_start3A_326] : memref<100x256xi32, #tpu.memory_space<vmem>> -> memref<1x256xi32, #tpu.memory_space<vmem>>
      %dma_start3A_328 = tpu.memref_squeeze %dma_start3A_327 : memref<1x256xi32, #tpu.memory_space<vmem>> -> memref<256xi32, #tpu.memory_space<vmem>>
      %dma_start3A_329 = arith.constant 0 : i32
      %dma_start3A_330 = arith.constant 0 : i32
      %dma_start3A_331 = tpu.memref_slice %arg11[%dma_start3A_329, %dma_start3A_330] : memref<16776x32xbf16, #tpu.memory_space<vmem_shared>> -> memref<16776x32xbf16, #tpu.memory_space<vmem_shared>>
      tpu.enqueue_indirect_dma source(%dma_start3A_325 : memref<256x32xbf16, #tpu.memory_space<vmem>>) target(%dma_start3A_331 : memref<16776x32xbf16, #tpu.memory_space<vmem_shared>>) offsets(%dma_start3A_328 : memref<256xi32, #tpu.memory_space<vmem>>) semaphore(%arg13 : memref<!tpu.dma_semaphore, #tpu.memory_space<semaphore_mem>>) {add = true}
      %add3A_332 = arith.constant 8 : i32
      %add3A_333 = arith.addi %while3A_311, %add3A_332 : i32
      %sub3A_334 = arith.constant 1 : i32
      %sub3A_335 = arith.subi %add3A_333, %sub3A_334 : i32
      %lt3A = arith.cmpi slt, %sub3A_335, %select_n3A_63 : i32
      %convert_element_type3A = arith.extui %lt3A : i1 to i32
      %cond3A = arith.constant 0 : i32
      %cond3A_336 = arith.cmpi ne, %convert_element_type3A, %cond3A : i32
      scf.if %cond3A_336 {
        %gt3A = arith.cmpi sgt, %while3A_311, %select_n3A : i32
        %convert_element_type3A_337 = arith.extui %gt3A : i1 to i32
        %cond3A_338 = arith.constant 0 : i32
        %cond3A_339 = arith.cmpi ne, %convert_element_type3A_337, %cond3A_338 : i32
        scf.if %cond3A_339 {
          %sub3A_360 = arith.constant 1 : i32
          %sub3A_361 = arith.subi %while3A_311, %sub3A_360 : i32
          %sub3A_362 = arith.constant 1 : i32
          %sub3A_363 = arith.subi %while3A_311, %sub3A_362 : i32
          %and3A_364 = arith.constant 7 : i32
          %and3A_365 = arith.andi %sub3A_363, %and3A_364 : i32
          %dma_wait3A_366 = arith.constant 0 : i32
          %dma_wait3A_367 = arith.constant 0 : i32
          %dma_wait3A_368 = tpu.memref_slice %arg9[%and3A_365, %dma_wait3A_366, %dma_wait3A_367] : memref<8x256x32xbf16, #tpu.memory_space<vmem>> -> memref<1x256x32xbf16, #tpu.memory_space<vmem>>
          %dma_wait3A_369 = tpu.memref_squeeze %dma_wait3A_368 : memref<1x256x32xbf16, #tpu.memory_space<vmem>> -> memref<256x32xbf16, #tpu.memory_space<vmem>>
          %dma_wait3A_370 = arith.constant 0 : i32
          %dma_wait3A_371 = tpu.memref_slice %arg7[%sub3A_361, %dma_wait3A_370] : memref<100x256xi32, #tpu.memory_space<vmem>> -> memref<1x256xi32, #tpu.memory_space<vmem>>
          %dma_wait3A_372 = tpu.memref_squeeze %dma_wait3A_371 : memref<1x256xi32, #tpu.memory_space<vmem>> -> memref<256xi32, #tpu.memory_space<vmem>>
          %dma_wait3A_373 = arith.constant 0 : i32
          %dma_wait3A_374 = arith.constant 0 : i32
          %dma_wait3A_375 = tpu.memref_slice %arg11[%dma_wait3A_373, %dma_wait3A_374] : memref<16776x32xbf16, #tpu.memory_space<vmem_shared>> -> memref<16776x32xbf16, #tpu.memory_space<vmem_shared>>
          tpu.wait_indirect_dma semaphore(%arg13 : memref<!tpu.dma_semaphore, #tpu.memory_space<semaphore_mem>>) src(%dma_wait3A_369 : memref<256x32xbf16, #tpu.memory_space<vmem>>) dst(%dma_wait3A_375 : memref<16776x32xbf16, #tpu.memory_space<vmem_shared>>)
        } else {
        }
        %add3A_340 = arith.constant 8 : i32
        %add3A_341 = arith.addi %while3A_311, %add3A_340 : i32
        %sub3A_342 = arith.constant 1 : i32
        %sub3A_343 = arith.subi %add3A_341, %sub3A_342 : i32
        %add3A_344 = arith.constant 8 : i32
        %add3A_345 = arith.addi %while3A_311, %add3A_344 : i32
        %sub3A_346 = arith.constant 1 : i32
        %sub3A_347 = arith.subi %add3A_345, %sub3A_346 : i32
        %and3A_348 = arith.constant 7 : i32
        %and3A_349 = arith.andi %sub3A_347, %and3A_348 : i32
        %dma_start3A_350 = arith.constant 0 : i32
        %dma_start3A_351 = arith.constant 0 : i32
        %dma_start3A_352 = tpu.memref_slice %arg9[%and3A_349, %dma_start3A_350, %dma_start3A_351] : memref<8x256x32xbf16, #tpu.memory_space<vmem>> -> memref<1x256x32xbf16, #tpu.memory_space<vmem>>
        %dma_start3A_353 = tpu.memref_squeeze %dma_start3A_352 : memref<1x256x32xbf16, #tpu.memory_space<vmem>> -> memref<256x32xbf16, #tpu.memory_space<vmem>>
        %dma_start3A_354 = arith.constant 0 : i32
        %dma_start3A_355 = tpu.memref_slice %arg6[%sub3A_343, %dma_start3A_354] : memref<100x256xi32, #tpu.memory_space<vmem>> -> memref<1x256xi32, #tpu.memory_space<vmem>>
        %dma_start3A_356 = tpu.memref_squeeze %dma_start3A_355 : memref<1x256xi32, #tpu.memory_space<vmem>> -> memref<256xi32, #tpu.memory_space<vmem>>
        %dma_start3A_357 = arith.constant 0 : i32
        %dma_start3A_358 = arith.constant 0 : i32
        %dma_start3A_359 = tpu.memref_slice %arg2[%dma_start3A_357, %dma_start3A_358] : memref<200000x32xbf16, #tpu.memory_space<hbm>> -> memref<200000x32xbf16, #tpu.memory_space<hbm>>
        tpu.enqueue_indirect_dma source(%dma_start3A_359 : memref<200000x32xbf16, #tpu.memory_space<hbm>>) target(%dma_start3A_353 : memref<256x32xbf16, #tpu.memory_space<vmem>>) offsets(%dma_start3A_356 : memref<256xi32, #tpu.memory_space<vmem>>) semaphore(%arg12 : memref<!tpu.dma_semaphore, #tpu.memory_space<semaphore_mem>>)
      } else {
      }
    }
    %while3A_84 = arith.constant 1 : i32
    scf.for %while3A_311 = %while3A_82 to %while3A_78 step %while3A_84  : i32 {
      %and3A_312 = arith.constant 7 : i32
      %and3A_313 = arith.andi %while3A_311, %and3A_312 : i32
      %dma_wait3A = arith.constant 0 : i32
      %dma_wait3A_314 = arith.constant 0 : i32
      %dma_wait3A_315 = tpu.memref_slice %arg9[%and3A_313, %dma_wait3A, %dma_wait3A_314] : memref<8x256x32xbf16, #tpu.memory_space<vmem>> -> memref<1x256x32xbf16, #tpu.memory_space<vmem>>
      %dma_wait3A_316 = tpu.memref_squeeze %dma_wait3A_315 : memref<1x256x32xbf16, #tpu.memory_space<vmem>> -> memref<256x32xbf16, #tpu.memory_space<vmem>>
      %dma_wait3A_317 = arith.constant 0 : i32
      %dma_wait3A_318 = tpu.memref_slice %arg6[%while3A_311, %dma_wait3A_317] : memref<100x256xi32, #tpu.memory_space<vmem>> -> memref<1x256xi32, #tpu.memory_space<vmem>>
      %dma_wait3A_319 = tpu.memref_squeeze %dma_wait3A_318 : memref<1x256xi32, #tpu.memory_space<vmem>> -> memref<256xi32, #tpu.memory_space<vmem>>
      %dma_wait3A_320 = arith.constant 0 : i32
      %dma_wait3A_321 = arith.constant 0 : i32
      %dma_wait3A_322 = tpu.memref_slice %arg2[%dma_wait3A_320, %dma_wait3A_321] : memref<200000x32xbf16, #tpu.memory_space<hbm>> -> memref<200000x32xbf16, #tpu.memory_space<hbm>>
      tpu.wait_indirect_dma semaphore(%arg12 : memref<!tpu.dma_semaphore, #tpu.memory_space<semaphore_mem>>) src(%dma_wait3A_322 : memref<200000x32xbf16, #tpu.memory_space<hbm>>) dst(%dma_wait3A_316 : memref<256x32xbf16, #tpu.memory_space<vmem>>)
      %dma_start3A = arith.constant 0 : i32
      %dma_start3A_323 = arith.constant 0 : i32
      %dma_start3A_324 = tpu.memref_slice %arg9[%and3A_313, %dma_start3A, %dma_start3A_323] : memref<8x256x32xbf16, #tpu.memory_space<vmem>> -> memref<1x256x32xbf16, #tpu.memory_space<vmem>>
      %dma_start3A_325 = tpu.memref_squeeze %dma_start3A_324 : memref<1x256x32xbf16, #tpu.memory_space<vmem>> -> memref<256x32xbf16, #tpu.memory_space<vmem>>
      %dma_start3A_326 = arith.constant 0 : i32
      %dma_start3A_327 = tpu.memref_slice %arg7[%while3A_311, %dma_start3A_326] : memref<100x256xi32, #tpu.memory_space<vmem>> -> memref<1x256xi32, #tpu.memory_space<vmem>>
      %dma_start3A_328 = tpu.memref_squeeze %dma_start3A_327 : memref<1x256xi32, #tpu.memory_space<vmem>> -> memref<256xi32, #tpu.memory_space<vmem>>
      %dma_start3A_329 = arith.constant 0 : i32
      %dma_start3A_330 = arith.constant 0 : i32
      %dma_start3A_331 = tpu.memref_slice %arg11[%dma_start3A_329, %dma_start3A_330] : memref<16776x32xbf16, #tpu.memory_space<vmem_shared>> -> memref<16776x32xbf16, #tpu.memory_space<vmem_shared>>
      tpu.enqueue_indirect_dma source(%dma_start3A_325 : memref<256x32xbf16, #tpu.memory_space<vmem>>) target(%dma_start3A_331 : memref<16776x32xbf16, #tpu.memory_space<vmem_shared>>) offsets(%dma_start3A_328 : memref<256xi32, #tpu.memory_space<vmem>>) semaphore(%arg13 : memref<!tpu.dma_semaphore, #tpu.memory_space<semaphore_mem>>) {add = true}
      %add3A_332 = arith.constant 8 : i32
      %add3A_333 = arith.addi %while3A_311, %add3A_332 : i32
      %sub3A_334 = arith.constant 1 : i32
      %sub3A_335 = arith.subi %add3A_333, %sub3A_334 : i32
      %lt3A = arith.cmpi slt, %sub3A_335, %select_n3A_63 : i32
      %convert_element_type3A = arith.extui %lt3A : i1 to i32
      %cond3A = arith.constant 0 : i32
      %cond3A_336 = arith.cmpi ne, %convert_element_type3A, %cond3A : i32
      scf.if %cond3A_336 {
        %gt3A = arith.cmpi sgt, %while3A_311, %select_n3A : i32
        %convert_element_type3A_337 = arith.extui %gt3A : i1 to i32
        %cond3A_338 = arith.constant 0 : i32
        %cond3A_339 = arith.cmpi ne, %convert_element_type3A_337, %cond3A_338 : i32
        scf.if %cond3A_339 {
          %sub3A_360 = arith.constant 1 : i32
          %sub3A_361 = arith.subi %while3A_311, %sub3A_360 : i32
          %sub3A_362 = arith.constant 1 : i32
          %sub3A_363 = arith.subi %while3A_311, %sub3A_362 : i32
          %and3A_364 = arith.constant 7 : i32
          %and3A_365 = arith.andi %sub3A_363, %and3A_364 : i32
          %dma_wait3A_366 = arith.constant 0 : i32
          %dma_wait3A_367 = arith.constant 0 : i32
          %dma_wait3A_368 = tpu.memref_slice %arg9[%and3A_365, %dma_wait3A_366, %dma_wait3A_367] : memref<8x256x32xbf16, #tpu.memory_space<vmem>> -> memref<1x256x32xbf16, #tpu.memory_space<vmem>>
          %dma_wait3A_369 = tpu.memref_squeeze %dma_wait3A_368 : memref<1x256x32xbf16, #tpu.memory_space<vmem>> -> memref<256x32xbf16, #tpu.memory_space<vmem>>
          %dma_wait3A_370 = arith.constant 0 : i32
          %dma_wait3A_371 = tpu.memref_slice %arg7[%sub3A_361, %dma_wait3A_370] : memref<100x256xi32, #tpu.memory_space<vmem>> -> memref<1x256xi32, #tpu.memory_space<vmem>>
          %dma_wait3A_372 = tpu.memref_squeeze %dma_wait3A_371 : memref<1x256xi32, #tpu.memory_space<vmem>> -> memref<256xi32, #tpu.memory_space<vmem>>
          %dma_wait3A_373 = arith.constant 0 : i32
          %dma_wait3A_374 = arith.constant 0 : i32
          %dma_wait3A_375 = tpu.memref_slice %arg11[%dma_wait3A_373, %dma_wait3A_374] : memref<16776x32xbf16, #tpu.memory_space<vmem_shared>> -> memref<16776x32xbf16, #tpu.memory_space<vmem_shared>>
          tpu.wait_indirect_dma semaphore(%arg13 : memref<!tpu.dma_semaphore, #tpu.memory_space<semaphore_mem>>) src(%dma_wait3A_369 : memref<256x32xbf16, #tpu.memory_space<vmem>>) dst(%dma_wait3A_375 : memref<16776x32xbf16, #tpu.memory_space<vmem_shared>>)
        } else {
        }
        %add3A_340 = arith.constant 8 : i32
        %add3A_341 = arith.addi %while3A_311, %add3A_340 : i32
        %sub3A_342 = arith.constant 1 : i32
        %sub3A_343 = arith.subi %add3A_341, %sub3A_342 : i32
        %add3A_344 = arith.constant 8 : i32
        %add3A_345 = arith.addi %while3A_311, %add3A_344 : i32
        %sub3A_346 = arith.constant 1 : i32
        %sub3A_347 = arith.subi %add3A_345, %sub3A_346 : i32
        %and3A_348 = arith.constant 7 : i32
        %and3A_349 = arith.andi %sub3A_347, %and3A_348 : i32
        %dma_start3A_350 = arith.constant 0 : i32
        %dma_start3A_351 = arith.constant 0 : i32
        %dma_start3A_352 = tpu.memref_slice %arg9[%and3A_349, %dma_start3A_350, %dma_start3A_351] : memref<8x256x32xbf16, #tpu.memory_space<vmem>> -> memref<1x256x32xbf16, #tpu.memory_space<vmem>>
        %dma_start3A_353 = tpu.memref_squeeze %dma_start3A_352 : memref<1x256x32xbf16, #tpu.memory_space<vmem>> -> memref<256x32xbf16, #tpu.memory_space<vmem>>
        %dma_start3A_354 = arith.constant 0 : i32
        %dma_start3A_355 = tpu.memref_slice %arg6[%sub3A_343, %dma_start3A_354] : memref<100x256xi32, #tpu.memory_space<vmem>> -> memref<1x256xi32, #tpu.memory_space<vmem>>
        %dma_start3A_356 = tpu.memref_squeeze %dma_start3A_355 : memref<1x256xi32, #tpu.memory_space<vmem>> -> memref<256xi32, #tpu.memory_space<vmem>>
        %dma_start3A_357 = arith.constant 0 : i32
        %dma_start3A_358 = arith.constant 0 : i32
        %dma_start3A_359 = tpu.memref_slice %arg2[%dma_start3A_357, %dma_start3A_358] : memref<200000x32xbf16, #tpu.memory_space<hbm>> -> memref<200000x32xbf16, #tpu.memory_space<hbm>>
        tpu.enqueue_indirect_dma source(%dma_start3A_359 : memref<200000x32xbf16, #tpu.memory_space<hbm>>) target(%dma_start3A_353 : memref<256x32xbf16, #tpu.memory_space<vmem>>) offsets(%dma_start3A_356 : memref<256xi32, #tpu.memory_space<vmem>>) semaphore(%arg12 : memref<!tpu.dma_semaphore, #tpu.memory_space<semaphore_mem>>)
      } else {
      }
    }
    %sub3A_85 = arith.constant 8 : i32
    %sub3A_86 = arith.subi %select_n3A_63, %sub3A_85 : i32
    %max3A = arith.maxsi %select_n3A, %sub3A_86 : i32
    %while3A_87 = arith.constant 0 : i32
    %while3A_88 = arith.subi %select_n3A_63, %max3A : i32
    %while3A_89 = arith.addi %max3A, %while3A_88 : i32
    %while3A_90 = arith.constant 1 : i32
    %while3A_91 = arith.divsi %while3A_88, %while3A_90 : i32
    %while3A_92 = arith.muli %while3A_91, %while3A_90 : i32
    %while3A_93 = arith.addi %max3A, %while3A_92 : i32
    %while3A_94 = arith.constant 1 : i32
    scf.for %while3A_311 = %max3A to %while3A_93 step %while3A_94  : i32 {
      %and3A_312 = arith.constant 7 : i32
      %and3A_313 = arith.andi %while3A_311, %and3A_312 : i32
      %dma_wait3A = arith.constant 0 : i32
      %dma_wait3A_314 = arith.constant 0 : i32
      %dma_wait3A_315 = tpu.memref_slice %arg9[%and3A_313, %dma_wait3A, %dma_wait3A_314] : memref<8x256x32xbf16, #tpu.memory_space<vmem>> -> memref<1x256x32xbf16, #tpu.memory_space<vmem>>
      %dma_wait3A_316 = tpu.memref_squeeze %dma_wait3A_315 : memref<1x256x32xbf16, #tpu.memory_space<vmem>> -> memref<256x32xbf16, #tpu.memory_space<vmem>>
      %dma_wait3A_317 = arith.constant 0 : i32
      %dma_wait3A_318 = tpu.memref_slice %arg7[%while3A_311, %dma_wait3A_317] : memref<100x256xi32, #tpu.memory_space<vmem>> -> memref<1x256xi32, #tpu.memory_space<vmem>>
      %dma_wait3A_319 = tpu.memref_squeeze %dma_wait3A_318 : memref<1x256xi32, #tpu.memory_space<vmem>> -> memref<256xi32, #tpu.memory_space<vmem>>
      %dma_wait3A_320 = arith.constant 0 : i32
      %dma_wait3A_321 = arith.constant 0 : i32
      %dma_wait3A_322 = tpu.memref_slice %arg11[%dma_wait3A_320, %dma_wait3A_321] : memref<16776x32xbf16, #tpu.memory_space<vmem_shared>> -> memref<16776x32xbf16, #tpu.memory_space<vmem_shared>>
      tpu.wait_indirect_dma semaphore(%arg13 : memref<!tpu.dma_semaphore, #tpu.memory_space<semaphore_mem>>) src(%dma_wait3A_316 : memref<256x32xbf16, #tpu.memory_space<vmem>>) dst(%dma_wait3A_322 : memref<16776x32xbf16, #tpu.memory_space<vmem_shared>>)
    }
    %while3A_95 = arith.constant 1 : i32
    scf.for %while3A_311 = %while3A_93 to %while3A_89 step %while3A_95  : i32 {
      %and3A_312 = arith.constant 7 : i32
      %and3A_313 = arith.andi %while3A_311, %and3A_312 : i32
      %dma_wait3A = arith.constant 0 : i32
      %dma_wait3A_314 = arith.constant 0 : i32
      %dma_wait3A_315 = tpu.memref_slice %arg9[%and3A_313, %dma_wait3A, %dma_wait3A_314] : memref<8x256x32xbf16, #tpu.memory_space<vmem>> -> memref<1x256x32xbf16, #tpu.memory_space<vmem>>
      %dma_wait3A_316 = tpu.memref_squeeze %dma_wait3A_315 : memref<1x256x32xbf16, #tpu.memory_space<vmem>> -> memref<256x32xbf16, #tpu.memory_space<vmem>>
      %dma_wait3A_317 = arith.constant 0 : i32
      %dma_wait3A_318 = tpu.memref_slice %arg7[%while3A_311, %dma_wait3A_317] : memref<100x256xi32, #tpu.memory_space<vmem>> -> memref<1x256xi32, #tpu.memory_space<vmem>>
      %dma_wait3A_319 = tpu.memref_squeeze %dma_wait3A_318 : memref<1x256xi32, #tpu.memory_space<vmem>> -> memref<256xi32, #tpu.memory_space<vmem>>
      %dma_wait3A_320 = arith.constant 0 : i32
      %dma_wait3A_321 = arith.constant 0 : i32
      %dma_wait3A_322 = tpu.memref_slice %arg11[%dma_wait3A_320, %dma_wait3A_321] : memref<16776x32xbf16, #tpu.memory_space<vmem_shared>> -> memref<16776x32xbf16, #tpu.memory_space<vmem_shared>>
      tpu.wait_indirect_dma semaphore(%arg13 : memref<!tpu.dma_semaphore, #tpu.memory_space<semaphore_mem>>) src(%dma_wait3A_316 : memref<256x32xbf16, #tpu.memory_space<vmem>>) dst(%dma_wait3A_322 : memref<16776x32xbf16, #tpu.memory_space<vmem_shared>>)
    }
    %barrier3A_96 = arith.constant 0 : index
    tpu.barrier barrier_id(%barrier3A_96)
    %add3A_97 = arith.constant 0 : i32
    %add3A_98 = arith.addi %add3A_97, %mul3A_2 : i32
    "tpu.region"() ({
      %run_scoped3A_311 = tpu.sem_alloc : memref<!tpu.dma_semaphore, #tpu.memory_space<semaphore_mem>>
      %dma_start3A = arith.constant 0 : i32
      %dma_start3A_312 = tpu.memref_slice %arg5[%arg0, %add3A_98, %dma_start3A] : memref<2x50304x32xbf16, #tpu.memory_space<hbm>> -> memref<1x1048x32xbf16, #tpu.memory_space<hbm>>
      %dma_start3A_313 = tpu.memref_squeeze %dma_start3A_312 : memref<1x1048x32xbf16, #tpu.memory_space<hbm>> -> memref<1048x32xbf16, #tpu.memory_space<hbm>>
      %dma_start3A_314 = arith.constant 0 : i32
      %dma_start3A_315 = tpu.memref_slice %arg11[%mul3A_2, %dma_start3A_314] : memref<16776x32xbf16, #tpu.memory_space<vmem_shared>> -> memref<1048x32xbf16, #tpu.memory_space<vmem_shared>>
      tpu.enqueue_dma source(%dma_start3A_315 : memref<1048x32xbf16, #tpu.memory_space<vmem_shared>>) target(%dma_start3A_313 : memref<1048x32xbf16, #tpu.memory_space<hbm>>) target_semaphore(%run_scoped3A_311 : memref<!tpu.dma_semaphore, #tpu.memory_space<semaphore_mem>>)
      %dma_wait3A = arith.constant 0 : i32
      %dma_wait3A_316 = tpu.memref_slice %arg5[%arg0, %add3A_98, %dma_wait3A] : memref<2x50304x32xbf16, #tpu.memory_space<hbm>> -> memref<1x1048x32xbf16, #tpu.memory_space<hbm>>
      %dma_wait3A_317 = tpu.memref_squeeze %dma_wait3A_316 : memref<1x1048x32xbf16, #tpu.memory_space<hbm>> -> memref<1048x32xbf16, #tpu.memory_space<hbm>>
      %dma_wait3A_318 = arith.constant 0 : i32
      %dma_wait3A_319 = tpu.memref_slice %arg11[%mul3A_2, %dma_wait3A_318] : memref<16776x32xbf16, #tpu.memory_space<vmem_shared>> -> memref<1048x32xbf16, #tpu.memory_space<vmem_shared>>
      tpu.wait_dma2 semaphore(%run_scoped3A_311 : memref<!tpu.dma_semaphore, #tpu.memory_space<semaphore_mem>>) src(%dma_wait3A_319 : memref<1048x32xbf16, #tpu.memory_space<vmem_shared>>) dst(%dma_wait3A_317 : memref<1048x32xbf16, #tpu.memory_space<hbm>>)
      tpu.yield
    }) : () -> ()
    "tpu.region"() ({
      %run_scoped3A_311 = tpu.sem_alloc : memref<!tpu.dma_semaphore, #tpu.memory_space<semaphore_mem>>
      %dma_start3A = arith.constant 0 : i32
      %dma_start3A_312 = tpu.memref_slice %arg11[%mul3A_2, %dma_start3A] : memref<16776x32xbf16, #tpu.memory_space<vmem_shared>> -> memref<1048x32xbf16, #tpu.memory_space<vmem_shared>>
      %dma_start3A_313 = arith.constant 0 : i32
      %dma_start3A_314 = tpu.memref_slice %arg11[%mul3A_2, %dma_start3A_313] : memref<16776x32xbf16, #tpu.memory_space<vmem_shared>> -> memref<1048x32xbf16, #tpu.memory_space<vmem_shared>>
      tpu.enqueue_dma source(%arg10 : memref<1048x32xbf16, #tpu.memory_space<vmem>>) target(%dma_start3A_314 : memref<1048x32xbf16, #tpu.memory_space<vmem_shared>>) target_semaphore(%run_scoped3A_311 : memref<!tpu.dma_semaphore, #tpu.memory_space<semaphore_mem>>)
      %dma_wait3A = arith.constant 0 : i32
      %dma_wait3A_315 = tpu.memref_slice %arg11[%mul3A_2, %dma_wait3A] : memref<16776x32xbf16, #tpu.memory_space<vmem_shared>> -> memref<1048x32xbf16, #tpu.memory_space<vmem_shared>>
      %dma_wait3A_316 = arith.constant 0 : i32
      %dma_wait3A_317 = tpu.memref_slice %arg11[%mul3A_2, %dma_wait3A_316] : memref<16776x32xbf16, #tpu.memory_space<vmem_shared>> -> memref<1048x32xbf16, #tpu.memory_space<vmem_shared>>
      tpu.wait_dma2 semaphore(%run_scoped3A_311 : memref<!tpu.dma_semaphore, #tpu.memory_space<semaphore_mem>>) src(%arg10 : memref<1048x32xbf16, #tpu.memory_space<vmem>>) dst(%dma_wait3A_317 : memref<1048x32xbf16, #tpu.memory_space<vmem_shared>>)
      tpu.yield
    }) : () -> ()
    %barrier3A_99 = arith.constant 0 : index
    tpu.barrier barrier_id(%barrier3A_99)
    %run_scoped3A_100 = arith.constant 2 : i32
    "tpu.region"() ({
      %run_scoped3A_311 = tpu.sem_alloc : memref<!tpu.dma_semaphore, #tpu.memory_space<semaphore_mem>>
      %dma_start3A = arith.constant 0 : i32
      %dma_start3A_312 = arith.constant 0 : i32
      %dma_start3A_313 = tpu.memref_slice %arg3[%run_scoped3A_100, %add3A, %dma_start3A, %dma_start3A_312] : memref<4x32x100x256xi32, #tpu.memory_space<hbm>> -> memref<1x1x100x256xi32, #tpu.memory_space<hbm>>
      %dma_start3A_314 = tpu.memref_squeeze %dma_start3A_313 : memref<1x1x100x256xi32, #tpu.memory_space<hbm>> -> memref<100x256xi32, #tpu.memory_space<hbm>>
      %dma_start3A_315 = arith.constant 0 : i32
      %dma_start3A_316 = arith.constant 0 : i32
      %dma_start3A_317 = tpu.memref_slice %arg3[%run_scoped3A_100, %add3A, %dma_start3A_315, %dma_start3A_316] : memref<4x32x100x256xi32, #tpu.memory_space<hbm>> -> memref<1x1x100x256xi32, #tpu.memory_space<hbm>>
      %dma_start3A_318 = tpu.memref_squeeze %dma_start3A_317 : memref<1x1x100x256xi32, #tpu.memory_space<hbm>> -> memref<100x256xi32, #tpu.memory_space<hbm>>
      tpu.enqueue_dma source(%dma_start3A_318 : memref<100x256xi32, #tpu.memory_space<hbm>>) target(%arg7 : memref<100x256xi32, #tpu.memory_space<vmem>>) target_semaphore(%run_scoped3A_311 : memref<!tpu.dma_semaphore, #tpu.memory_space<semaphore_mem>>)
      %dma_wait3A = arith.constant 0 : i32
      %dma_wait3A_319 = arith.constant 0 : i32
      %dma_wait3A_320 = tpu.memref_slice %arg3[%run_scoped3A_100, %add3A, %dma_wait3A, %dma_wait3A_319] : memref<4x32x100x256xi32, #tpu.memory_space<hbm>> -> memref<1x1x100x256xi32, #tpu.memory_space<hbm>>
      %dma_wait3A_321 = tpu.memref_squeeze %dma_wait3A_320 : memref<1x1x100x256xi32, #tpu.memory_space<hbm>> -> memref<100x256xi32, #tpu.memory_space<hbm>>
      %dma_wait3A_322 = arith.constant 0 : i32
      %dma_wait3A_323 = arith.constant 0 : i32
      %dma_wait3A_324 = tpu.memref_slice %arg3[%run_scoped3A_100, %add3A, %dma_wait3A_322, %dma_wait3A_323] : memref<4x32x100x256xi32, #tpu.memory_space<hbm>> -> memref<1x1x100x256xi32, #tpu.memory_space<hbm>>
      %dma_wait3A_325 = tpu.memref_squeeze %dma_wait3A_324 : memref<1x1x100x256xi32, #tpu.memory_space<hbm>> -> memref<100x256xi32, #tpu.memory_space<hbm>>
      tpu.wait_dma2 semaphore(%run_scoped3A_311 : memref<!tpu.dma_semaphore, #tpu.memory_space<semaphore_mem>>) src(%dma_wait3A_325 : memref<100x256xi32, #tpu.memory_space<hbm>>) dst(%arg7 : memref<100x256xi32, #tpu.memory_space<vmem>>)
      tpu.yield
    }) : () -> ()
    %get3A_101 = arith.constant 1 : i32
    %get3A_102 = arith.index_cast %get3A_101 : i32 to index
    %get3A_103 = arith.constant 0 : index
    %get3A_104 = tpu.vector_load %arg8[%get3A_102, %get3A_103] {strides = array<i32>} : memref<4x16xi32, #tpu.memory_space<vmem>>, vector<1x16xi32>,
    %get3A_105 = vector.shape_cast %get3A_104 : vector<1x16xi32> to vector<16xi32>
    %slice3A_106 = vector.extract_strided_slice %get3A_105 {offsets = [0], sizes = [1], strides = [1]} : vector<16xi32> to vector<1xi32>
    %squeeze3A_107 = vector.extract %slice3A_106[0] : i32 from vector<1xi32>
    %get3A_108 = arith.constant 2 : i32
    %get3A_109 = arith.index_cast %get3A_108 : i32 to index
    %get3A_110 = arith.constant 0 : index
    %get3A_111 = tpu.vector_load %arg8[%get3A_109, %get3A_110] {strides = array<i32>} : memref<4x16xi32, #tpu.memory_space<vmem>>, vector<1x16xi32>,
    %get3A_112 = vector.shape_cast %get3A_111 : vector<1x16xi32> to vector<16xi32>
    %slice3A_113 = vector.extract_strided_slice %get3A_112 {offsets = [0], sizes = [1], strides = [1]} : vector<16xi32> to vector<1xi32>
    %squeeze3A_114 = vector.extract %slice3A_113[0] : i32 from vector<1xi32>
    %jit3A_115 = arith.constant 256 : i32
    %div3A_116 = arith.divsi %squeeze3A_107, %jit3A_115 : i32
    %sign3A_117 = arith.constant 0 : i32
    %sign3A_118 = arith.cmpi sgt, %squeeze3A_107, %sign3A_117 : i32
    %sign3A_119 = arith.extui %sign3A_118 : i1 to i32
    %sign3A_120 = arith.constant 0 : i32
    %sign3A_121 = arith.cmpi slt, %squeeze3A_107, %sign3A_120 : i32
    %sign3A_122 = arith.extui %sign3A_121 : i1 to i32
    %sign3A_123 = arith.subi %sign3A_119, %sign3A_122 : i32
    %sign3A_124 = arith.constant 0 : i32
    %sign3A_125 = arith.cmpi sgt, %jit3A_115, %sign3A_124 : i32
    %sign3A_126 = arith.extui %sign3A_125 : i1 to i32
    %sign3A_127 = arith.constant 0 : i32
    %sign3A_128 = arith.cmpi slt, %jit3A_115, %sign3A_127 : i32
    %sign3A_129 = arith.extui %sign3A_128 : i1 to i32
    %sign3A_130 = arith.subi %sign3A_126, %sign3A_129 : i32
    %ne3A_131 = arith.cmpi ne, %sign3A_123, %sign3A_130 : i32
    %rem3A_132 = arith.remsi %squeeze3A_107, %jit3A_115 : i32
    %ne3A_133 = arith.constant 0 : i32
    %ne3A_134 = arith.cmpi ne, %rem3A_132, %ne3A_133 : i32
    %and3A_135 = arith.andi %ne3A_131, %ne3A_134 : i1
    %sub3A_136 = arith.constant 1 : i32
    %sub3A_137 = arith.subi %div3A_116, %sub3A_136 : i32
    %select_n3A_138 = arith.select %and3A_135, %sub3A_137, %div3A_116 : i32
    %add3A_139 = arith.constant 256 : i32
    %add3A_140 = arith.addi %squeeze3A_114, %add3A_139 : i32
    %sub3A_141 = arith.constant 1 : i32
    %sub3A_142 = arith.subi %add3A_140, %sub3A_141 : i32
    %jit3A_143 = arith.constant 256 : i32
    %div3A_144 = arith.divsi %sub3A_142, %jit3A_143 : i32
    %sign3A_145 = arith.constant 0 : i32
    %sign3A_146 = arith.cmpi sgt, %sub3A_142, %sign3A_145 : i32
    %sign3A_147 = arith.extui %sign3A_146 : i1 to i32
    %sign3A_148 = arith.constant 0 : i32
    %sign3A_149 = arith.cmpi slt, %sub3A_142, %sign3A_148 : i32
    %sign3A_150 = arith.extui %sign3A_149 : i1 to i32
    %sign3A_151 = arith.subi %sign3A_147, %sign3A_150 : i32
    %sign3A_152 = arith.constant 0 : i32
    %sign3A_153 = arith.cmpi sgt, %jit3A_143, %sign3A_152 : i32
    %sign3A_154 = arith.extui %sign3A_153 : i1 to i32
    %sign3A_155 = arith.constant 0 : i32
    %sign3A_156 = arith.cmpi slt, %jit3A_143, %sign3A_155 : i32
    %sign3A_157 = arith.extui %sign3A_156 : i1 to i32
    %sign3A_158 = arith.subi %sign3A_154, %sign3A_157 : i32
    %ne3A_159 = arith.cmpi ne, %sign3A_151, %sign3A_158 : i32
    %rem3A_160 = arith.remsi %sub3A_142, %jit3A_143 : i32
    %ne3A_161 = arith.constant 0 : i32
    %ne3A_162 = arith.cmpi ne, %rem3A_160, %ne3A_161 : i32
    %and3A_163 = arith.andi %ne3A_159, %ne3A_162 : i1
    %sub3A_164 = arith.constant 1 : i32
    %sub3A_165 = arith.subi %div3A_144, %sub3A_164 : i32
    %select_n3A_166 = arith.select %and3A_163, %sub3A_165, %div3A_144 : i32
    %add3A_167 = arith.constant 8 : i32
    %add3A_168 = arith.addi %select_n3A_138, %add3A_167 : i32
    %sub3A_169 = arith.constant 1 : i32
    %sub3A_170 = arith.subi %add3A_168, %sub3A_169 : i32
    %min3A_171 = arith.minsi %sub3A_170, %select_n3A_166 : i32
    %while3A_172 = arith.constant 0 : i32
    %while3A_173 = arith.subi %min3A_171, %select_n3A_138 : i32
    %while3A_174 = arith.addi %select_n3A_138, %while3A_173 : i32
    %while3A_175 = arith.constant 1 : i32
    %while3A_176 = arith.divsi %while3A_173, %while3A_175 : i32
    %while3A_177 = arith.muli %while3A_176, %while3A_175 : i32
    %while3A_178 = arith.addi %select_n3A_138, %while3A_177 : i32
    %while3A_179 = arith.constant 1 : i32
    scf.for %while3A_311 = %select_n3A_138 to %while3A_178 step %while3A_179  : i32 {
      %and3A_312 = arith.constant 7 : i32
      %and3A_313 = arith.andi %while3A_311, %and3A_312 : i32
      %dma_start3A = arith.constant 0 : i32
      %dma_start3A_314 = arith.constant 0 : i32
      %dma_start3A_315 = tpu.memref_slice %arg9[%and3A_313, %dma_start3A, %dma_start3A_314] : memref<8x256x32xbf16, #tpu.memory_space<vmem>> -> memref<1x256x32xbf16, #tpu.memory_space<vmem>>
      %dma_start3A_316 = tpu.memref_squeeze %dma_start3A_315 : memref<1x256x32xbf16, #tpu.memory_space<vmem>> -> memref<256x32xbf16, #tpu.memory_space<vmem>>
      %dma_start3A_317 = arith.constant 0 : i32
      %dma_start3A_318 = tpu.memref_slice %arg6[%while3A_311, %dma_start3A_317] : memref<100x256xi32, #tpu.memory_space<vmem>> -> memref<1x256xi32, #tpu.memory_space<vmem>>
      %dma_start3A_319 = tpu.memref_squeeze %dma_start3A_318 : memref<1x256xi32, #tpu.memory_space<vmem>> -> memref<256xi32, #tpu.memory_space<vmem>>
      %dma_start3A_320 = arith.constant 0 : i32
      %dma_start3A_321 = arith.constant 0 : i32
      %dma_start3A_322 = tpu.memref_slice %arg2[%dma_start3A_320, %dma_start3A_321] : memref<200000x32xbf16, #tpu.memory_space<hbm>> -> memref<200000x32xbf16, #tpu.memory_space<hbm>>
      tpu.enqueue_indirect_dma source(%dma_start3A_322 : memref<200000x32xbf16, #tpu.memory_space<hbm>>) target(%dma_start3A_316 : memref<256x32xbf16, #tpu.memory_space<vmem>>) offsets(%dma_start3A_319 : memref<256xi32, #tpu.memory_space<vmem>>) semaphore(%arg12 : memref<!tpu.dma_semaphore, #tpu.memory_space<semaphore_mem>>)
    }
    %while3A_180 = arith.constant 1 : i32
    scf.for %while3A_311 = %while3A_178 to %while3A_174 step %while3A_180  : i32 {
      %and3A_312 = arith.constant 7 : i32
      %and3A_313 = arith.andi %while3A_311, %and3A_312 : i32
      %dma_start3A = arith.constant 0 : i32
      %dma_start3A_314 = arith.constant 0 : i32
      %dma_start3A_315 = tpu.memref_slice %arg9[%and3A_313, %dma_start3A, %dma_start3A_314] : memref<8x256x32xbf16, #tpu.memory_space<vmem>> -> memref<1x256x32xbf16, #tpu.memory_space<vmem>>
      %dma_start3A_316 = tpu.memref_squeeze %dma_start3A_315 : memref<1x256x32xbf16, #tpu.memory_space<vmem>> -> memref<256x32xbf16, #tpu.memory_space<vmem>>
      %dma_start3A_317 = arith.constant 0 : i32
      %dma_start3A_318 = tpu.memref_slice %arg6[%while3A_311, %dma_start3A_317] : memref<100x256xi32, #tpu.memory_space<vmem>> -> memref<1x256xi32, #tpu.memory_space<vmem>>
      %dma_start3A_319 = tpu.memref_squeeze %dma_start3A_318 : memref<1x256xi32, #tpu.memory_space<vmem>> -> memref<256xi32, #tpu.memory_space<vmem>>
      %dma_start3A_320 = arith.constant 0 : i32
      %dma_start3A_321 = arith.constant 0 : i32
      %dma_start3A_322 = tpu.memref_slice %arg2[%dma_start3A_320, %dma_start3A_321] : memref<200000x32xbf16, #tpu.memory_space<hbm>> -> memref<200000x32xbf16, #tpu.memory_space<hbm>>
      tpu.enqueue_indirect_dma source(%dma_start3A_322 : memref<200000x32xbf16, #tpu.memory_space<hbm>>) target(%dma_start3A_316 : memref<256x32xbf16, #tpu.memory_space<vmem>>) offsets(%dma_start3A_319 : memref<256xi32, #tpu.memory_space<vmem>>) semaphore(%arg12 : memref<!tpu.dma_semaphore, #tpu.memory_space<semaphore_mem>>)
    }
    %while3A_181 = arith.constant 0 : i32
    %while3A_182 = arith.subi %select_n3A_166, %select_n3A_138 : i32
    %while3A_183 = arith.addi %select_n3A_138, %while3A_182 : i32
    %while3A_184 = arith.constant 1 : i32
    %while3A_185 = arith.divsi %while3A_182, %while3A_184 : i32
    %while3A_186 = arith.muli %while3A_185, %while3A_184 : i32
    %while3A_187 = arith.addi %select_n3A_138, %while3A_186 : i32
    %while3A_188 = arith.constant 1 : i32
    scf.for %while3A_311 = %select_n3A_138 to %while3A_187 step %while3A_188  : i32 {
      %and3A_312 = arith.constant 7 : i32
      %and3A_313 = arith.andi %while3A_311, %and3A_312 : i32
      %dma_wait3A = arith.constant 0 : i32
      %dma_wait3A_314 = arith.constant 0 : i32
      %dma_wait3A_315 = tpu.memref_slice %arg9[%and3A_313, %dma_wait3A, %dma_wait3A_314] : memref<8x256x32xbf16, #tpu.memory_space<vmem>> -> memref<1x256x32xbf16, #tpu.memory_space<vmem>>
      %dma_wait3A_316 = tpu.memref_squeeze %dma_wait3A_315 : memref<1x256x32xbf16, #tpu.memory_space<vmem>> -> memref<256x32xbf16, #tpu.memory_space<vmem>>
      %dma_wait3A_317 = arith.constant 0 : i32
      %dma_wait3A_318 = tpu.memref_slice %arg6[%while3A_311, %dma_wait3A_317] : memref<100x256xi32, #tpu.memory_space<vmem>> -> memref<1x256xi32, #tpu.memory_space<vmem>>
      %dma_wait3A_319 = tpu.memref_squeeze %dma_wait3A_318 : memref<1x256xi32, #tpu.memory_space<vmem>> -> memref<256xi32, #tpu.memory_space<vmem>>
      %dma_wait3A_320 = arith.constant 0 : i32
      %dma_wait3A_321 = arith.constant 0 : i32
      %dma_wait3A_322 = tpu.memref_slice %arg2[%dma_wait3A_320, %dma_wait3A_321] : memref<200000x32xbf16, #tpu.memory_space<hbm>> -> memref<200000x32xbf16, #tpu.memory_space<hbm>>
      tpu.wait_indirect_dma semaphore(%arg12 : memref<!tpu.dma_semaphore, #tpu.memory_space<semaphore_mem>>) src(%dma_wait3A_322 : memref<200000x32xbf16, #tpu.memory_space<hbm>>) dst(%dma_wait3A_316 : memref<256x32xbf16, #tpu.memory_space<vmem>>)
      %dma_start3A = arith.constant 0 : i32
      %dma_start3A_323 = arith.constant 0 : i32
      %dma_start3A_324 = tpu.memref_slice %arg9[%and3A_313, %dma_start3A, %dma_start3A_323] : memref<8x256x32xbf16, #tpu.memory_space<vmem>> -> memref<1x256x32xbf16, #tpu.memory_space<vmem>>
      %dma_start3A_325 = tpu.memref_squeeze %dma_start3A_324 : memref<1x256x32xbf16, #tpu.memory_space<vmem>> -> memref<256x32xbf16, #tpu.memory_space<vmem>>
      %dma_start3A_326 = arith.constant 0 : i32
      %dma_start3A_327 = tpu.memref_slice %arg7[%while3A_311, %dma_start3A_326] : memref<100x256xi32, #tpu.memory_space<vmem>> -> memref<1x256xi32, #tpu.memory_space<vmem>>
      %dma_start3A_328 = tpu.memref_squeeze %dma_start3A_327 : memref<1x256xi32, #tpu.memory_space<vmem>> -> memref<256xi32, #tpu.memory_space<vmem>>
      %dma_start3A_329 = arith.constant 0 : i32
      %dma_start3A_330 = arith.constant 0 : i32
      %dma_start3A_331 = tpu.memref_slice %arg11[%dma_start3A_329, %dma_start3A_330] : memref<16776x32xbf16, #tpu.memory_space<vmem_shared>> -> memref<16776x32xbf16, #tpu.memory_space<vmem_shared>>
      tpu.enqueue_indirect_dma source(%dma_start3A_325 : memref<256x32xbf16, #tpu.memory_space<vmem>>) target(%dma_start3A_331 : memref<16776x32xbf16, #tpu.memory_space<vmem_shared>>) offsets(%dma_start3A_328 : memref<256xi32, #tpu.memory_space<vmem>>) semaphore(%arg13 : memref<!tpu.dma_semaphore, #tpu.memory_space<semaphore_mem>>) {add = true}
      %add3A_332 = arith.constant 8 : i32
      %add3A_333 = arith.addi %while3A_311, %add3A_332 : i32
      %sub3A_334 = arith.constant 1 : i32
      %sub3A_335 = arith.subi %add3A_333, %sub3A_334 : i32
      %lt3A = arith.cmpi slt, %sub3A_335, %select_n3A_166 : i32
      %convert_element_type3A = arith.extui %lt3A : i1 to i32
      %cond3A = arith.constant 0 : i32
      %cond3A_336 = arith.cmpi ne, %convert_element_type3A, %cond3A : i32
      scf.if %cond3A_336 {
        %gt3A = arith.cmpi sgt, %while3A_311, %select_n3A_138 : i32
        %convert_element_type3A_337 = arith.extui %gt3A : i1 to i32
        %cond3A_338 = arith.constant 0 : i32
        %cond3A_339 = arith.cmpi ne, %convert_element_type3A_337, %cond3A_338 : i32
        scf.if %cond3A_339 {
          %sub3A_360 = arith.constant 1 : i32
          %sub3A_361 = arith.subi %while3A_311, %sub3A_360 : i32
          %sub3A_362 = arith.constant 1 : i32
          %sub3A_363 = arith.subi %while3A_311, %sub3A_362 : i32
          %and3A_364 = arith.constant 7 : i32
          %and3A_365 = arith.andi %sub3A_363, %and3A_364 : i32
          %dma_wait3A_366 = arith.constant 0 : i32
          %dma_wait3A_367 = arith.constant 0 : i32
          %dma_wait3A_368 = tpu.memref_slice %arg9[%and3A_365, %dma_wait3A_366, %dma_wait3A_367] : memref<8x256x32xbf16, #tpu.memory_space<vmem>> -> memref<1x256x32xbf16, #tpu.memory_space<vmem>>
          %dma_wait3A_369 = tpu.memref_squeeze %dma_wait3A_368 : memref<1x256x32xbf16, #tpu.memory_space<vmem>> -> memref<256x32xbf16, #tpu.memory_space<vmem>>
          %dma_wait3A_370 = arith.constant 0 : i32
          %dma_wait3A_371 = tpu.memref_slice %arg7[%sub3A_361, %dma_wait3A_370] : memref<100x256xi32, #tpu.memory_space<vmem>> -> memref<1x256xi32, #tpu.memory_space<vmem>>
          %dma_wait3A_372 = tpu.memref_squeeze %dma_wait3A_371 : memref<1x256xi32, #tpu.memory_space<vmem>> -> memref<256xi32, #tpu.memory_space<vmem>>
          %dma_wait3A_373 = arith.constant 0 : i32
          %dma_wait3A_374 = arith.constant 0 : i32
          %dma_wait3A_375 = tpu.memref_slice %arg11[%dma_wait3A_373, %dma_wait3A_374] : memref<16776x32xbf16, #tpu.memory_space<vmem_shared>> -> memref<16776x32xbf16, #tpu.memory_space<vmem_shared>>
          tpu.wait_indirect_dma semaphore(%arg13 : memref<!tpu.dma_semaphore, #tpu.memory_space<semaphore_mem>>) src(%dma_wait3A_369 : memref<256x32xbf16, #tpu.memory_space<vmem>>) dst(%dma_wait3A_375 : memref<16776x32xbf16, #tpu.memory_space<vmem_shared>>)
        } else {
        }
        %add3A_340 = arith.constant 8 : i32
        %add3A_341 = arith.addi %while3A_311, %add3A_340 : i32
        %sub3A_342 = arith.constant 1 : i32
        %sub3A_343 = arith.subi %add3A_341, %sub3A_342 : i32
        %add3A_344 = arith.constant 8 : i32
        %add3A_345 = arith.addi %while3A_311, %add3A_344 : i32
        %sub3A_346 = arith.constant 1 : i32
        %sub3A_347 = arith.subi %add3A_345, %sub3A_346 : i32
        %and3A_348 = arith.constant 7 : i32
        %and3A_349 = arith.andi %sub3A_347, %and3A_348 : i32
        %dma_start3A_350 = arith.constant 0 : i32
        %dma_start3A_351 = arith.constant 0 : i32
        %dma_start3A_352 = tpu.memref_slice %arg9[%and3A_349, %dma_start3A_350, %dma_start3A_351] : memref<8x256x32xbf16, #tpu.memory_space<vmem>> -> memref<1x256x32xbf16, #tpu.memory_space<vmem>>
        %dma_start3A_353 = tpu.memref_squeeze %dma_start3A_352 : memref<1x256x32xbf16, #tpu.memory_space<vmem>> -> memref<256x32xbf16, #tpu.memory_space<vmem>>
        %dma_start3A_354 = arith.constant 0 : i32
        %dma_start3A_355 = tpu.memref_slice %arg6[%sub3A_343, %dma_start3A_354] : memref<100x256xi32, #tpu.memory_space<vmem>> -> memref<1x256xi32, #tpu.memory_space<vmem>>
        %dma_start3A_356 = tpu.memref_squeeze %dma_start3A_355 : memref<1x256xi32, #tpu.memory_space<vmem>> -> memref<256xi32, #tpu.memory_space<vmem>>
        %dma_start3A_357 = arith.constant 0 : i32
        %dma_start3A_358 = arith.constant 0 : i32
        %dma_start3A_359 = tpu.memref_slice %arg2[%dma_start3A_357, %dma_start3A_358] : memref<200000x32xbf16, #tpu.memory_space<hbm>> -> memref<200000x32xbf16, #tpu.memory_space<hbm>>
        tpu.enqueue_indirect_dma source(%dma_start3A_359 : memref<200000x32xbf16, #tpu.memory_space<hbm>>) target(%dma_start3A_353 : memref<256x32xbf16, #tpu.memory_space<vmem>>) offsets(%dma_start3A_356 : memref<256xi32, #tpu.memory_space<vmem>>) semaphore(%arg12 : memref<!tpu.dma_semaphore, #tpu.memory_space<semaphore_mem>>)
      } else {
      }
    }
    %while3A_189 = arith.constant 1 : i32
    scf.for %while3A_311 = %while3A_187 to %while3A_183 step %while3A_189  : i32 {
      %and3A_312 = arith.constant 7 : i32
      %and3A_313 = arith.andi %while3A_311, %and3A_312 : i32
      %dma_wait3A = arith.constant 0 : i32
      %dma_wait3A_314 = arith.constant 0 : i32
      %dma_wait3A_315 = tpu.memref_slice %arg9[%and3A_313, %dma_wait3A, %dma_wait3A_314] : memref<8x256x32xbf16, #tpu.memory_space<vmem>> -> memref<1x256x32xbf16, #tpu.memory_space<vmem>>
      %dma_wait3A_316 = tpu.memref_squeeze %dma_wait3A_315 : memref<1x256x32xbf16, #tpu.memory_space<vmem>> -> memref<256x32xbf16, #tpu.memory_space<vmem>>
      %dma_wait3A_317 = arith.constant 0 : i32
      %dma_wait3A_318 = tpu.memref_slice %arg6[%while3A_311, %dma_wait3A_317] : memref<100x256xi32, #tpu.memory_space<vmem>> -> memref<1x256xi32, #tpu.memory_space<vmem>>
      %dma_wait3A_319 = tpu.memref_squeeze %dma_wait3A_318 : memref<1x256xi32, #tpu.memory_space<vmem>> -> memref<256xi32, #tpu.memory_space<vmem>>
      %dma_wait3A_320 = arith.constant 0 : i32
      %dma_wait3A_321 = arith.constant 0 : i32
      %dma_wait3A_322 = tpu.memref_slice %arg2[%dma_wait3A_320, %dma_wait3A_321] : memref<200000x32xbf16, #tpu.memory_space<hbm>> -> memref<200000x32xbf16, #tpu.memory_space<hbm>>
      tpu.wait_indirect_dma semaphore(%arg12 : memref<!tpu.dma_semaphore, #tpu.memory_space<semaphore_mem>>) src(%dma_wait3A_322 : memref<200000x32xbf16, #tpu.memory_space<hbm>>) dst(%dma_wait3A_316 : memref<256x32xbf16, #tpu.memory_space<vmem>>)
      %dma_start3A = arith.constant 0 : i32
      %dma_start3A_323 = arith.constant 0 : i32
      %dma_start3A_324 = tpu.memref_slice %arg9[%and3A_313, %dma_start3A, %dma_start3A_323] : memref<8x256x32xbf16, #tpu.memory_space<vmem>> -> memref<1x256x32xbf16, #tpu.memory_space<vmem>>
      %dma_start3A_325 = tpu.memref_squeeze %dma_start3A_324 : memref<1x256x32xbf16, #tpu.memory_space<vmem>> -> memref<256x32xbf16, #tpu.memory_space<vmem>>
      %dma_start3A_326 = arith.constant 0 : i32
      %dma_start3A_327 = tpu.memref_slice %arg7[%while3A_311, %dma_start3A_326] : memref<100x256xi32, #tpu.memory_space<vmem>> -> memref<1x256xi32, #tpu.memory_space<vmem>>
      %dma_start3A_328 = tpu.memref_squeeze %dma_start3A_327 : memref<1x256xi32, #tpu.memory_space<vmem>> -> memref<256xi32, #tpu.memory_space<vmem>>
      %dma_start3A_329 = arith.constant 0 : i32
      %dma_start3A_330 = arith.constant 0 : i32
      %dma_start3A_331 = tpu.memref_slice %arg11[%dma_start3A_329, %dma_start3A_330] : memref<16776x32xbf16, #tpu.memory_space<vmem_shared>> -> memref<16776x32xbf16, #tpu.memory_space<vmem_shared>>
      tpu.enqueue_indirect_dma source(%dma_start3A_325 : memref<256x32xbf16, #tpu.memory_space<vmem>>) target(%dma_start3A_331 : memref<16776x32xbf16, #tpu.memory_space<vmem_shared>>) offsets(%dma_start3A_328 : memref<256xi32, #tpu.memory_space<vmem>>) semaphore(%arg13 : memref<!tpu.dma_semaphore, #tpu.memory_space<semaphore_mem>>) {add = true}
      %add3A_332 = arith.constant 8 : i32
      %add3A_333 = arith.addi %while3A_311, %add3A_332 : i32
      %sub3A_334 = arith.constant 1 : i32
      %sub3A_335 = arith.subi %add3A_333, %sub3A_334 : i32
      %lt3A = arith.cmpi slt, %sub3A_335, %select_n3A_166 : i32
      %convert_element_type3A = arith.extui %lt3A : i1 to i32
      %cond3A = arith.constant 0 : i32
      %cond3A_336 = arith.cmpi ne, %convert_element_type3A, %cond3A : i32
      scf.if %cond3A_336 {
        %gt3A = arith.cmpi sgt, %while3A_311, %select_n3A_138 : i32
        %convert_element_type3A_337 = arith.extui %gt3A : i1 to i32
        %cond3A_338 = arith.constant 0 : i32
        %cond3A_339 = arith.cmpi ne, %convert_element_type3A_337, %cond3A_338 : i32
        scf.if %cond3A_339 {
          %sub3A_360 = arith.constant 1 : i32
          %sub3A_361 = arith.subi %while3A_311, %sub3A_360 : i32
          %sub3A_362 = arith.constant 1 : i32
          %sub3A_363 = arith.subi %while3A_311, %sub3A_362 : i32
          %and3A_364 = arith.constant 7 : i32
          %and3A_365 = arith.andi %sub3A_363, %and3A_364 : i32
          %dma_wait3A_366 = arith.constant 0 : i32
          %dma_wait3A_367 = arith.constant 0 : i32
          %dma_wait3A_368 = tpu.memref_slice %arg9[%and3A_365, %dma_wait3A_366, %dma_wait3A_367] : memref<8x256x32xbf16, #tpu.memory_space<vmem>> -> memref<1x256x32xbf16, #tpu.memory_space<vmem>>
          %dma_wait3A_369 = tpu.memref_squeeze %dma_wait3A_368 : memref<1x256x32xbf16, #tpu.memory_space<vmem>> -> memref<256x32xbf16, #tpu.memory_space<vmem>>
          %dma_wait3A_370 = arith.constant 0 : i32
          %dma_wait3A_371 = tpu.memref_slice %arg7[%sub3A_361, %dma_wait3A_370] : memref<100x256xi32, #tpu.memory_space<vmem>> -> memref<1x256xi32, #tpu.memory_space<vmem>>
          %dma_wait3A_372 = tpu.memref_squeeze %dma_wait3A_371 : memref<1x256xi32, #tpu.memory_space<vmem>> -> memref<256xi32, #tpu.memory_space<vmem>>
          %dma_wait3A_373 = arith.constant 0 : i32
          %dma_wait3A_374 = arith.constant 0 : i32
          %dma_wait3A_375 = tpu.memref_slice %arg11[%dma_wait3A_373, %dma_wait3A_374] : memref<16776x32xbf16, #tpu.memory_space<vmem_shared>> -> memref<16776x32xbf16, #tpu.memory_space<vmem_shared>>
          tpu.wait_indirect_dma semaphore(%arg13 : memref<!tpu.dma_semaphore, #tpu.memory_space<semaphore_mem>>) src(%dma_wait3A_369 : memref<256x32xbf16, #tpu.memory_space<vmem>>) dst(%dma_wait3A_375 : memref<16776x32xbf16, #tpu.memory_space<vmem_shared>>)
        } else {
        }
        %add3A_340 = arith.constant 8 : i32
        %add3A_341 = arith.addi %while3A_311, %add3A_340 : i32
        %sub3A_342 = arith.constant 1 : i32
        %sub3A_343 = arith.subi %add3A_341, %sub3A_342 : i32
        %add3A_344 = arith.constant 8 : i32
        %add3A_345 = arith.addi %while3A_311, %add3A_344 : i32
        %sub3A_346 = arith.constant 1 : i32
        %sub3A_347 = arith.subi %add3A_345, %sub3A_346 : i32
        %and3A_348 = arith.constant 7 : i32
        %and3A_349 = arith.andi %sub3A_347, %and3A_348 : i32
        %dma_start3A_350 = arith.constant 0 : i32
        %dma_start3A_351 = arith.constant 0 : i32
        %dma_start3A_352 = tpu.memref_slice %arg9[%and3A_349, %dma_start3A_350, %dma_start3A_351] : memref<8x256x32xbf16, #tpu.memory_space<vmem>> -> memref<1x256x32xbf16, #tpu.memory_space<vmem>>
        %dma_start3A_353 = tpu.memref_squeeze %dma_start3A_352 : memref<1x256x32xbf16, #tpu.memory_space<vmem>> -> memref<256x32xbf16, #tpu.memory_space<vmem>>
        %dma_start3A_354 = arith.constant 0 : i32
        %dma_start3A_355 = tpu.memref_slice %arg6[%sub3A_343, %dma_start3A_354] : memref<100x256xi32, #tpu.memory_space<vmem>> -> memref<1x256xi32, #tpu.memory_space<vmem>>
        %dma_start3A_356 = tpu.memref_squeeze %dma_start3A_355 : memref<1x256xi32, #tpu.memory_space<vmem>> -> memref<256xi32, #tpu.memory_space<vmem>>
        %dma_start3A_357 = arith.constant 0 : i32
        %dma_start3A_358 = arith.constant 0 : i32
        %dma_start3A_359 = tpu.memref_slice %arg2[%dma_start3A_357, %dma_start3A_358] : memref<200000x32xbf16, #tpu.memory_space<hbm>> -> memref<200000x32xbf16, #tpu.memory_space<hbm>>
        tpu.enqueue_indirect_dma source(%dma_start3A_359 : memref<200000x32xbf16, #tpu.memory_space<hbm>>) target(%dma_start3A_353 : memref<256x32xbf16, #tpu.memory_space<vmem>>) offsets(%dma_start3A_356 : memref<256xi32, #tpu.memory_space<vmem>>) semaphore(%arg12 : memref<!tpu.dma_semaphore, #tpu.memory_space<semaphore_mem>>)
      } else {
      }
    }
    %sub3A_190 = arith.constant 8 : i32
    %sub3A_191 = arith.subi %select_n3A_166, %sub3A_190 : i32
    %max3A_192 = arith.maxsi %select_n3A_138, %sub3A_191 : i32
    %while3A_193 = arith.constant 0 : i32
    %while3A_194 = arith.subi %select_n3A_166, %max3A_192 : i32
    %while3A_195 = arith.addi %max3A_192, %while3A_194 : i32
    %while3A_196 = arith.constant 1 : i32
    %while3A_197 = arith.divsi %while3A_194, %while3A_196 : i32
    %while3A_198 = arith.muli %while3A_197, %while3A_196 : i32
    %while3A_199 = arith.addi %max3A_192, %while3A_198 : i32
    %while3A_200 = arith.constant 1 : i32
    scf.for %while3A_311 = %max3A_192 to %while3A_199 step %while3A_200  : i32 {
      %and3A_312 = arith.constant 7 : i32
      %and3A_313 = arith.andi %while3A_311, %and3A_312 : i32
      %dma_wait3A = arith.constant 0 : i32
      %dma_wait3A_314 = arith.constant 0 : i32
      %dma_wait3A_315 = tpu.memref_slice %arg9[%and3A_313, %dma_wait3A, %dma_wait3A_314] : memref<8x256x32xbf16, #tpu.memory_space<vmem>> -> memref<1x256x32xbf16, #tpu.memory_space<vmem>>
      %dma_wait3A_316 = tpu.memref_squeeze %dma_wait3A_315 : memref<1x256x32xbf16, #tpu.memory_space<vmem>> -> memref<256x32xbf16, #tpu.memory_space<vmem>>
      %dma_wait3A_317 = arith.constant 0 : i32
      %dma_wait3A_318 = tpu.memref_slice %arg7[%while3A_311, %dma_wait3A_317] : memref<100x256xi32, #tpu.memory_space<vmem>> -> memref<1x256xi32, #tpu.memory_space<vmem>>
      %dma_wait3A_319 = tpu.memref_squeeze %dma_wait3A_318 : memref<1x256xi32, #tpu.memory_space<vmem>> -> memref<256xi32, #tpu.memory_space<vmem>>
      %dma_wait3A_320 = arith.constant 0 : i32
      %dma_wait3A_321 = arith.constant 0 : i32
      %dma_wait3A_322 = tpu.memref_slice %arg11[%dma_wait3A_320, %dma_wait3A_321] : memref<16776x32xbf16, #tpu.memory_space<vmem_shared>> -> memref<16776x32xbf16, #tpu.memory_space<vmem_shared>>
      tpu.wait_indirect_dma semaphore(%arg13 : memref<!tpu.dma_semaphore, #tpu.memory_space<semaphore_mem>>) src(%dma_wait3A_316 : memref<256x32xbf16, #tpu.memory_space<vmem>>) dst(%dma_wait3A_322 : memref<16776x32xbf16, #tpu.memory_space<vmem_shared>>)
    }
    %while3A_201 = arith.constant 1 : i32
    scf.for %while3A_311 = %while3A_199 to %while3A_195 step %while3A_201  : i32 {
      %and3A_312 = arith.constant 7 : i32
      %and3A_313 = arith.andi %while3A_311, %and3A_312 : i32
      %dma_wait3A = arith.constant 0 : i32
      %dma_wait3A_314 = arith.constant 0 : i32
      %dma_wait3A_315 = tpu.memref_slice %arg9[%and3A_313, %dma_wait3A, %dma_wait3A_314] : memref<8x256x32xbf16, #tpu.memory_space<vmem>> -> memref<1x256x32xbf16, #tpu.memory_space<vmem>>
      %dma_wait3A_316 = tpu.memref_squeeze %dma_wait3A_315 : memref<1x256x32xbf16, #tpu.memory_space<vmem>> -> memref<256x32xbf16, #tpu.memory_space<vmem>>
      %dma_wait3A_317 = arith.constant 0 : i32
      %dma_wait3A_318 = tpu.memref_slice %arg7[%while3A_311, %dma_wait3A_317] : memref<100x256xi32, #tpu.memory_space<vmem>> -> memref<1x256xi32, #tpu.memory_space<vmem>>
      %dma_wait3A_319 = tpu.memref_squeeze %dma_wait3A_318 : memref<1x256xi32, #tpu.memory_space<vmem>> -> memref<256xi32, #tpu.memory_space<vmem>>
      %dma_wait3A_320 = arith.constant 0 : i32
      %dma_wait3A_321 = arith.constant 0 : i32
      %dma_wait3A_322 = tpu.memref_slice %arg11[%dma_wait3A_320, %dma_wait3A_321] : memref<16776x32xbf16, #tpu.memory_space<vmem_shared>> -> memref<16776x32xbf16, #tpu.memory_space<vmem_shared>>
      tpu.wait_indirect_dma semaphore(%arg13 : memref<!tpu.dma_semaphore, #tpu.memory_space<semaphore_mem>>) src(%dma_wait3A_316 : memref<256x32xbf16, #tpu.memory_space<vmem>>) dst(%dma_wait3A_322 : memref<16776x32xbf16, #tpu.memory_space<vmem_shared>>)
    }
    %barrier3A_202 = arith.constant 0 : index
    tpu.barrier barrier_id(%barrier3A_202)
    %add3A_203 = arith.constant 16768 : i32
    %add3A_204 = arith.addi %add3A_203, %mul3A_2 : i32
    "tpu.region"() ({
      %run_scoped3A_311 = tpu.sem_alloc : memref<!tpu.dma_semaphore, #tpu.memory_space<semaphore_mem>>
      %dma_start3A = arith.constant 0 : i32
      %dma_start3A_312 = tpu.memref_slice %arg5[%arg0, %add3A_204, %dma_start3A] : memref<2x50304x32xbf16, #tpu.memory_space<hbm>> -> memref<1x1048x32xbf16, #tpu.memory_space<hbm>>
      %dma_start3A_313 = tpu.memref_squeeze %dma_start3A_312 : memref<1x1048x32xbf16, #tpu.memory_space<hbm>> -> memref<1048x32xbf16, #tpu.memory_space<hbm>>
      %dma_start3A_314 = arith.constant 0 : i32
      %dma_start3A_315 = tpu.memref_slice %arg11[%mul3A_2, %dma_start3A_314] : memref<16776x32xbf16, #tpu.memory_space<vmem_shared>> -> memref<1048x32xbf16, #tpu.memory_space<vmem_shared>>
      tpu.enqueue_dma source(%dma_start3A_315 : memref<1048x32xbf16, #tpu.memory_space<vmem_shared>>) target(%dma_start3A_313 : memref<1048x32xbf16, #tpu.memory_space<hbm>>) target_semaphore(%run_scoped3A_311 : memref<!tpu.dma_semaphore, #tpu.memory_space<semaphore_mem>>)
      %dma_wait3A = arith.constant 0 : i32
      %dma_wait3A_316 = tpu.memref_slice %arg5[%arg0, %add3A_204, %dma_wait3A] : memref<2x50304x32xbf16, #tpu.memory_space<hbm>> -> memref<1x1048x32xbf16, #tpu.memory_space<hbm>>
      %dma_wait3A_317 = tpu.memref_squeeze %dma_wait3A_316 : memref<1x1048x32xbf16, #tpu.memory_space<hbm>> -> memref<1048x32xbf16, #tpu.memory_space<hbm>>
      %dma_wait3A_318 = arith.constant 0 : i32
      %dma_wait3A_319 = tpu.memref_slice %arg11[%mul3A_2, %dma_wait3A_318] : memref<16776x32xbf16, #tpu.memory_space<vmem_shared>> -> memref<1048x32xbf16, #tpu.memory_space<vmem_shared>>
      tpu.wait_dma2 semaphore(%run_scoped3A_311 : memref<!tpu.dma_semaphore, #tpu.memory_space<semaphore_mem>>) src(%dma_wait3A_319 : memref<1048x32xbf16, #tpu.memory_space<vmem_shared>>) dst(%dma_wait3A_317 : memref<1048x32xbf16, #tpu.memory_space<hbm>>)
      tpu.yield
    }) : () -> ()
    "tpu.region"() ({
      %run_scoped3A_311 = tpu.sem_alloc : memref<!tpu.dma_semaphore, #tpu.memory_space<semaphore_mem>>
      %dma_start3A = arith.constant 0 : i32
      %dma_start3A_312 = tpu.memref_slice %arg11[%mul3A_2, %dma_start3A] : memref<16776x32xbf16, #tpu.memory_space<vmem_shared>> -> memref<1048x32xbf16, #tpu.memory_space<vmem_shared>>
      %dma_start3A_313 = arith.constant 0 : i32
      %dma_start3A_314 = tpu.memref_slice %arg11[%mul3A_2, %dma_start3A_313] : memref<16776x32xbf16, #tpu.memory_space<vmem_shared>> -> memref<1048x32xbf16, #tpu.memory_space<vmem_shared>>
      tpu.enqueue_dma source(%arg10 : memref<1048x32xbf16, #tpu.memory_space<vmem>>) target(%dma_start3A_314 : memref<1048x32xbf16, #tpu.memory_space<vmem_shared>>) target_semaphore(%run_scoped3A_311 : memref<!tpu.dma_semaphore, #tpu.memory_space<semaphore_mem>>)
      %dma_wait3A = arith.constant 0 : i32
      %dma_wait3A_315 = tpu.memref_slice %arg11[%mul3A_2, %dma_wait3A] : memref<16776x32xbf16, #tpu.memory_space<vmem_shared>> -> memref<1048x32xbf16, #tpu.memory_space<vmem_shared>>
      %dma_wait3A_316 = arith.constant 0 : i32
      %dma_wait3A_317 = tpu.memref_slice %arg11[%mul3A_2, %dma_wait3A_316] : memref<16776x32xbf16, #tpu.memory_space<vmem_shared>> -> memref<1048x32xbf16, #tpu.memory_space<vmem_shared>>
      tpu.wait_dma2 semaphore(%run_scoped3A_311 : memref<!tpu.dma_semaphore, #tpu.memory_space<semaphore_mem>>) src(%arg10 : memref<1048x32xbf16, #tpu.memory_space<vmem>>) dst(%dma_wait3A_317 : memref<1048x32xbf16, #tpu.memory_space<vmem_shared>>)
      tpu.yield
    }) : () -> ()
    %barrier3A_205 = arith.constant 0 : index
    tpu.barrier barrier_id(%barrier3A_205)
    %run_scoped3A_206 = arith.constant 3 : i32
    "tpu.region"() ({
      %run_scoped3A_311 = tpu.sem_alloc : memref<!tpu.dma_semaphore, #tpu.memory_space<semaphore_mem>>
      %dma_start3A = arith.constant 0 : i32
      %dma_start3A_312 = arith.constant 0 : i32
      %dma_start3A_313 = tpu.memref_slice %arg3[%run_scoped3A_206, %add3A, %dma_start3A, %dma_start3A_312] : memref<4x32x100x256xi32, #tpu.memory_space<hbm>> -> memref<1x1x100x256xi32, #tpu.memory_space<hbm>>
      %dma_start3A_314 = tpu.memref_squeeze %dma_start3A_313 : memref<1x1x100x256xi32, #tpu.memory_space<hbm>> -> memref<100x256xi32, #tpu.memory_space<hbm>>
      %dma_start3A_315 = arith.constant 0 : i32
      %dma_start3A_316 = arith.constant 0 : i32
      %dma_start3A_317 = tpu.memref_slice %arg3[%run_scoped3A_206, %add3A, %dma_start3A_315, %dma_start3A_316] : memref<4x32x100x256xi32, #tpu.memory_space<hbm>> -> memref<1x1x100x256xi32, #tpu.memory_space<hbm>>
      %dma_start3A_318 = tpu.memref_squeeze %dma_start3A_317 : memref<1x1x100x256xi32, #tpu.memory_space<hbm>> -> memref<100x256xi32, #tpu.memory_space<hbm>>
      tpu.enqueue_dma source(%dma_start3A_318 : memref<100x256xi32, #tpu.memory_space<hbm>>) target(%arg7 : memref<100x256xi32, #tpu.memory_space<vmem>>) target_semaphore(%run_scoped3A_311 : memref<!tpu.dma_semaphore, #tpu.memory_space<semaphore_mem>>)
      %dma_wait3A = arith.constant 0 : i32
      %dma_wait3A_319 = arith.constant 0 : i32
      %dma_wait3A_320 = tpu.memref_slice %arg3[%run_scoped3A_206, %add3A, %dma_wait3A, %dma_wait3A_319] : memref<4x32x100x256xi32, #tpu.memory_space<hbm>> -> memref<1x1x100x256xi32, #tpu.memory_space<hbm>>
      %dma_wait3A_321 = tpu.memref_squeeze %dma_wait3A_320 : memref<1x1x100x256xi32, #tpu.memory_space<hbm>> -> memref<100x256xi32, #tpu.memory_space<hbm>>
      %dma_wait3A_322 = arith.constant 0 : i32
      %dma_wait3A_323 = arith.constant 0 : i32
      %dma_wait3A_324 = tpu.memref_slice %arg3[%run_scoped3A_206, %add3A, %dma_wait3A_322, %dma_wait3A_323] : memref<4x32x100x256xi32, #tpu.memory_space<hbm>> -> memref<1x1x100x256xi32, #tpu.memory_space<hbm>>
      %dma_wait3A_325 = tpu.memref_squeeze %dma_wait3A_324 : memref<1x1x100x256xi32, #tpu.memory_space<hbm>> -> memref<100x256xi32, #tpu.memory_space<hbm>>
      tpu.wait_dma2 semaphore(%run_scoped3A_311 : memref<!tpu.dma_semaphore, #tpu.memory_space<semaphore_mem>>) src(%dma_wait3A_325 : memref<100x256xi32, #tpu.memory_space<hbm>>) dst(%arg7 : memref<100x256xi32, #tpu.memory_space<vmem>>)
      tpu.yield
    }) : () -> ()
    %get3A_207 = arith.constant 2 : i32
    %get3A_208 = arith.index_cast %get3A_207 : i32 to index
    %get3A_209 = arith.constant 0 : index
    %get3A_210 = tpu.vector_load %arg8[%get3A_208, %get3A_209] {strides = array<i32>} : memref<4x16xi32, #tpu.memory_space<vmem>>, vector<1x16xi32>,
    %get3A_211 = vector.shape_cast %get3A_210 : vector<1x16xi32> to vector<16xi32>
    %slice3A_212 = vector.extract_strided_slice %get3A_211 {offsets = [0], sizes = [1], strides = [1]} : vector<16xi32> to vector<1xi32>
    %squeeze3A_213 = vector.extract %slice3A_212[0] : i32 from vector<1xi32>
    %get3A_214 = arith.constant 3 : i32
    %get3A_215 = arith.index_cast %get3A_214 : i32 to index
    %get3A_216 = arith.constant 0 : index
    %get3A_217 = tpu.vector_load %arg8[%get3A_215, %get3A_216] {strides = array<i32>} : memref<4x16xi32, #tpu.memory_space<vmem>>, vector<1x16xi32>,
    %get3A_218 = vector.shape_cast %get3A_217 : vector<1x16xi32> to vector<16xi32>
    %slice3A_219 = vector.extract_strided_slice %get3A_218 {offsets = [0], sizes = [1], strides = [1]} : vector<16xi32> to vector<1xi32>
    %squeeze3A_220 = vector.extract %slice3A_219[0] : i32 from vector<1xi32>
    %jit3A_221 = arith.constant 256 : i32
    %div3A_222 = arith.divsi %squeeze3A_213, %jit3A_221 : i32
    %sign3A_223 = arith.constant 0 : i32
    %sign3A_224 = arith.cmpi sgt, %squeeze3A_213, %sign3A_223 : i32
    %sign3A_225 = arith.extui %sign3A_224 : i1 to i32
    %sign3A_226 = arith.constant 0 : i32
    %sign3A_227 = arith.cmpi slt, %squeeze3A_213, %sign3A_226 : i32
    %sign3A_228 = arith.extui %sign3A_227 : i1 to i32
    %sign3A_229 = arith.subi %sign3A_225, %sign3A_228 : i32
    %sign3A_230 = arith.constant 0 : i32
    %sign3A_231 = arith.cmpi sgt, %jit3A_221, %sign3A_230 : i32
    %sign3A_232 = arith.extui %sign3A_231 : i1 to i32
    %sign3A_233 = arith.constant 0 : i32
    %sign3A_234 = arith.cmpi slt, %jit3A_221, %sign3A_233 : i32
    %sign3A_235 = arith.extui %sign3A_234 : i1 to i32
    %sign3A_236 = arith.subi %sign3A_232, %sign3A_235 : i32
    %ne3A_237 = arith.cmpi ne, %sign3A_229, %sign3A_236 : i32
    %rem3A_238 = arith.remsi %squeeze3A_213, %jit3A_221 : i32
    %ne3A_239 = arith.constant 0 : i32
    %ne3A_240 = arith.cmpi ne, %rem3A_238, %ne3A_239 : i32
    %and3A_241 = arith.andi %ne3A_237, %ne3A_240 : i1
    %sub3A_242 = arith.constant 1 : i32
    %sub3A_243 = arith.subi %div3A_222, %sub3A_242 : i32
    %select_n3A_244 = arith.select %and3A_241, %sub3A_243, %div3A_222 : i32
    %add3A_245 = arith.constant 256 : i32
    %add3A_246 = arith.addi %squeeze3A_220, %add3A_245 : i32
    %sub3A_247 = arith.constant 1 : i32
    %sub3A_248 = arith.subi %add3A_246, %sub3A_247 : i32
    %jit3A_249 = arith.constant 256 : i32
    %div3A_250 = arith.divsi %sub3A_248, %jit3A_249 : i32
    %sign3A_251 = arith.constant 0 : i32
    %sign3A_252 = arith.cmpi sgt, %sub3A_248, %sign3A_251 : i32
    %sign3A_253 = arith.extui %sign3A_252 : i1 to i32
    %sign3A_254 = arith.constant 0 : i32
    %sign3A_255 = arith.cmpi slt, %sub3A_248, %sign3A_254 : i32
    %sign3A_256 = arith.extui %sign3A_255 : i1 to i32
    %sign3A_257 = arith.subi %sign3A_253, %sign3A_256 : i32
    %sign3A_258 = arith.constant 0 : i32
    %sign3A_259 = arith.cmpi sgt, %jit3A_249, %sign3A_258 : i32
    %sign3A_260 = arith.extui %sign3A_259 : i1 to i32
    %sign3A_261 = arith.constant 0 : i32
    %sign3A_262 = arith.cmpi slt, %jit3A_249, %sign3A_261 : i32
    %sign3A_263 = arith.extui %sign3A_262 : i1 to i32
    %sign3A_264 = arith.subi %sign3A_260, %sign3A_263 : i32
    %ne3A_265 = arith.cmpi ne, %sign3A_257, %sign3A_264 : i32
    %rem3A_266 = arith.remsi %sub3A_248, %jit3A_249 : i32
    %ne3A_267 = arith.constant 0 : i32
    %ne3A_268 = arith.cmpi ne, %rem3A_266, %ne3A_267 : i32
    %and3A_269 = arith.andi %ne3A_265, %ne3A_268 : i1
    %sub3A_270 = arith.constant 1 : i32
    %sub3A_271 = arith.subi %div3A_250, %sub3A_270 : i32
    %select_n3A_272 = arith.select %and3A_269, %sub3A_271, %div3A_250 : i32
    %add3A_273 = arith.constant 8 : i32
    %add3A_274 = arith.addi %select_n3A_244, %add3A_273 : i32
    %sub3A_275 = arith.constant 1 : i32
    %sub3A_276 = arith.subi %add3A_274, %sub3A_275 : i32
    %min3A_277 = arith.minsi %sub3A_276, %select_n3A_272 : i32
    %while3A_278 = arith.constant 0 : i32
    %while3A_279 = arith.subi %min3A_277, %select_n3A_244 : i32
    %while3A_280 = arith.addi %select_n3A_244, %while3A_279 : i32
    %while3A_281 = arith.constant 1 : i32
    %while3A_282 = arith.divsi %while3A_279, %while3A_281 : i32
    %while3A_283 = arith.muli %while3A_282, %while3A_281 : i32
    %while3A_284 = arith.addi %select_n3A_244, %while3A_283 : i32
    %while3A_285 = arith.constant 1 : i32
    scf.for %while3A_311 = %select_n3A_244 to %while3A_284 step %while3A_285  : i32 {
      %and3A_312 = arith.constant 7 : i32
      %and3A_313 = arith.andi %while3A_311, %and3A_312 : i32
      %dma_start3A = arith.constant 0 : i32
      %dma_start3A_314 = arith.constant 0 : i32
      %dma_start3A_315 = tpu.memref_slice %arg9[%and3A_313, %dma_start3A, %dma_start3A_314] : memref<8x256x32xbf16, #tpu.memory_space<vmem>> -> memref<1x256x32xbf16, #tpu.memory_space<vmem>>
      %dma_start3A_316 = tpu.memref_squeeze %dma_start3A_315 : memref<1x256x32xbf16, #tpu.memory_space<vmem>> -> memref<256x32xbf16, #tpu.memory_space<vmem>>
      %dma_start3A_317 = arith.constant 0 : i32
      %dma_start3A_318 = tpu.memref_slice %arg6[%while3A_311, %dma_start3A_317] : memref<100x256xi32, #tpu.memory_space<vmem>> -> memref<1x256xi32, #tpu.memory_space<vmem>>
      %dma_start3A_319 = tpu.memref_squeeze %dma_start3A_318 : memref<1x256xi32, #tpu.memory_space<vmem>> -> memref<256xi32, #tpu.memory_space<vmem>>
      %dma_start3A_320 = arith.constant 0 : i32
      %dma_start3A_321 = arith.constant 0 : i32
      %dma_start3A_322 = tpu.memref_slice %arg2[%dma_start3A_320, %dma_start3A_321] : memref<200000x32xbf16, #tpu.memory_space<hbm>> -> memref<200000x32xbf16, #tpu.memory_space<hbm>>
      tpu.enqueue_indirect_dma source(%dma_start3A_322 : memref<200000x32xbf16, #tpu.memory_space<hbm>>) target(%dma_start3A_316 : memref<256x32xbf16, #tpu.memory_space<vmem>>) offsets(%dma_start3A_319 : memref<256xi32, #tpu.memory_space<vmem>>) semaphore(%arg12 : memref<!tpu.dma_semaphore, #tpu.memory_space<semaphore_mem>>)
    }
    %while3A_286 = arith.constant 1 : i32
    scf.for %while3A_311 = %while3A_284 to %while3A_280 step %while3A_286  : i32 {
      %and3A_312 = arith.constant 7 : i32
      %and3A_313 = arith.andi %while3A_311, %and3A_312 : i32
      %dma_start3A = arith.constant 0 : i32
      %dma_start3A_314 = arith.constant 0 : i32
      %dma_start3A_315 = tpu.memref_slice %arg9[%and3A_313, %dma_start3A, %dma_start3A_314] : memref<8x256x32xbf16, #tpu.memory_space<vmem>> -> memref<1x256x32xbf16, #tpu.memory_space<vmem>>
      %dma_start3A_316 = tpu.memref_squeeze %dma_start3A_315 : memref<1x256x32xbf16, #tpu.memory_space<vmem>> -> memref<256x32xbf16, #tpu.memory_space<vmem>>
      %dma_start3A_317 = arith.constant 0 : i32
      %dma_start3A_318 = tpu.memref_slice %arg6[%while3A_311, %dma_start3A_317] : memref<100x256xi32, #tpu.memory_space<vmem>> -> memref<1x256xi32, #tpu.memory_space<vmem>>
      %dma_start3A_319 = tpu.memref_squeeze %dma_start3A_318 : memref<1x256xi32, #tpu.memory_space<vmem>> -> memref<256xi32, #tpu.memory_space<vmem>>
      %dma_start3A_320 = arith.constant 0 : i32
      %dma_start3A_321 = arith.constant 0 : i32
      %dma_start3A_322 = tpu.memref_slice %arg2[%dma_start3A_320, %dma_start3A_321] : memref<200000x32xbf16, #tpu.memory_space<hbm>> -> memref<200000x32xbf16, #tpu.memory_space<hbm>>
      tpu.enqueue_indirect_dma source(%dma_start3A_322 : memref<200000x32xbf16, #tpu.memory_space<hbm>>) target(%dma_start3A_316 : memref<256x32xbf16, #tpu.memory_space<vmem>>) offsets(%dma_start3A_319 : memref<256xi32, #tpu.memory_space<vmem>>) semaphore(%arg12 : memref<!tpu.dma_semaphore, #tpu.memory_space<semaphore_mem>>)
    }
    %while3A_287 = arith.constant 0 : i32
    %while3A_288 = arith.subi %select_n3A_272, %select_n3A_244 : i32
    %while3A_289 = arith.addi %select_n3A_244, %while3A_288 : i32
    %while3A_290 = arith.constant 1 : i32
    %while3A_291 = arith.divsi %while3A_288, %while3A_290 : i32
    %while3A_292 = arith.muli %while3A_291, %while3A_290 : i32
    %while3A_293 = arith.addi %select_n3A_244, %while3A_292 : i32
    %while3A_294 = arith.constant 1 : i32
    scf.for %while3A_311 = %select_n3A_244 to %while3A_293 step %while3A_294  : i32 {
      %and3A_312 = arith.constant 7 : i32
      %and3A_313 = arith.andi %while3A_311, %and3A_312 : i32
      %dma_wait3A = arith.constant 0 : i32
      %dma_wait3A_314 = arith.constant 0 : i32
      %dma_wait3A_315 = tpu.memref_slice %arg9[%and3A_313, %dma_wait3A, %dma_wait3A_314] : memref<8x256x32xbf16, #tpu.memory_space<vmem>> -> memref<1x256x32xbf16, #tpu.memory_space<vmem>>
      %dma_wait3A_316 = tpu.memref_squeeze %dma_wait3A_315 : memref<1x256x32xbf16, #tpu.memory_space<vmem>> -> memref<256x32xbf16, #tpu.memory_space<vmem>>
      %dma_wait3A_317 = arith.constant 0 : i32
      %dma_wait3A_318 = tpu.memref_slice %arg6[%while3A_311, %dma_wait3A_317] : memref<100x256xi32, #tpu.memory_space<vmem>> -> memref<1x256xi32, #tpu.memory_space<vmem>>
      %dma_wait3A_319 = tpu.memref_squeeze %dma_wait3A_318 : memref<1x256xi32, #tpu.memory_space<vmem>> -> memref<256xi32, #tpu.memory_space<vmem>>
      %dma_wait3A_320 = arith.constant 0 : i32
      %dma_wait3A_321 = arith.constant 0 : i32
      %dma_wait3A_322 = tpu.memref_slice %arg2[%dma_wait3A_320, %dma_wait3A_321] : memref<200000x32xbf16, #tpu.memory_space<hbm>> -> memref<200000x32xbf16, #tpu.memory_space<hbm>>
      tpu.wait_indirect_dma semaphore(%arg12 : memref<!tpu.dma_semaphore, #tpu.memory_space<semaphore_mem>>) src(%dma_wait3A_322 : memref<200000x32xbf16, #tpu.memory_space<hbm>>) dst(%dma_wait3A_316 : memref<256x32xbf16, #tpu.memory_space<vmem>>)
      %dma_start3A = arith.constant 0 : i32
      %dma_start3A_323 = arith.constant 0 : i32
      %dma_start3A_324 = tpu.memref_slice %arg9[%and3A_313, %dma_start3A, %dma_start3A_323] : memref<8x256x32xbf16, #tpu.memory_space<vmem>> -> memref<1x256x32xbf16, #tpu.memory_space<vmem>>
      %dma_start3A_325 = tpu.memref_squeeze %dma_start3A_324 : memref<1x256x32xbf16, #tpu.memory_space<vmem>> -> memref<256x32xbf16, #tpu.memory_space<vmem>>
      %dma_start3A_326 = arith.constant 0 : i32
      %dma_start3A_327 = tpu.memref_slice %arg7[%while3A_311, %dma_start3A_326] : memref<100x256xi32, #tpu.memory_space<vmem>> -> memref<1x256xi32, #tpu.memory_space<vmem>>
      %dma_start3A_328 = tpu.memref_squeeze %dma_start3A_327 : memref<1x256xi32, #tpu.memory_space<vmem>> -> memref<256xi32, #tpu.memory_space<vmem>>
      %dma_start3A_329 = arith.constant 0 : i32
      %dma_start3A_330 = arith.constant 0 : i32
      %dma_start3A_331 = tpu.memref_slice %arg11[%dma_start3A_329, %dma_start3A_330] : memref<16776x32xbf16, #tpu.memory_space<vmem_shared>> -> memref<16776x32xbf16, #tpu.memory_space<vmem_shared>>
      tpu.enqueue_indirect_dma source(%dma_start3A_325 : memref<256x32xbf16, #tpu.memory_space<vmem>>) target(%dma_start3A_331 : memref<16776x32xbf16, #tpu.memory_space<vmem_shared>>) offsets(%dma_start3A_328 : memref<256xi32, #tpu.memory_space<vmem>>) semaphore(%arg13 : memref<!tpu.dma_semaphore, #tpu.memory_space<semaphore_mem>>) {add = true}
      %add3A_332 = arith.constant 8 : i32
      %add3A_333 = arith.addi %while3A_311, %add3A_332 : i32
      %sub3A_334 = arith.constant 1 : i32
      %sub3A_335 = arith.subi %add3A_333, %sub3A_334 : i32
      %lt3A = arith.cmpi slt, %sub3A_335, %select_n3A_272 : i32
      %convert_element_type3A = arith.extui %lt3A : i1 to i32
      %cond3A = arith.constant 0 : i32
      %cond3A_336 = arith.cmpi ne, %convert_element_type3A, %cond3A : i32
      scf.if %cond3A_336 {
        %gt3A = arith.cmpi sgt, %while3A_311, %select_n3A_244 : i32
        %convert_element_type3A_337 = arith.extui %gt3A : i1 to i32
        %cond3A_338 = arith.constant 0 : i32
        %cond3A_339 = arith.cmpi ne, %convert_element_type3A_337, %cond3A_338 : i32
        scf.if %cond3A_339 {
          %sub3A_360 = arith.constant 1 : i32
          %sub3A_361 = arith.subi %while3A_311, %sub3A_360 : i32
          %sub3A_362 = arith.constant 1 : i32
          %sub3A_363 = arith.subi %while3A_311, %sub3A_362 : i32
          %and3A_364 = arith.constant 7 : i32
          %and3A_365 = arith.andi %sub3A_363, %and3A_364 : i32
          %dma_wait3A_366 = arith.constant 0 : i32
          %dma_wait3A_367 = arith.constant 0 : i32
          %dma_wait3A_368 = tpu.memref_slice %arg9[%and3A_365, %dma_wait3A_366, %dma_wait3A_367] : memref<8x256x32xbf16, #tpu.memory_space<vmem>> -> memref<1x256x32xbf16, #tpu.memory_space<vmem>>
          %dma_wait3A_369 = tpu.memref_squeeze %dma_wait3A_368 : memref<1x256x32xbf16, #tpu.memory_space<vmem>> -> memref<256x32xbf16, #tpu.memory_space<vmem>>
          %dma_wait3A_370 = arith.constant 0 : i32
          %dma_wait3A_371 = tpu.memref_slice %arg7[%sub3A_361, %dma_wait3A_370] : memref<100x256xi32, #tpu.memory_space<vmem>> -> memref<1x256xi32, #tpu.memory_space<vmem>>
          %dma_wait3A_372 = tpu.memref_squeeze %dma_wait3A_371 : memref<1x256xi32, #tpu.memory_space<vmem>> -> memref<256xi32, #tpu.memory_space<vmem>>
          %dma_wait3A_373 = arith.constant 0 : i32
          %dma_wait3A_374 = arith.constant 0 : i32
          %dma_wait3A_375 = tpu.memref_slice %arg11[%dma_wait3A_373, %dma_wait3A_374] : memref<16776x32xbf16, #tpu.memory_space<vmem_shared>> -> memref<16776x32xbf16, #tpu.memory_space<vmem_shared>>
          tpu.wait_indirect_dma semaphore(%arg13 : memref<!tpu.dma_semaphore, #tpu.memory_space<semaphore_mem>>) src(%dma_wait3A_369 : memref<256x32xbf16, #tpu.memory_space<vmem>>) dst(%dma_wait3A_375 : memref<16776x32xbf16, #tpu.memory_space<vmem_shared>>)
        } else {
        }
        %add3A_340 = arith.constant 8 : i32
        %add3A_341 = arith.addi %while3A_311, %add3A_340 : i32
        %sub3A_342 = arith.constant 1 : i32
        %sub3A_343 = arith.subi %add3A_341, %sub3A_342 : i32
        %add3A_344 = arith.constant 8 : i32
        %add3A_345 = arith.addi %while3A_311, %add3A_344 : i32
        %sub3A_346 = arith.constant 1 : i32
        %sub3A_347 = arith.subi %add3A_345, %sub3A_346 : i32
        %and3A_348 = arith.constant 7 : i32
        %and3A_349 = arith.andi %sub3A_347, %and3A_348 : i32
        %dma_start3A_350 = arith.constant 0 : i32
        %dma_start3A_351 = arith.constant 0 : i32
        %dma_start3A_352 = tpu.memref_slice %arg9[%and3A_349, %dma_start3A_350, %dma_start3A_351] : memref<8x256x32xbf16, #tpu.memory_space<vmem>> -> memref<1x256x32xbf16, #tpu.memory_space<vmem>>
        %dma_start3A_353 = tpu.memref_squeeze %dma_start3A_352 : memref<1x256x32xbf16, #tpu.memory_space<vmem>> -> memref<256x32xbf16, #tpu.memory_space<vmem>>
        %dma_start3A_354 = arith.constant 0 : i32
        %dma_start3A_355 = tpu.memref_slice %arg6[%sub3A_343, %dma_start3A_354] : memref<100x256xi32, #tpu.memory_space<vmem>> -> memref<1x256xi32, #tpu.memory_space<vmem>>
        %dma_start3A_356 = tpu.memref_squeeze %dma_start3A_355 : memref<1x256xi32, #tpu.memory_space<vmem>> -> memref<256xi32, #tpu.memory_space<vmem>>
        %dma_start3A_357 = arith.constant 0 : i32
        %dma_start3A_358 = arith.constant 0 : i32
        %dma_start3A_359 = tpu.memref_slice %arg2[%dma_start3A_357, %dma_start3A_358] : memref<200000x32xbf16, #tpu.memory_space<hbm>> -> memref<200000x32xbf16, #tpu.memory_space<hbm>>
        tpu.enqueue_indirect_dma source(%dma_start3A_359 : memref<200000x32xbf16, #tpu.memory_space<hbm>>) target(%dma_start3A_353 : memref<256x32xbf16, #tpu.memory_space<vmem>>) offsets(%dma_start3A_356 : memref<256xi32, #tpu.memory_space<vmem>>) semaphore(%arg12 : memref<!tpu.dma_semaphore, #tpu.memory_space<semaphore_mem>>)
      } else {
      }
    }
    %while3A_295 = arith.constant 1 : i32
    scf.for %while3A_311 = %while3A_293 to %while3A_289 step %while3A_295  : i32 {
      %and3A_312 = arith.constant 7 : i32
      %and3A_313 = arith.andi %while3A_311, %and3A_312 : i32
      %dma_wait3A = arith.constant 0 : i32
      %dma_wait3A_314 = arith.constant 0 : i32
      %dma_wait3A_315 = tpu.memref_slice %arg9[%and3A_313, %dma_wait3A, %dma_wait3A_314] : memref<8x256x32xbf16, #tpu.memory_space<vmem>> -> memref<1x256x32xbf16, #tpu.memory_space<vmem>>
      %dma_wait3A_316 = tpu.memref_squeeze %dma_wait3A_315 : memref<1x256x32xbf16, #tpu.memory_space<vmem>> -> memref<256x32xbf16, #tpu.memory_space<vmem>>
      %dma_wait3A_317 = arith.constant 0 : i32
      %dma_wait3A_318 = tpu.memref_slice %arg6[%while3A_311, %dma_wait3A_317] : memref<100x256xi32, #tpu.memory_space<vmem>> -> memref<1x256xi32, #tpu.memory_space<vmem>>
      %dma_wait3A_319 = tpu.memref_squeeze %dma_wait3A_318 : memref<1x256xi32, #tpu.memory_space<vmem>> -> memref<256xi32, #tpu.memory_space<vmem>>
      %dma_wait3A_320 = arith.constant 0 : i32
      %dma_wait3A_321 = arith.constant 0 : i32
      %dma_wait3A_322 = tpu.memref_slice %arg2[%dma_wait3A_320, %dma_wait3A_321] : memref<200000x32xbf16, #tpu.memory_space<hbm>> -> memref<200000x32xbf16, #tpu.memory_space<hbm>>
      tpu.wait_indirect_dma semaphore(%arg12 : memref<!tpu.dma_semaphore, #tpu.memory_space<semaphore_mem>>) src(%dma_wait3A_322 : memref<200000x32xbf16, #tpu.memory_space<hbm>>) dst(%dma_wait3A_316 : memref<256x32xbf16, #tpu.memory_space<vmem>>)
      %dma_start3A = arith.constant 0 : i32
      %dma_start3A_323 = arith.constant 0 : i32
      %dma_start3A_324 = tpu.memref_slice %arg9[%and3A_313, %dma_start3A, %dma_start3A_323] : memref<8x256x32xbf16, #tpu.memory_space<vmem>> -> memref<1x256x32xbf16, #tpu.memory_space<vmem>>
      %dma_start3A_325 = tpu.memref_squeeze %dma_start3A_324 : memref<1x256x32xbf16, #tpu.memory_space<vmem>> -> memref<256x32xbf16, #tpu.memory_space<vmem>>
      %dma_start3A_326 = arith.constant 0 : i32
      %dma_start3A_327 = tpu.memref_slice %arg7[%while3A_311, %dma_start3A_326] : memref<100x256xi32, #tpu.memory_space<vmem>> -> memref<1x256xi32, #tpu.memory_space<vmem>>
      %dma_start3A_328 = tpu.memref_squeeze %dma_start3A_327 : memref<1x256xi32, #tpu.memory_space<vmem>> -> memref<256xi32, #tpu.memory_space<vmem>>
      %dma_start3A_329 = arith.constant 0 : i32
      %dma_start3A_330 = arith.constant 0 : i32
      %dma_start3A_331 = tpu.memref_slice %arg11[%dma_start3A_329, %dma_start3A_330] : memref<16776x32xbf16, #tpu.memory_space<vmem_shared>> -> memref<16776x32xbf16, #tpu.memory_space<vmem_shared>>
      tpu.enqueue_indirect_dma source(%dma_start3A_325 : memref<256x32xbf16, #tpu.memory_space<vmem>>) target(%dma_start3A_331 : memref<16776x32xbf16, #tpu.memory_space<vmem_shared>>) offsets(%dma_start3A_328 : memref<256xi32, #tpu.memory_space<vmem>>) semaphore(%arg13 : memref<!tpu.dma_semaphore, #tpu.memory_space<semaphore_mem>>) {add = true}
      %add3A_332 = arith.constant 8 : i32
      %add3A_333 = arith.addi %while3A_311, %add3A_332 : i32
      %sub3A_334 = arith.constant 1 : i32
      %sub3A_335 = arith.subi %add3A_333, %sub3A_334 : i32
      %lt3A = arith.cmpi slt, %sub3A_335, %select_n3A_272 : i32
      %convert_element_type3A = arith.extui %lt3A : i1 to i32
      %cond3A = arith.constant 0 : i32
      %cond3A_336 = arith.cmpi ne, %convert_element_type3A, %cond3A : i32
      scf.if %cond3A_336 {
        %gt3A = arith.cmpi sgt, %while3A_311, %select_n3A_244 : i32
        %convert_element_type3A_337 = arith.extui %gt3A : i1 to i32
        %cond3A_338 = arith.constant 0 : i32
        %cond3A_339 = arith.cmpi ne, %convert_element_type3A_337, %cond3A_338 : i32
        scf.if %cond3A_339 {
          %sub3A_360 = arith.constant 1 : i32
          %sub3A_361 = arith.subi %while3A_311, %sub3A_360 : i32
          %sub3A_362 = arith.constant 1 : i32
          %sub3A_363 = arith.subi %while3A_311, %sub3A_362 : i32
          %and3A_364 = arith.constant 7 : i32
          %and3A_365 = arith.andi %sub3A_363, %and3A_364 : i32
          %dma_wait3A_366 = arith.constant 0 : i32
          %dma_wait3A_367 = arith.constant 0 : i32
          %dma_wait3A_368 = tpu.memref_slice %arg9[%and3A_365, %dma_wait3A_366, %dma_wait3A_367] : memref<8x256x32xbf16, #tpu.memory_space<vmem>> -> memref<1x256x32xbf16, #tpu.memory_space<vmem>>
          %dma_wait3A_369 = tpu.memref_squeeze %dma_wait3A_368 : memref<1x256x32xbf16, #tpu.memory_space<vmem>> -> memref<256x32xbf16, #tpu.memory_space<vmem>>
          %dma_wait3A_370 = arith.constant 0 : i32
          %dma_wait3A_371 = tpu.memref_slice %arg7[%sub3A_361, %dma_wait3A_370] : memref<100x256xi32, #tpu.memory_space<vmem>> -> memref<1x256xi32, #tpu.memory_space<vmem>>
          %dma_wait3A_372 = tpu.memref_squeeze %dma_wait3A_371 : memref<1x256xi32, #tpu.memory_space<vmem>> -> memref<256xi32, #tpu.memory_space<vmem>>
          %dma_wait3A_373 = arith.constant 0 : i32
          %dma_wait3A_374 = arith.constant 0 : i32
          %dma_wait3A_375 = tpu.memref_slice %arg11[%dma_wait3A_373, %dma_wait3A_374] : memref<16776x32xbf16, #tpu.memory_space<vmem_shared>> -> memref<16776x32xbf16, #tpu.memory_space<vmem_shared>>
          tpu.wait_indirect_dma semaphore(%arg13 : memref<!tpu.dma_semaphore, #tpu.memory_space<semaphore_mem>>) src(%dma_wait3A_369 : memref<256x32xbf16, #tpu.memory_space<vmem>>) dst(%dma_wait3A_375 : memref<16776x32xbf16, #tpu.memory_space<vmem_shared>>)
        } else {
        }
        %add3A_340 = arith.constant 8 : i32
        %add3A_341 = arith.addi %while3A_311, %add3A_340 : i32
        %sub3A_342 = arith.constant 1 : i32
        %sub3A_343 = arith.subi %add3A_341, %sub3A_342 : i32
        %add3A_344 = arith.constant 8 : i32
        %add3A_345 = arith.addi %while3A_311, %add3A_344 : i32
        %sub3A_346 = arith.constant 1 : i32
        %sub3A_347 = arith.subi %add3A_345, %sub3A_346 : i32
        %and3A_348 = arith.constant 7 : i32
        %and3A_349 = arith.andi %sub3A_347, %and3A_348 : i32
        %dma_start3A_350 = arith.constant 0 : i32
        %dma_start3A_351 = arith.constant 0 : i32
        %dma_start3A_352 = tpu.memref_slice %arg9[%and3A_349, %dma_start3A_350, %dma_start3A_351] : memref<8x256x32xbf16, #tpu.memory_space<vmem>> -> memref<1x256x32xbf16, #tpu.memory_space<vmem>>
        %dma_start3A_353 = tpu.memref_squeeze %dma_start3A_352 : memref<1x256x32xbf16, #tpu.memory_space<vmem>> -> memref<256x32xbf16, #tpu.memory_space<vmem>>
        %dma_start3A_354 = arith.constant 0 : i32
        %dma_start3A_355 = tpu.memref_slice %arg6[%sub3A_343, %dma_start3A_354] : memref<100x256xi32, #tpu.memory_space<vmem>> -> memref<1x256xi32, #tpu.memory_space<vmem>>
        %dma_start3A_356 = tpu.memref_squeeze %dma_start3A_355 : memref<1x256xi32, #tpu.memory_space<vmem>> -> memref<256xi32, #tpu.memory_space<vmem>>
        %dma_start3A_357 = arith.constant 0 : i32
        %dma_start3A_358 = arith.constant 0 : i32
        %dma_start3A_359 = tpu.memref_slice %arg2[%dma_start3A_357, %dma_start3A_358] : memref<200000x32xbf16, #tpu.memory_space<hbm>> -> memref<200000x32xbf16, #tpu.memory_space<hbm>>
        tpu.enqueue_indirect_dma source(%dma_start3A_359 : memref<200000x32xbf16, #tpu.memory_space<hbm>>) target(%dma_start3A_353 : memref<256x32xbf16, #tpu.memory_space<vmem>>) offsets(%dma_start3A_356 : memref<256xi32, #tpu.memory_space<vmem>>) semaphore(%arg12 : memref<!tpu.dma_semaphore, #tpu.memory_space<semaphore_mem>>)
      } else {
      }
    }
    %sub3A_296 = arith.constant 8 : i32
    %sub3A_297 = arith.subi %select_n3A_272, %sub3A_296 : i32
    %max3A_298 = arith.maxsi %select_n3A_244, %sub3A_297 : i32
    %while3A_299 = arith.constant 0 : i32
    %while3A_300 = arith.subi %select_n3A_272, %max3A_298 : i32
    %while3A_301 = arith.addi %max3A_298, %while3A_300 : i32
    %while3A_302 = arith.constant 1 : i32
    %while3A_303 = arith.divsi %while3A_300, %while3A_302 : i32
    %while3A_304 = arith.muli %while3A_303, %while3A_302 : i32
    %while3A_305 = arith.addi %max3A_298, %while3A_304 : i32
    %while3A_306 = arith.constant 1 : i32
    scf.for %while3A_311 = %max3A_298 to %while3A_305 step %while3A_306  : i32 {
      %and3A_312 = arith.constant 7 : i32
      %and3A_313 = arith.andi %while3A_311, %and3A_312 : i32
      %dma_wait3A = arith.constant 0 : i32
      %dma_wait3A_314 = arith.constant 0 : i32
      %dma_wait3A_315 = tpu.memref_slice %arg9[%and3A_313, %dma_wait3A, %dma_wait3A_314] : memref<8x256x32xbf16, #tpu.memory_space<vmem>> -> memref<1x256x32xbf16, #tpu.memory_space<vmem>>
      %dma_wait3A_316 = tpu.memref_squeeze %dma_wait3A_315 : memref<1x256x32xbf16, #tpu.memory_space<vmem>> -> memref<256x32xbf16, #tpu.memory_space<vmem>>
      %dma_wait3A_317 = arith.constant 0 : i32
      %dma_wait3A_318 = tpu.memref_slice %arg7[%while3A_311, %dma_wait3A_317] : memref<100x256xi32, #tpu.memory_space<vmem>> -> memref<1x256xi32, #tpu.memory_space<vmem>>
      %dma_wait3A_319 = tpu.memref_squeeze %dma_wait3A_318 : memref<1x256xi32, #tpu.memory_space<vmem>> -> memref<256xi32, #tpu.memory_space<vmem>>
      %dma_wait3A_320 = arith.constant 0 : i32
      %dma_wait3A_321 = arith.constant 0 : i32
      %dma_wait3A_322 = tpu.memref_slice %arg11[%dma_wait3A_320, %dma_wait3A_321] : memref<16776x32xbf16, #tpu.memory_space<vmem_shared>> -> memref<16776x32xbf16, #tpu.memory_space<vmem_shared>>
      tpu.wait_indirect_dma semaphore(%arg13 : memref<!tpu.dma_semaphore, #tpu.memory_space<semaphore_mem>>) src(%dma_wait3A_316 : memref<256x32xbf16, #tpu.memory_space<vmem>>) dst(%dma_wait3A_322 : memref<16776x32xbf16, #tpu.memory_space<vmem_shared>>)
    }
    %while3A_307 = arith.constant 1 : i32
    scf.for %while3A_311 = %while3A_305 to %while3A_301 step %while3A_307  : i32 {
      %and3A_312 = arith.constant 7 : i32
      %and3A_313 = arith.andi %while3A_311, %and3A_312 : i32
      %dma_wait3A = arith.constant 0 : i32
      %dma_wait3A_314 = arith.constant 0 : i32
      %dma_wait3A_315 = tpu.memref_slice %arg9[%and3A_313, %dma_wait3A, %dma_wait3A_314] : memref<8x256x32xbf16, #tpu.memory_space<vmem>> -> memref<1x256x32xbf16, #tpu.memory_space<vmem>>
      %dma_wait3A_316 = tpu.memref_squeeze %dma_wait3A_315 : memref<1x256x32xbf16, #tpu.memory_space<vmem>> -> memref<256x32xbf16, #tpu.memory_space<vmem>>
      %dma_wait3A_317 = arith.constant 0 : i32
      %dma_wait3A_318 = tpu.memref_slice %arg7[%while3A_311, %dma_wait3A_317] : memref<100x256xi32, #tpu.memory_space<vmem>> -> memref<1x256xi32, #tpu.memory_space<vmem>>
      %dma_wait3A_319 = tpu.memref_squeeze %dma_wait3A_318 : memref<1x256xi32, #tpu.memory_space<vmem>> -> memref<256xi32, #tpu.memory_space<vmem>>
      %dma_wait3A_320 = arith.constant 0 : i32
      %dma_wait3A_321 = arith.constant 0 : i32
      %dma_wait3A_322 = tpu.memref_slice %arg11[%dma_wait3A_320, %dma_wait3A_321] : memref<16776x32xbf16, #tpu.memory_space<vmem_shared>> -> memref<16776x32xbf16, #tpu.memory_space<vmem_shared>>
      tpu.wait_indirect_dma semaphore(%arg13 : memref<!tpu.dma_semaphore, #tpu.memory_space<semaphore_mem>>) src(%dma_wait3A_316 : memref<256x32xbf16, #tpu.memory_space<vmem>>) dst(%dma_wait3A_322 : memref<16776x32xbf16, #tpu.memory_space<vmem_shared>>)
    }
    %barrier3A_308 = arith.constant 0 : index
    tpu.barrier barrier_id(%barrier3A_308)
    %add3A_309 = arith.constant 33536 : i32
    %add3A_310 = arith.addi %add3A_309, %mul3A_2 : i32
    "tpu.region"() ({
      %run_scoped3A_311 = tpu.sem_alloc : memref<!tpu.dma_semaphore, #tpu.memory_space<semaphore_mem>>
      %dma_start3A = arith.constant 0 : i32
      %dma_start3A_312 = tpu.memref_slice %arg5[%arg0, %add3A_310, %dma_start3A] : memref<2x50304x32xbf16, #tpu.memory_space<hbm>> -> memref<1x1048x32xbf16, #tpu.memory_space<hbm>>
      %dma_start3A_313 = tpu.memref_squeeze %dma_start3A_312 : memref<1x1048x32xbf16, #tpu.memory_space<hbm>> -> memref<1048x32xbf16, #tpu.memory_space<hbm>>
      %dma_start3A_314 = arith.constant 0 : i32
      %dma_start3A_315 = tpu.memref_slice %arg11[%mul3A_2, %dma_start3A_314] : memref<16776x32xbf16, #tpu.memory_space<vmem_shared>> -> memref<1048x32xbf16, #tpu.memory_space<vmem_shared>>
      tpu.enqueue_dma source(%dma_start3A_315 : memref<1048x32xbf16, #tpu.memory_space<vmem_shared>>) target(%dma_start3A_313 : memref<1048x32xbf16, #tpu.memory_space<hbm>>) target_semaphore(%run_scoped3A_311 : memref<!tpu.dma_semaphore, #tpu.memory_space<semaphore_mem>>)
      %dma_wait3A = arith.constant 0 : i32
      %dma_wait3A_316 = tpu.memref_slice %arg5[%arg0, %add3A_310, %dma_wait3A] : memref<2x50304x32xbf16, #tpu.memory_space<hbm>> -> memref<1x1048x32xbf16, #tpu.memory_space<hbm>>
      %dma_wait3A_317 = tpu.memref_squeeze %dma_wait3A_316 : memref<1x1048x32xbf16, #tpu.memory_space<hbm>> -> memref<1048x32xbf16, #tpu.memory_space<hbm>>
      %dma_wait3A_318 = arith.constant 0 : i32
      %dma_wait3A_319 = tpu.memref_slice %arg11[%mul3A_2, %dma_wait3A_318] : memref<16776x32xbf16, #tpu.memory_space<vmem_shared>> -> memref<1048x32xbf16, #tpu.memory_space<vmem_shared>>
      tpu.wait_dma2 semaphore(%run_scoped3A_311 : memref<!tpu.dma_semaphore, #tpu.memory_space<semaphore_mem>>) src(%dma_wait3A_319 : memref<1048x32xbf16, #tpu.memory_space<vmem_shared>>) dst(%dma_wait3A_317 : memref<1048x32xbf16, #tpu.memory_space<hbm>>)
      tpu.yield
    }) : () -> ()
    return
  }
}

module attributes {stable_mosaic.version = 14 : i64} {
  func.func @_mm_body(%arg0: i32, %arg1: memref<2000x128xf32, #tpu.memory_space<vmem>>, %arg2: memref<128x128xf32, #tpu.memory_space<vmem>>, %arg3: memref<2000x128xbf16, #tpu.memory_space<vmem>>) attributes {dimension_semantics = [#tpu.dimension_semantics<arbitrary>], iteration_bounds = array<i64: 25>, scalar_prefetch = 0 : i64, scratch_operands = 0 : i64, tpu.core_type = #tpu.core_type<tc>, window_params = [{transform_indices = @transform_0, window_bounds = array<i64: 2000, 128>}, {pipeline_mode = #tpu.pipeline_mode<synchronous>, transform_indices = @transform_1, window_bounds = array<i64: 128, 128>}, {transform_indices = @transform_2, window_bounds = array<i64: 2000, 128>}]} {
    %get3A = arith.constant 0 : index
    %get3A_0 = arith.constant 0 : index
    %get3A_1 = vector.load %arg1[%get3A, %get3A_0] : memref<2000x128xf32, #tpu.memory_space<vmem>>, vector<2000x128xf32>
    %get3A_2 = arith.constant 0 : index
    %get3A_3 = arith.constant 0 : index
    %get3A_4 = vector.load %arg2[%get3A_2, %get3A_3] : memref<128x128xf32, #tpu.memory_space<vmem>>, vector<128x128xf32>
    %dot_general3A = arith.constant dense<0.000000e+00> : vector<2000x128xf32>
    %dot_general3A_5 = tpu.matmul %get3A_1, %get3A_4, %dot_general3A {dimension_numbers = #tpu.dot_dimension_numbers<[1], [0], [0], [1], [0, 0, 1, 1], [], []>, transpose_lhs_hint = false} : vector<2000x128xf32>, vector<128x128xf32>, vector<2000x128xf32> -> vector<2000x128xf32>
    %convert_element_type3A = arith.truncf %dot_general3A_5 : vector<2000x128xf32> to vector<2000x128xbf16>
    %swap3A = arith.constant 0 : index
    %swap3A_6 = arith.constant 0 : index
    %swap3A_7 = vector.load %arg3[%swap3A, %swap3A_6] : memref<2000x128xbf16, #tpu.memory_space<vmem>>, vector<2000x128xbf16>
    tpu.vector_store %arg3[%swap3A, %swap3A_6], %convert_element_type3A {strides = array<i32>} : memref<2000x128xbf16, #tpu.memory_space<vmem>>, vector<2000x128xbf16>,
    return
  }
  func.func @transform_0(%arg0: i32) -> (i32, i32) {
    %c0_i32 = arith.constant 0 : i32
    %c0_i32_0 = arith.constant 0 : i32
    return %arg0, %c0_i32 : i32, i32
  }
  func.func @transform_1(%arg0: i32) -> (i32, i32) {
    %c0_i32 = arith.constant 0 : i32
    %c0_i32_0 = arith.constant 0 : i32
    %c0_i32_1 = arith.constant 0 : i32
    return %c0_i32, %c0_i32_0 : i32, i32
  }
  func.func @transform_2(%arg0: i32) -> (i32, i32) {
    %c0_i32 = arith.constant 0 : i32
    %c0_i32_0 = arith.constant 0 : i32
    return %arg0, %c0_i32 : i32, i32
  }
}

module attributes {stable_mosaic.version = 14 : i64} {
  func.func @_comb_body(%arg0: i32, %arg1: memref<2x2000x32xbf16, #tpu.memory_space<vmem>>, %arg2: memref<2000x128xbf16, #tpu.memory_space<vmem>>, %arg3: memref<1x32xf32, #tpu.memory_space<vmem>>, %arg4: memref<32x128xf32, #tpu.memory_space<vmem>>, %arg5: memref<2000x32xf32, #tpu.memory_space<vmem>>, %arg6: memref<2000x128xbf16, #tpu.memory_space<vmem>>) attributes {dimension_semantics = [#tpu.dimension_semantics<arbitrary>], iteration_bounds = array<i64: 25>, scalar_prefetch = 0 : i64, scratch_operands = 0 : i64, tpu.core_type = #tpu.core_type<tc>, window_params = [{transform_indices = @transform_0, window_bounds = array<i64: 2, 2000, 32>}, {transform_indices = @transform_1, window_bounds = array<i64: 2000, 128>}, {pipeline_mode = #tpu.pipeline_mode<synchronous>, transform_indices = @transform_2, window_bounds = array<i64: 1, 32>}, {pipeline_mode = #tpu.pipeline_mode<synchronous>, transform_indices = @transform_3, window_bounds = array<i64: 32, 128>}, {transform_indices = @transform_4, window_bounds = array<i64: 2000, 32>}, {transform_indices = @transform_5, window_bounds = array<i64: 2000, 128>}]} {
    %get3A = arith.constant 0 : index
    %get3A_0 = arith.constant 0 : index
    %get3A_1 = arith.constant 0 : index
    %get3A_2 = vector.load %arg1[%get3A, %get3A_0, %get3A_1] : memref<2x2000x32xbf16, #tpu.memory_space<vmem>>, vector<1x2000x32xbf16>
    %get3A_3 = vector.shape_cast %get3A_2 : vector<1x2000x32xbf16> to vector<2000x32xbf16>
    %convert_element_type3A = arith.extf %get3A_3 : vector<2000x32xbf16> to vector<2000x32xf32>
    %get3A_4 = arith.constant 1 : index
    %get3A_5 = arith.constant 0 : index
    %get3A_6 = arith.constant 0 : index
    %get3A_7 = vector.load %arg1[%get3A_4, %get3A_5, %get3A_6] : memref<2x2000x32xbf16, #tpu.memory_space<vmem>>, vector<1x2000x32xbf16>
    %get3A_8 = vector.shape_cast %get3A_7 : vector<1x2000x32xbf16> to vector<2000x32xbf16>
    %convert_element_type3A_9 = arith.extf %get3A_8 : vector<2000x32xbf16> to vector<2000x32xf32>
    %add3A = arith.addf %convert_element_type3A, %convert_element_type3A_9 : vector<2000x32xf32>
    %get3A_10 = arith.constant 0 : index
    %get3A_11 = arith.constant 0 : index
    %get3A_12 = vector.load %arg2[%get3A_10, %get3A_11] : memref<2000x128xbf16, #tpu.memory_space<vmem>>, vector<2000x32xbf16>
    %convert_element_type3A_13 = arith.extf %get3A_12 : vector<2000x32xbf16> to vector<2000x32xf32>
    %add3A_14 = arith.addf %add3A, %convert_element_type3A_13 : vector<2000x32xf32>
    %get3A_15 = arith.constant 0 : index
    %get3A_16 = arith.constant 0 : index
    %get3A_17 = vector.load %arg3[%get3A_15, %get3A_16] : memref<1x32xf32, #tpu.memory_space<vmem>>, vector<1x32xf32>
    %add3A_18 = vector.broadcast %get3A_17 : vector<1x32xf32> to vector<2000x32xf32>
    %add3A_19 = arith.addf %add3A_14, %add3A_18 : vector<2000x32xf32>
    %tanh3A = math.tanh %add3A_19 : vector<2000x32xf32>
    %swap3A = arith.constant 0 : index
    %swap3A_20 = arith.constant 0 : index
    %swap3A_21 = vector.load %arg5[%swap3A, %swap3A_20] : memref<2000x32xf32, #tpu.memory_space<vmem>>, vector<2000x32xf32>
    tpu.vector_store %arg5[%swap3A, %swap3A_20], %tanh3A {strides = array<i32>} : memref<2000x32xf32, #tpu.memory_space<vmem>>, vector<2000x32xf32>,
    %get3A_22 = arith.constant 0 : index
    %get3A_23 = arith.constant 0 : index
    %get3A_24 = vector.load %arg4[%get3A_22, %get3A_23] : memref<32x128xf32, #tpu.memory_space<vmem>>, vector<32x128xf32>
    %dot_general3A = arith.constant dense<0.000000e+00> : vector<2000x128xf32>
    %dot_general3A_25 = tpu.matmul %tanh3A, %get3A_24, %dot_general3A {dimension_numbers = #tpu.dot_dimension_numbers<[1], [0], [0], [1], [0, 0, 1, 1], [], []>, transpose_lhs_hint = false} : vector<2000x32xf32>, vector<32x128xf32>, vector<2000x128xf32> -> vector<2000x128xf32>
    %convert_element_type3A_26 = arith.truncf %dot_general3A_25 : vector<2000x128xf32> to vector<2000x128xbf16>
    %swap3A_27 = arith.constant 0 : index
    %swap3A_28 = arith.constant 0 : index
    %swap3A_29 = vector.load %arg6[%swap3A_27, %swap3A_28] : memref<2000x128xbf16, #tpu.memory_space<vmem>>, vector<2000x128xbf16>
    tpu.vector_store %arg6[%swap3A_27, %swap3A_28], %convert_element_type3A_26 {strides = array<i32>} : memref<2000x128xbf16, #tpu.memory_space<vmem>>, vector<2000x128xbf16>,
    return
  }
  func.func @transform_0(%arg0: i32) -> (i32, i32, i32) {
    %c0_i32 = arith.constant 0 : i32
    %c0_i32_0 = arith.constant 0 : i32
    %c0_i32_1 = arith.constant 0 : i32
    return %c0_i32, %arg0, %c0_i32_0 : i32, i32, i32
  }
  func.func @transform_1(%arg0: i32) -> (i32, i32) {
    %c0_i32 = arith.constant 0 : i32
    %c0_i32_0 = arith.constant 0 : i32
    return %arg0, %c0_i32 : i32, i32
  }
  func.func @transform_2(%arg0: i32) -> (i32, i32) {
    %c0_i32 = arith.constant 0 : i32
    %c0_i32_0 = arith.constant 0 : i32
    %c0_i32_1 = arith.constant 0 : i32
    return %c0_i32, %c0_i32_0 : i32, i32
  }
  func.func @transform_3(%arg0: i32) -> (i32, i32) {
    %c0_i32 = arith.constant 0 : i32
    %c0_i32_0 = arith.constant 0 : i32
    %c0_i32_1 = arith.constant 0 : i32
    return %c0_i32, %c0_i32_0 : i32, i32
  }
  func.func @transform_4(%arg0: i32) -> (i32, i32) {
    %c0_i32 = arith.constant 0 : i32
    %c0_i32_0 = arith.constant 0 : i32
    return %arg0, %c0_i32 : i32, i32
  }
  func.func @transform_5(%arg0: i32) -> (i32, i32) {
    %c0_i32 = arith.constant 0 : i32
    %c0_i32_0 = arith.constant 0 : i32
    return %arg0, %c0_i32 : i32, i32
  }
}

module attributes {stable_mosaic.version = 14 : i64} {
  func.func @_final_body(%arg0: i32, %arg1: memref<2000x32xf32, #tpu.memory_space<vmem>>, %arg2: memref<2000x32xf32, #tpu.memory_space<vmem>>, %arg3: memref<2000x32xf32, #tpu.memory_space<vmem>>, %arg4: memref<2000x32xf32, #tpu.memory_space<vmem>>, %arg5: memref<128x64xf32, #tpu.memory_space<vmem>>, %arg6: memref<1x64xf32, #tpu.memory_space<vmem>>, %arg7: memref<64x1xf32, #tpu.memory_space<vmem>>, %arg8: memref<1x1xf32, #tpu.memory_space<vmem>>, %arg9: memref<128x64xf32, #tpu.memory_space<vmem>>, %arg10: memref<1x64xf32, #tpu.memory_space<vmem>>, %arg11: memref<64x1xf32, #tpu.memory_space<vmem>>, %arg12: memref<1x1xf32, #tpu.memory_space<vmem>>, %arg13: memref<1x1xf32, #tpu.memory_space<vmem>>, %arg14: memref<1x1xf32, #tpu.memory_space<smem>>, %arg15: memref<1x1xf32, #tpu.memory_space<smem>>, %arg16: memref<1x128xf32, #tpu.memory_space<vmem>>) attributes {dimension_semantics = [#tpu.dimension_semantics<arbitrary>], iteration_bounds = array<i64: 25>, scalar_prefetch = 0 : i64, scratch_operands = 3 : i64, tpu.core_type = #tpu.core_type<tc>, window_params = [{transform_indices = @transform_0, window_bounds = array<i64: 2000, 32>}, {transform_indices = @transform_1, window_bounds = array<i64: 2000, 32>}, {transform_indices = @transform_2, window_bounds = array<i64: 2000, 32>}, {transform_indices = @transform_3, window_bounds = array<i64: 2000, 32>}, {pipeline_mode = #tpu.pipeline_mode<synchronous>, transform_indices = @transform_4, window_bounds = array<i64: 128, 64>}, {pipeline_mode = #tpu.pipeline_mode<synchronous>, transform_indices = @transform_5, window_bounds = array<i64: 1, 64>}, {pipeline_mode = #tpu.pipeline_mode<synchronous>, transform_indices = @transform_6, window_bounds = array<i64: 64, 1>}, {pipeline_mode = #tpu.pipeline_mode<synchronous>, transform_indices = @transform_7, window_bounds = array<i64: 1, 1>}, {pipeline_mode = #tpu.pipeline_mode<synchronous>, transform_indices = @transform_8, window_bounds = array<i64: 128, 64>}, {pipeline_mode = #tpu.pipeline_mode<synchronous>, transform_indices = @transform_9, window_bounds = array<i64: 1, 64>}, {pipeline_mode = #tpu.pipeline_mode<synchronous>, transform_indices = @transform_10, window_bounds = array<i64: 64, 1>}, {pipeline_mode = #tpu.pipeline_mode<synchronous>, transform_indices = @transform_11, window_bounds = array<i64: 1, 1>}, {pipeline_mode = #tpu.pipeline_mode<synchronous>, transform_indices = @transform_12, window_bounds = array<i64: 1, 1>}]} {
    %eq3A = arith.constant 0 : i32
    %eq3A_0 = arith.cmpi eq, %arg0, %eq3A : i32
    %convert_element_type3A = arith.extui %eq3A_0 : i1 to i32
    %cond3A = arith.constant 0 : i32
    %cond3A_1 = arith.cmpi ne, %convert_element_type3A, %cond3A : i32
    scf.if %cond3A_1 {
      %swap3A_73 = arith.constant -1.000000e+30 : f32
      %swap3A_74 = arith.constant 0 : index
      %swap3A_75 = arith.constant 0 : index
      %swap3A_76 = memref.load %arg14[%swap3A_74, %swap3A_75] : memref<1x1xf32, #tpu.memory_space<smem>>
      memref.store %swap3A_73, %arg14[%swap3A_74, %swap3A_75] : memref<1x1xf32, #tpu.memory_space<smem>>
      %swap3A_77 = arith.constant 0.000000e+00 : f32
      %swap3A_78 = arith.constant 0 : index
      %swap3A_79 = arith.constant 0 : index
      %swap3A_80 = memref.load %arg15[%swap3A_78, %swap3A_79] : memref<1x1xf32, #tpu.memory_space<smem>>
      memref.store %swap3A_77, %arg15[%swap3A_78, %swap3A_79] : memref<1x1xf32, #tpu.memory_space<smem>>
      %broadcast_in_dim3A_81 = arith.constant 0.000000e+00 : f32
      %broadcast_in_dim3A_82 = vector.broadcast %broadcast_in_dim3A_81 : f32 to vector<1x128xf32>
      %swap3A_83 = arith.constant 0 : index
      %swap3A_84 = arith.constant 0 : index
      %swap3A_85 = vector.load %arg16[%swap3A_83, %swap3A_84] : memref<1x128xf32, #tpu.memory_space<vmem>>, vector<1x128xf32>
      tpu.vector_store %arg16[%swap3A_83, %swap3A_84], %broadcast_in_dim3A_82 {strides = array<i32>} : memref<1x128xf32, #tpu.memory_space<vmem>>, vector<1x128xf32>,
    } else {
    }
    %get3A = arith.constant 0 : index
    %get3A_2 = arith.constant 0 : index
    %get3A_3 = vector.load %arg1[%get3A, %get3A_2] : memref<2000x32xf32, #tpu.memory_space<vmem>>, vector<2000x32xf32>
    %get3A_4 = arith.constant 0 : index
    %get3A_5 = arith.constant 0 : index
    %get3A_6 = vector.load %arg2[%get3A_4, %get3A_5] : memref<2000x32xf32, #tpu.memory_space<vmem>>, vector<2000x32xf32>
    %get3A_7 = arith.constant 0 : index
    %get3A_8 = arith.constant 0 : index
    %get3A_9 = vector.load %arg3[%get3A_7, %get3A_8] : memref<2000x32xf32, #tpu.memory_space<vmem>>, vector<2000x32xf32>
    %get3A_10 = arith.constant 0 : index
    %get3A_11 = arith.constant 0 : index
    %get3A_12 = vector.load %arg4[%get3A_10, %get3A_11] : memref<2000x32xf32, #tpu.memory_space<vmem>>, vector<2000x32xf32>
    %concatenate3A = tpu.concatenate %get3A_3, %get3A_6, %get3A_9, %get3A_12 in 1 : vector<2000x32xf32>, vector<2000x32xf32>, vector<2000x32xf32>, vector<2000x32xf32> -> vector<2000x128xf32>
    %get3A_13 = arith.constant 0 : index
    %get3A_14 = arith.constant 0 : index
    %get3A_15 = vector.load %arg5[%get3A_13, %get3A_14] : memref<128x64xf32, #tpu.memory_space<vmem>>, vector<128x64xf32>
    %dot_general3A = arith.constant dense<0.000000e+00> : vector<2000x64xf32>
    %dot_general3A_16 = tpu.matmul %concatenate3A, %get3A_15, %dot_general3A {dimension_numbers = #tpu.dot_dimension_numbers<[1], [0], [0], [1], [0, 0, 1, 1], [], []>, transpose_lhs_hint = false} : vector<2000x128xf32>, vector<128x64xf32>, vector<2000x64xf32> -> vector<2000x64xf32>
    %get3A_17 = arith.constant 0 : index
    %get3A_18 = arith.constant 0 : index
    %get3A_19 = vector.load %arg6[%get3A_17, %get3A_18] : memref<1x64xf32, #tpu.memory_space<vmem>>, vector<1x64xf32>
    %add3A = vector.broadcast %get3A_19 : vector<1x64xf32> to vector<2000x64xf32>
    %add3A_20 = arith.addf %dot_general3A_16, %add3A : vector<2000x64xf32>
    %tanh3A = math.tanh %add3A_20 : vector<2000x64xf32>
    %get3A_21 = arith.constant 0 : index
    %get3A_22 = arith.constant 0 : index
    %get3A_23 = vector.load %arg7[%get3A_21, %get3A_22] : memref<64x1xf32, #tpu.memory_space<vmem>>, vector<64x1xf32>
    %dot_general3A_24 = arith.constant dense<0.000000e+00> : vector<2000x1xf32>
    %dot_general3A_25 = tpu.matmul %tanh3A, %get3A_23, %dot_general3A_24 {dimension_numbers = #tpu.dot_dimension_numbers<[1], [0], [0], [1], [0, 0, 1, 1], [], []>, transpose_lhs_hint = false} : vector<2000x64xf32>, vector<64x1xf32>, vector<2000x1xf32> -> vector<2000x1xf32>
    %get3A_26 = arith.constant 0 : index
    %get3A_27 = arith.constant 0 : index
    %get3A_28 = vector.load %arg8[%get3A_26, %get3A_27] : memref<1x1xf32, #tpu.memory_space<vmem>>, vector<1x1xf32>
    %get3A_29 = vector.extract %get3A_28[0, 0] : f32 from vector<1x1xf32>
    %add3A_30 = vector.broadcast %get3A_29 : f32 to vector<2000x1xf32>
    %add3A_31 = arith.addf %dot_general3A_25, %add3A_30 : vector<2000x1xf32>
    %get3A_32 = arith.constant 0 : index
    %get3A_33 = arith.constant 0 : index
    %get3A_34 = memref.load %arg14[%get3A_32, %get3A_33] : memref<1x1xf32, #tpu.memory_space<smem>>
    %reduce_max3A = vector.shape_cast %add3A_31 : vector<2000x1xf32> to vector<1x2000x1xf32>
    %reduce_max3A_35 = arith.constant dense<0xFF800000> : vector<1xf32>
    %reduce_max3A_36 = vector.multi_reduction <maximumf>, %reduce_max3A, %reduce_max3A_35 [1, 2] : vector<1x2000x1xf32> to vector<1xf32>
    %reduce_max3A_37 = vector.shape_cast %reduce_max3A_36 : vector<1xf32> to vector<1x1x1xf32>
    %reduce_max3A_38 = vector.extract %reduce_max3A_37[0, 0, 0] : f32 from vector<1x1x1xf32>
    %max3A = arith.maximumf %get3A_34, %reduce_max3A_38 : f32
    %sub3A = arith.subf %get3A_34, %max3A : f32
    %exp3A = math.exp %sub3A : f32
    %sub3A_39 = vector.broadcast %max3A : f32 to vector<2000x1xf32>
    %sub3A_40 = arith.subf %add3A_31, %sub3A_39 : vector<2000x1xf32>
    %exp3A_41 = math.exp %sub3A_40 : vector<2000x1xf32>
    %get3A_42 = arith.constant 0 : index
    %get3A_43 = arith.constant 0 : index
    %get3A_44 = memref.load %arg15[%get3A_42, %get3A_43] : memref<1x1xf32, #tpu.memory_space<smem>>
    %mul3A = arith.mulf %get3A_44, %exp3A : f32
    %reduce_sum3A = vector.shape_cast %exp3A_41 : vector<2000x1xf32> to vector<1x2000x1xf32>
    %reduce_sum3A_45 = arith.constant dense<0.000000e+00> : vector<1xf32>
    %reduce_sum3A_46 = vector.multi_reduction <add>, %reduce_sum3A, %reduce_sum3A_45 [1, 2] : vector<1x2000x1xf32> to vector<1xf32>
    %reduce_sum3A_47 = vector.shape_cast %reduce_sum3A_46 : vector<1xf32> to vector<1x1x1xf32>
    %reduce_sum3A_48 = vector.extract %reduce_sum3A_47[0, 0, 0] : f32 from vector<1x1x1xf32>
    %add3A_49 = arith.addf %mul3A, %reduce_sum3A_48 : f32
    %swap3A = arith.constant 0 : index
    %swap3A_50 = arith.constant 0 : index
    %swap3A_51 = memref.load %arg15[%swap3A, %swap3A_50] : memref<1x1xf32, #tpu.memory_space<smem>>
    memref.store %add3A_49, %arg15[%swap3A, %swap3A_50] : memref<1x1xf32, #tpu.memory_space<smem>>
    %get3A_52 = arith.constant 0 : index
    %get3A_53 = arith.constant 0 : index
    %get3A_54 = vector.load %arg16[%get3A_52, %get3A_53] : memref<1x128xf32, #tpu.memory_space<vmem>>, vector<1x128xf32>
    %mul3A_55 = vector.broadcast %exp3A : f32 to vector<1x128xf32>
    %mul3A_56 = arith.mulf %get3A_54, %mul3A_55 : vector<1x128xf32>
    %mul3A_57 = vector.broadcast %exp3A_41 : vector<2000x1xf32> to vector<2000x128xf32>
    %mul3A_58 = arith.mulf %mul3A_57, %concatenate3A : vector<2000x128xf32>
    %reduce_sum3A_59 = arith.constant dense<0.000000e+00> : vector<128xf32>
    %reduce_sum3A_60 = vector.multi_reduction <add>, %mul3A_58, %reduce_sum3A_59 [0] : vector<2000x128xf32> to vector<128xf32>
    %broadcast_in_dim3A = vector.shape_cast %reduce_sum3A_60 : vector<128xf32> to vector<1x128xf32>
    %add3A_61 = arith.addf %mul3A_56, %broadcast_in_dim3A : vector<1x128xf32>
    %swap3A_62 = arith.constant 0 : index
    %swap3A_63 = arith.constant 0 : index
    %swap3A_64 = vector.load %arg16[%swap3A_62, %swap3A_63] : memref<1x128xf32, #tpu.memory_space<vmem>>, vector<1x128xf32>
    tpu.vector_store %arg16[%swap3A_62, %swap3A_63], %add3A_61 {strides = array<i32>} : memref<1x128xf32, #tpu.memory_space<vmem>>, vector<1x128xf32>,
    %swap3A_65 = arith.constant 0 : index
    %swap3A_66 = arith.constant 0 : index
    %swap3A_67 = memref.load %arg14[%swap3A_65, %swap3A_66] : memref<1x1xf32, #tpu.memory_space<smem>>
    memref.store %max3A, %arg14[%swap3A_65, %swap3A_66] : memref<1x1xf32, #tpu.memory_space<smem>>
    %eq3A_68 = arith.constant 24 : i32
    %eq3A_69 = arith.cmpi eq, %arg0, %eq3A_68 : i32
    %convert_element_type3A_70 = arith.extui %eq3A_69 : i1 to i32
    %cond3A_71 = arith.constant 0 : i32
    %cond3A_72 = arith.cmpi ne, %convert_element_type3A_70, %cond3A_71 : i32
    scf.if %cond3A_72 {
      %get3A_73 = arith.constant 0 : index
      %get3A_74 = arith.constant 0 : index
      %get3A_75 = vector.load %arg16[%get3A_73, %get3A_74] : memref<1x128xf32, #tpu.memory_space<vmem>>, vector<1x128xf32>
      %get3A_76 = arith.constant 0 : index
      %get3A_77 = arith.constant 0 : index
      %get3A_78 = memref.load %arg15[%get3A_76, %get3A_77] : memref<1x1xf32, #tpu.memory_space<smem>>
      %div3A = vector.broadcast %get3A_78 : f32 to vector<1x128xf32>
      %div3A_79 = arith.divf %get3A_75, %div3A : vector<1x128xf32>
      %get3A_80 = arith.constant 0 : index
      %get3A_81 = arith.constant 0 : index
      %get3A_82 = vector.load %arg9[%get3A_80, %get3A_81] : memref<128x64xf32, #tpu.memory_space<vmem>>, vector<128x64xf32>
      %dot_general3A_83 = arith.constant dense<0.000000e+00> : vector<1x64xf32>
      %dot_general3A_84 = tpu.matmul %div3A_79, %get3A_82, %dot_general3A_83 {dimension_numbers = #tpu.dot_dimension_numbers<[1], [0], [0], [1], [0, 0, 1, 1], [], []>, transpose_lhs_hint = false} : vector<1x128xf32>, vector<128x64xf32>, vector<1x64xf32> -> vector<1x64xf32>
      %get3A_85 = arith.constant 0 : index
      %get3A_86 = arith.constant 0 : index
      %get3A_87 = vector.load %arg10[%get3A_85, %get3A_86] : memref<1x64xf32, #tpu.memory_space<vmem>>, vector<1x64xf32>
      %add3A_88 = arith.addf %dot_general3A_84, %get3A_87 : vector<1x64xf32>
      %max3A_89 = arith.constant 0.000000e+00 : f32
      %max3A_90 = vector.broadcast %max3A_89 : f32 to vector<1x64xf32>
      %max3A_91 = arith.maximumf %add3A_88, %max3A_90 : vector<1x64xf32>
      %get3A_92 = arith.constant 0 : index
      %get3A_93 = arith.constant 0 : index
      %get3A_94 = vector.load %arg11[%get3A_92, %get3A_93] : memref<64x1xf32, #tpu.memory_space<vmem>>, vector<64x1xf32>
      %dot_general3A_95 = arith.constant dense<0.000000e+00> : vector<1x1xf32>
      %dot_general3A_96 = tpu.matmul %max3A_91, %get3A_94, %dot_general3A_95 {dimension_numbers = #tpu.dot_dimension_numbers<[1], [0], [0], [1], [0, 0, 1, 1], [], []>, transpose_lhs_hint = false} : vector<1x64xf32>, vector<64x1xf32>, vector<1x1xf32> -> vector<1x1xf32>
      %get3A_97 = arith.constant 0 : index
      %get3A_98 = arith.constant 0 : index
      %get3A_99 = vector.load %arg12[%get3A_97, %get3A_98] : memref<1x1xf32, #tpu.memory_space<vmem>>, vector<1x1xf32>
      %get3A_100 = vector.extract %get3A_99[0, 0] : f32 from vector<1x1xf32>
      %add3A_101 = vector.broadcast %get3A_100 : f32 to vector<1x1xf32>
      %add3A_102 = arith.addf %dot_general3A_96, %add3A_101 : vector<1x1xf32>
      %neg3A = arith.constant 0.000000e+00 : f32
      %neg3A_103 = vector.broadcast %neg3A : f32 to vector<1x1xf32>
      %neg3A_104 = arith.subf %neg3A_103, %add3A_102 : vector<1x1xf32>
      %exp3A_105 = math.exp %neg3A_104 : vector<1x1xf32>
      %add3A_106 = arith.constant 1.000000e+00 : f32
      %add3A_107 = vector.broadcast %add3A_106 : f32 to vector<1x1xf32>
      %add3A_108 = arith.addf %add3A_107, %exp3A_105 : vector<1x1xf32>
      %div3A_109 = arith.constant 1.000000e+00 : f32
      %div3A_110 = vector.broadcast %div3A_109 : f32 to vector<1x1xf32>
      %div3A_111 = arith.divf %div3A_110, %add3A_108 : vector<1x1xf32>
      %swap3A_112 = arith.constant 0 : index
      %swap3A_113 = arith.constant 0 : index
      %swap3A_114 = vector.load %arg13[%swap3A_112, %swap3A_113] : memref<1x1xf32, #tpu.memory_space<vmem>>, vector<1x1xf32>
      tpu.vector_store %arg13[%swap3A_112, %swap3A_113], %div3A_111 {strides = array<i32>} : memref<1x1xf32, #tpu.memory_space<vmem>>, vector<1x1xf32>,
    } else {
    }
    return
  }
  func.func @transform_0(%arg0: i32) -> (i32, i32) {
    %c0_i32 = arith.constant 0 : i32
    %c0_i32_0 = arith.constant 0 : i32
    return %arg0, %c0_i32 : i32, i32
  }
  func.func @transform_1(%arg0: i32) -> (i32, i32) {
    %c0_i32 = arith.constant 0 : i32
    %c0_i32_0 = arith.constant 0 : i32
    return %arg0, %c0_i32 : i32, i32
  }
  func.func @transform_2(%arg0: i32) -> (i32, i32) {
    %c0_i32 = arith.constant 0 : i32
    %c0_i32_0 = arith.constant 0 : i32
    return %arg0, %c0_i32 : i32, i32
  }
  func.func @transform_3(%arg0: i32) -> (i32, i32) {
    %c0_i32 = arith.constant 0 : i32
    %c0_i32_0 = arith.constant 0 : i32
    return %arg0, %c0_i32 : i32, i32
  }
  func.func @transform_4(%arg0: i32) -> (i32, i32) {
    %c0_i32 = arith.constant 0 : i32
    %c0_i32_0 = arith.constant 0 : i32
    %c0_i32_1 = arith.constant 0 : i32
    return %c0_i32, %c0_i32_0 : i32, i32
  }
  func.func @transform_5(%arg0: i32) -> (i32, i32) {
    %c0_i32 = arith.constant 0 : i32
    %c0_i32_0 = arith.constant 0 : i32
    %c0_i32_1 = arith.constant 0 : i32
    return %c0_i32, %c0_i32_0 : i32, i32
  }
  func.func @transform_6(%arg0: i32) -> (i32, i32) {
    %c0_i32 = arith.constant 0 : i32
    %c0_i32_0 = arith.constant 0 : i32
    %c0_i32_1 = arith.constant 0 : i32
    return %c0_i32, %c0_i32_0 : i32, i32
  }
  func.func @transform_7(%arg0: i32) -> (i32, i32) {
    %c0_i32 = arith.constant 0 : i32
    %c0_i32_0 = arith.constant 0 : i32
    %c0_i32_1 = arith.constant 0 : i32
    return %c0_i32, %c0_i32_0 : i32, i32
  }
  func.func @transform_8(%arg0: i32) -> (i32, i32) {
    %c0_i32 = arith.constant 0 : i32
    %c0_i32_0 = arith.constant 0 : i32
    %c0_i32_1 = arith.constant 0 : i32
    return %c0_i32, %c0_i32_0 : i32, i32
  }
  func.func @transform_9(%arg0: i32) -> (i32, i32) {
    %c0_i32 = arith.constant 0 : i32
    %c0_i32_0 = arith.constant 0 : i32
    %c0_i32_1 = arith.constant 0 : i32
    return %c0_i32, %c0_i32_0 : i32, i32
  }
  func.func @transform_10(%arg0: i32) -> (i32, i32) {
    %c0_i32 = arith.constant 0 : i32
    %c0_i32_0 = arith.constant 0 : i32
    %c0_i32_1 = arith.constant 0 : i32
    return %c0_i32, %c0_i32_0 : i32, i32
  }
  func.func @transform_11(%arg0: i32) -> (i32, i32) {
    %c0_i32 = arith.constant 0 : i32
    %c0_i32_0 = arith.constant 0 : i32
    %c0_i32_1 = arith.constant 0 : i32
    return %c0_i32, %c0_i32_0 : i32, i32
  }
  func.func @transform_12(%arg0: i32) -> (i32, i32) {
    %c0_i32 = arith.constant 0 : i32
    %c0_i32_0 = arith.constant 0 : i32
    %c0_i32_1 = arith.constant 0 : i32
    return %c0_i32, %c0_i32_0 : i32, i32
  }
}

</mosaic_0001>

<sc_bundles>
// kernel: closed_call.17.cloned.1.call-start
scs
__scs_entry_jumppad:
0x0: {  	(pc) =	sbr.rel $0x88, $3  }
0x1: {  	(tag) =	ssettag $0x0;
	lr =	simm.s32 $0x1  }
0x2: {  	[smem:$0x3F86] =	sst lr;
	_ =	strace $0xD0000000  }
0x3: {  	_ = 	snop  }
0x4: {  	_ = 	snop  }
0x5: {  	_ = 	snop  }
0x6: {  	_ = 	snop  }
0x7: {  	_ = 	snop  }
__scs_overlays_trampoline_lowered:
0x8: {  	[smem:$0x3F95] =	sst s0  }
0x9: {  	[smem:$0x3F96] =	sst s1  }
0xa: {  	[smem:$0x3F97] =	sst s2  }
0xb: {  	[smem:$0x3F98] =	sst s3  }
0xc: {  	[smem:$0x3F99] =	sst s4  }
0xd: {  	[smem:$0x3F9A] =	sst s5  }
0xe: {  	[smem:$0x3F9B] =	sst s6  }
0xf: {  	[smem:$0x3F9C] =	sst s7  }
0x10: {  	[smem:$0x3F9D] =	sst s8  }
0x11: {  	[smem:$0x3F9E] =	sst s9;
	s0 =	simm.s32 @!p0 $0x0  }
0x12: {  	s1 =	sld [smem:$0x3F84];
	s0 =	simm.s32 @p0 $0x1  }
0x13: {  	[smem:$0x3F9F] =	sst s0;
	s0 =	simm.s32 @!p1 $0x0  }
0x14: {  	s2 =	sld [smem:$0x3F83];
	s0 =	simm.s32 @p1 $0x1  }
0x15: {  	[smem:$0x3FA0] =	sst s0;
	s0 =	simm.s32 @!p2 $0x0  }
0x16: {  	s3 =	sld [smem:$0x3FDB];
	s0 =	simm.s32 @p2 $0x1  }
0x17: {  	s4 =	simm.s32 $0x1BF5;
	[smem:$0x3FA2] =	sst s0  }
0x18: {  	s0 =	sld [smem:$0x3F85];
	_ =	swait.ge [sflag:s4], $0x0  }
0x19: {  	s7 =	sld [smem:$0x3F86]  }
0x1a: {  	s8 =	sadd.s32 $0xFFFFE003, lr  }
0x1b: {  	s9 =	sadd.s32 $0xFFFFFEF7, lr;
	s5 =	simm.s32 $0xFFFFFFFF;
	p2 =	slt.u32 s8, $0xFFFFF086  }
0x1c: {  	p1 =	slt.u32 s9, $0xF7A;
	s5 =	simm.s32 @!p2 $0x0  }
0x1d: {  	s5 =	simm.s32 @p1 $0x1;
	p0 =	seq.s32 s7, s2  }
0x1e: {  	s7 =	smul.u32 @!p0 $0xF7A, s2;
	p2 =	seq.s32 @!p0 s5, $0x0  }
0x1f: {  	s9 =	smul.u32 $0xF7A, s1;
	s8 =	simm.s32 @!p0 $0x1BF5;
	p2 =	por !p2, p0  }
0x20: {  	[sflag:s8] =	ssyncset.s32 @!p0 $0xFFFFF086;
	s6 =	sadd.s32 @!p0 s3, s7;
	s7 =	simm.s32 @!p0 $0x108  }
0x21: {  	s3 =	sadd.s32 s3, s9;
	s6 =	sadd.s32 @!p0 $0x88, s6;
	s7 =	simm.s32 @p2 $0x1082  }
0x22: {  	[simem:s7], [sflag:s8] =	dma.local @!p0 [hbm:s6], $0xF7A  }
0x23: {  	s9 =	sor.u32 $0xD0000000, s2;
	s6 =	simm.s32 $0x108;
	_ =	swait.ge @!p0 [sflag:s8], $0x0  }
0x24: {  	s3 =	sadd.s32 $0x88, s3;
	s6 =	simm.s32 @!p1 $0x1082;
	[sflag:s4] =	ssyncset.s32 $0xFFFFF086  }
0x25: {  	[simem:s6], [sflag:s4] =	dma.local [hbm:s3], $0xF7A  }
0x26: {  	[smem:$0x3F86] =	sst s1;
	(tag) =	ssettag s2;
	_ =	strace s9  }
0x27: {  	s1 =	sld [smem:$0x3F96]  }
0x28: {  	s2 =	sld [smem:$0x3F97]  }
0x29: {  	s4 =	sld [smem:$0x3F99]  }
0x2a: {  	p0 =	seq.s32 s5, $0x0;
	s5 =	sld [smem:$0x3F9A]  }
0x2b: {  	s6 =	sld [smem:$0x3F9B]  }
0x2c: {  	s7 =	sld [smem:$0x3F9C]  }
0x2d: {  	s3 =	simm.s32 $0x108;
	s8 =	sld [smem:$0x3F9D]  }
0x2e: {  	s3 =	simm.s32 @!p0 $0x1082;
	s9 =	sld [smem:$0x3F9E]  }
0x2f: {  	lr =	sadd.s32 s0, s3;
	s0 =	sld [smem:$0x3F95]  }
0x30: {  	s3 =	sld [smem:$0x3F98]  }
0x31: {  	[smem:$0x3FA1] =	sst s10  }
0x32: {  	s10 =	sld [smem:$0x3F9F];
	_ =	sdelay $0x3  }
0x33: {  	p0 =	seq.s32 s10, $0x1;
	s10 =	sld [smem:$0x3FA1];
	_ =	sdelay $0x3  }
0x34: {  	[smem:$0x3FA1] =	sst s10  }
0x35: {  	s10 =	sld [smem:$0x3FA0];
	_ =	sdelay $0x3  }
0x36: {  	p1 =	seq.s32 s10, $0x1;
	s10 =	sld [smem:$0x3FA1];
	_ =	sdelay $0x3  }
0x37: {  	[smem:$0x3FA1] =	sst s10  }
0x38: {  	s10 =	sld [smem:$0x3FA2]  }
0x39: {  	_ = 	snop;
	(pc) =	sbr.ind lr, $3  }
0x3a: {  	_ = 	snop  }
0x3b: {  	_ = 	snop  }
0x3c: {  	p2 =	seq.s32 s10, $0x1;
	s10 =	sld [smem:$0x3FA1]  }
0x3d: {  	_ =	shalt  }
0x3e: {  	_ =	shalt  }
0x3f: {  	_ =	shalt  }
0x40: {  	_ =	shalt  }
0x41: {  	_ =	shalt  }
0x42: {  	_ =	shalt  }
0x43: {  	_ =	shalt  }
0x44: {  	_ =	shalt  }
0x45: {  	_ =	shalt  }
0x46: {  	_ =	shalt  }
0x47: {  	_ =	shalt  }
0x48: {  	_ =	shalt  }
0x49: {  	_ =	shalt  }
0x4a: {  	_ =	shalt  }
0x4b: {  	_ =	shalt  }
0x4c: {  	_ =	shalt  }
0x4d: {  	_ =	shalt  }
0x4e: {  	_ =	shalt  }
0x4f: {  	_ =	shalt  }
0x50: {  	_ =	shalt  }
0x51: {  	_ =	shalt  }
0x52: {  	_ =	shalt  }
0x53: {  	_ =	shalt  }
0x54: {  	_ =	shalt  }
0x55: {  	_ =	shalt  }
0x56: {  	_ =	shalt  }
0x57: {  	_ =	shalt  }
0x58: {  	_ =	shalt  }
0x59: {  	_ =	shalt  }
0x5a: {  	_ =	shalt  }
0x5b: {  	_ =	shalt  }
0x5c: {  	_ =	shalt  }
0x5d: {  	_ =	shalt  }
0x5e: {  	_ =	shalt  }
0x5f: {  	_ =	shalt  }
0x60: {  	_ =	shalt  }
0x61: {  	_ =	shalt  }
0x62: {  	_ =	shalt  }
0x63: {  	_ =	shalt  }
0x64: {  	_ =	shalt  }
0x65: {  	_ =	shalt  }
0x66: {  	_ =	shalt  }
0x67: {  	_ =	shalt  }
0x68: {  	_ =	shalt  }
0x69: {  	_ =	shalt  }
0x6a: {  	_ =	shalt  }
0x6b: {  	_ =	shalt  }
0x6c: {  	_ =	shalt  }
0x6d: {  	_ =	shalt  }
0x6e: {  	_ =	shalt  }
0x6f: {  	_ =	shalt  }
0x70: {  	_ =	shalt  }
0x71: {  	_ =	shalt  }
0x72: {  	_ =	shalt  }
0x73: {  	_ =	shalt  }
0x74: {  	_ =	shalt  }
0x75: {  	_ =	shalt  }
0x76: {  	_ =	shalt  }
0x77: {  	_ =	shalt  }
0x78: {  	_ =	shalt  }
0x79: {  	_ =	shalt  }
0x7a: {  	_ =	shalt  }
0x7b: {  	_ =	shalt  }
0x7c: {  	_ =	shalt  }
0x7d: {  	_ =	shalt  }
0x7e: {  	_ =	shalt  }
0x7f: {  	_ =	shalt  }
0x80: {  	_ =	shalt  }
0x81: {  	_ =	shalt  }
0x82: {  	_ =	shalt  }
0x83: {  	_ =	shalt  }
0x84: {  	_ =	shalt  }
0x85: {  	_ =	shalt  }
0x86: {  	_ =	shalt  }
0x87: {  	_ =	shalt  }
.Lfunc_end0:
.L_simem_size_0:
called_computation.2_lowered:
.L_overlay_start_0:
0x88: {  	s2 =	sld [smem:$0x3FD9]  }
0x89: {  	s3 =	sld [smem:$0x3FFE];
	_ =	sdelay $0x1  }
0x8a: {  	s1 =	srdreg.scid  }
0x8b: {  	s0 =	sand.u32 $0x1, s1  }
0x8c: {  	s16 =	sshll.u32 s0, $0xA;
	s2 =	sadd.s32 s3, s2  }
0x8d: {  	s2 =	sadd.s32 s2, s16  }
0x8e: {  	[smem:$0x3FAD] =	sst s2  }
0x8f: {  	_ = 	snop  }
0x90: {  	(tm) =	ssettm $0x1  }
0x91: {  	s17 =	sld [smem:$0x3FFB];
	_ =	sdelay $0x3  }
0x92: {  	_ =	strace s17  }
0x93: {  	s2 =	sld [smem:$0x3FFC];
	_ =	sdelay $0x3  }
0x94: {  	_ =	strace s2  }
0x95: {  	s2 =	sld [smem:$0x3FFD];
	_ =	sdelay $0x3  }
0x96: {  	_ =	strace s2  }
0x97: {  	_ =	strace $0x8FFFFFFF  }
0x98: {  	s18 =	sld [smem:$0x3FDB];
	_ =	sdelay $0x1  }
0x99: {  	s19 =	simm.s32 $_scs_section_size  }
0x9a: {  	s4 =	simm.s32 $_size__tile_overlayer_lowered;
	s5 =	simm.s32 $_tile_overlayer_lowered  }
0x9b: {  	s22 =	simm.s32 $0x1BFF;
	s21 =	sshll.u32 s5, $0x1;
	s2 =	sadd.s32 s19, s18  }
0x9c: {  	s6 =	simm.s32 $0x0;
	s20 =	sshll.u32 s4, $0x1;
	s4 =	sadd.s32 s21, s2  }
0x9d: {  	[timem:s6], [sflag:s22] =	dma.local [hbm:s4], s20  }
0x9e: {  	_ =	swait.ge [sflag:s22], s20  }
0x9f: {  	s3 =	ssub.s32 $0x0, s20;
	[sflag:s22] =	ssyncset.done $0x0  }
0xa0: {  	[sflag:s22] =	ssyncadd.s32 s3;
	_ =	sdelay $0x1  }
0xa1: {  	s23 =	simm.s32 $0x1B8B  }
0xa2: {  	_ =	swait.ge [sflag:s23], $0x1  }
0xa3: {  	[sflag:s23] =	ssyncset.done $0x0  }
0xa4: {  	s25 =	simm.s32 $0x1B8E;
	s24 =	sld [smem:$0x3FFE];
	[sflag:s23] =	ssyncadd.s32 $0xFFFFFFFF  }
0xa5: {  	s26 =	simm.s32 $execute0_lowered;
	[smem:$0x3FD2] =	sst s25  }
0xa6: {  	s4 =	sshll.u32 s26, $0x1;
	_ =	strace $0x8000004C;
	[dreg:$0x1] =	wrdreg $0xFFFFFFFF  }
0xa7: {  	s28 =	simm.s32 $_size_execute0_lowered;
	s2 =	sadd.s32 s2, s4;
	[dreg:$0x0] =	wrdreg $0x0  }
0xa8: {  	s4 =	sshll.u32 s28, $0x1;
	[dreg:$0x2] =	wrdreg s2  }
0xa9: {  	[dreg:$0x3] =	wrdreg s4  }
0xaa: {  	[dreg:$0x4] =	wrdreg $0xC0  }
0xab: {  	_ =	task [dreg:s6], $0x5FFFF  }
0xac: {  	[dreg:$0x1] =	wrdreg $0xFFFFFFFF  }
0xad: {  	[dreg:$0x0] =	wrdreg $0x60  }
0xae: {  	[dreg:$0x2] =	wrdreg s24  }
0xaf: {  	[dreg:$0x3] =	wrdreg $0x189C00  }
0xb0: {  	[dreg:$0x4] =	wrdreg $0x9  }
0xb1: {  	_ =	task.clear_ibuf [dreg:s6], $0x5FFFF;
	_ =	strace $0x9000004C  }
0xb2: {  	s29 =	simm.s32 $0x9;
	_ =	strace $0x8000004E  }
0xb3: {  	_ =	swait.ge [sflag:s29], $0x1  }
0xb4: {  	[sflag:s29] =	ssyncadd.s32 $0xFFFFFFFF  }
0xb5: {  	_ =	strace $0x9000004E  }
0xb6: {  	_ =	sfence  }
0xb7: {  	s30 =	sld [smem:$0x0];
	_ =	sdelay $0x2  }
0xb8: {  	s31 =	sshll.u32 s1, $0xD;
	s1 =	sshrl.u32 s1, $0x2  }
0xb9: {  	s3 =	sand.u32 $0x4000, s31;
	s1 =	sadd.s32 s1, s30  }
0xba: {  	s0 =	sor.u32 s3, s0;
	s1 =	sshll.u32 s1, $0x11  }
0xbb: {  	s0 =	sor.u32 s1, s0  }
0xbc: {  	s0 =	sadd.s32 $0x8F2B, s0  }
0xbd: {  	[sflag:s0] =	ssyncadd.remote.s32 $0x1  }
0xbe: {  	_ =	sfence.sel $0xFFFF  }
0xbf: {  	[dreg:$0x0] =	wrdreg $0xFFFFFFFF;
	(pc) =	sbr.abs _section_cstart, $3  }
0xc0: {  	[dreg:$0x1] =	wrdreg $0xFFFFFFFF  }
0xc1: {  	_ =	task.clear_ibuf [dreg:s6], $0x2FFFF;
	_ =	strace $0x9FFFFFFF  }
0xc2: {  	(tm) =	ssettm $0x7FFFFFFF  }
0xc3: {  	_ =	shalt  }
tec
execute0_lowered:
.L_overlay_start_1:
0x0: {  	(tag) =	ssettag $0x1  }
0x1: {  	s0 =	srdreg.scid;
	s5 =	rddreg [dreg:$0x0]  }
0x2: {  	s4 =	stileid.u32;
	s2 =	rddreg [dreg:$0x1]  }
0x3: {  	s3 =	simm.s32 $0x0;
	s15 =	simm.s32 $0x3;
	s17 =	simm.s32 $0x14840  }
0x4: {  	s18 =	simm.s32 $0x6400;
	s19 =	simm.s32 $0x1;
	s20 =	simm.s32 $0x100  }
0x5: {  	s21 =	simm.s32 $0x2;
	s22 =	simm.s32 $0x0;
	s0 =	sand.u32 $0x1, s0  }
0x6: {  	s9 =	smul.u32 $0x8300, s4;
	[smem:$0x7FF] =	sst s3;
	s1 =	sshll.u32 s0, $0x4  }
0x7: {  	s7 =	smul.u32 $0x189000, s0;
	_ =	strace $0x8000004D;
	s0 =	ssub.s32 $0x2, s0  }
0x8: {  	s1 =	sor.u32 s4, s1;
	s4 =	sadd.s32 $0x45B000, s5;
	s29 =	sshrl.u32 s0, $0x1  }
0x9: {  	s31 =	sshrl.u32 s9, $0x1;
	s6 =	smul.u32 $0x6400, s1;
	s7 =	sadd.s32 s9, s7  }
0xa: {  	s1 =	sshll.u32 s1, $0x3;
	s0 =	ssub.s32 s0, s29;
	s11 =	sadd.s32 s31, s2  }
0xb: {  	s7 =	sshrl.u32 s7, $0x4;
	s1 =	sadd.s32 s1, s5;
	s6 =	sshrl.u32 s6, $0x3  }
.Ltmp0:
0xc: {  	s14 =	smax.u32 s0, $0x1;
	s6 =	sadd.s32 s6, s5;
	(pc) =	sbr.rel .LBB2_1-.Ltmp0, $4  }
0xd: {  	s1 =	sadd.s32 $0x375C00, s1;
	s5 =	sadd.s32 s7, s5;
	s8 =	sadd.s32 $0x311C00, s6  }
0xe: {  	[dreg:$0x4] =	wrdreg s1;
	s30 =	sadd.s32 $0x32AC00, s6;
	s9 =	sadd.s32 $0x343C00, s6  }
0xf: {  	s10 =	sadd.s32 $0x4C4F00, s5;
	s12 =	sadd.s32 $0x35CC00, s6;
	[dreg:$0x3] =	wrdreg s8  }
0x10: {  	v0 =	vimm.bf16 $0.0e+00;
	s13 =	sadd.s32 $0x4CD200, s5;
	[dreg:$0x5] =	wrdreg s30;
	s8 =	sadd.s32 $0x4BCC00, s5  }
.LBB2_26:
0x11: {  	[sflag:s21] =	ssyncadd.s32 $0xFFFFF000  }
.LBB2_27:
0x12: {  	s22 =	sadd.s32 $0x1, s22  }
0x13: {  	p0 =	sne.s32 s22, s14  }
.Ltmp1:
0x14: {  	[bflag:$0x0] =	sbarrier.arrive $0xFFFF;
	(pc) =	sbr.rel @!p0 .LBB2_28-.Ltmp1, $4  }
0x15: {  	[hbm:s13], [sflag:s23] =	dma.local [spmem:s24], $0x830  }
0x16: {  	_ =	swait.ge [sflag:s15], $0x830  }
0x17: {  	[sflag:s15] =	ssyncset.done $0x0  }
0x18: {  	[sflag:s15] =	ssyncadd.s32 $0xFFFFF7D0  }
.LBB2_1:
0x19: {  	s0 =	simm.s32 $0x40;
	s1 =	simm.s32 $0x0  }
.LBB2_2:
0x1a: {  	p0 =	sne.s32 s0, $0x105C0;
	[tilespmem:s1+$0x14840] =	vst v0;
	s1 =	smov.u32 s0;
	s0 =	sadd.s32 $0x40, s0  }
.Ltmp2:
0x1b: {  	(pc) =	sbr.rel @p0 .LBB2_2-.Ltmp2, $2  }
0x1c: {  	_ =	sdelay $0x2  }
0x1d: {  	s1 =	sshra.s32 s1, $0x2  }
0x1e: {  	[tilespmem:s1+$0x14840] =	vst v0;
	s0 =	rddreg [dreg:$0x3]  }
0x1f: {  	[tilespmem:s3], [sflag:$0x3] =	stream.linear.gather [hbm4b:s0+s3], $0x6400, $0x38;
	[tilespmem:$0x1CB48] =	vst v63  }
0x20: {  	_ =	swait.ge [sflag:s15], $0x6400  }
0x21: {  	[sflag:s15] =	ssyncset.done $0x0  }
0x22: {  	s25 =	simm.s32 $0xC800;
	s24 =	rddreg [dreg:$0x4];
	[sflag:s15] =	ssyncadd.s32 $0xFFFF9C00  }
0x23: {  	[tilespmem:s25], [sflag:$0x3] =	stream.linear.gather [hbm4b:s24+s3], $0x40, $0x38;
	[tilespmem:$0x1CB48] =	vst v63  }
0x24: {  	_ =	swait.ge [sflag:s15], $0x40  }
0x25: {  	[sflag:s15] =	ssyncset.done $0x0  }
0x26: {  	[sflag:s15] =	ssyncadd.s32 $0xFFFFFFC0  }
0x27: {  	[spmem:s11] =	stream.linear.scatter [tilespmem:s17], [sflag:$0x3], $0x4180, $0x38;
	[tilespmem:$0x1CB48] =	vst v63  }
0x28: {  	_ =	swait.ge [sflag:s15], $0x4180  }
0x29: {  	[sflag:s15] =	ssyncset.done $0x0  }
0x2a: {  	[sflag:s15] =	ssyncadd.s32 $0xFFFFBE80  }
0x2b: {  	[bflag:$0x0] =	sbarrier.arrive $0xFFFF  }
0x2c: {  	s26 =	rddreg [dreg:$0x5]  }
0x2d: {  	[tilespmem:s18], [sflag:$0x3] =	stream.linear.gather [hbm4b:s26+s3], $0x6400, $0x38;
	[tilespmem:$0x1CB48] =	vst v63  }
0x2e: {  	_ =	swait.ge [sflag:s15], $0x6400  }
0x2f: {  	[sflag:s15] =	ssyncset.done $0x0  }
0x30: {  	[sflag:s15] =	ssyncadd.s32 $0xFFFF9C00  }
0x31: {  	v1 =	vld [tilespmem:$0xC800]  }
0x32: {  	v2 =	vld [tilespmem:$0xC810];
	_ =	sdelay $0x3  }
0x33: {  	(v2sf) =	vpush v1, $0x0  }
0x34: {  	(v2sf) =	vpush v2, $0x0;
	_ =	sdelay $0xd  }
0x35: {  	s28 =	spop (v2sf)  }
0x36: {  	s29 =	spop (v2sf);
	s5 =	sshra.s32 s28, $0x1F;
	s6 =	sand.u32 $0xFF, s28  }
0x37: {  	p0 =	slt.s32 s28, $0x1;
	s5 =	sshrl.u32 s5, $0x18;
	p1 =	sne.s32 s6, $0x0  }
0x38: {  	s1 =	sadd.s32 $0xFF, s29;
	s0 =	sadd.s32 s5, s28;
	p0 =	por !p0, !p1  }
0x39: {  	s30 =	sand.u32 $0xFF, s1;
	s31 =	sshra.s32 s1, $0x1F;
	p6 =	slt.s32 s1, $0x1  }
0x3a: {  	s25 =	sshra.s32 s0, $0x8;
	p0 =	por !p0, !p0;
	p2 =	sne.s32 s30, $0x0  }
0x3b: {  	s0 =	simm.s32 $0x1;
	s5 =	sshrl.u32 s31, $0x18;
	p1 =	por !p6, !p2  }
0x3c: {  	s1 =	sadd.s32 s5, s1;
	s5 =	simm.s32 $0x1;
	p1 =	por !p1, !p1  }
0x3d: {  	s0 =	simm.s32 @!p0 $0x0;
	s1 =	sshra.s32 s1, $0x8;
	s5 =	simm.s32 @!p1 $0x0  }
0x3e: {  	s24 =	ssub.s32 s25, s0;
	s23 =	ssub.s32 s1, s5  }
0x3f: {  	p1 =	sle.s32 s23, s24  }
.Ltmp3:
0x40: {  	_ = 	snop;
	(pc) =	sbr.rel @p1 .LBB2_11-.Ltmp3, $1  }
0x41: {  	_ =	sdelay $0x3  }
0x42: {  	s0 =	sadd.s32 $0x7, s24  }
0x43: {  	s16 =	smov.u32 s23;
	p1 =	slt.s32 s0, s23  }
0x44: {  	s1 =	simm.s32 $0xFFFFFFFF;
	s26 =	sadd.s32 $0x1, s24;
	s16 =	smov.u32 @p1 s0  }
0x45: {  	s1 =	simm.s32 @!p0 $0x0;
	p0 =	slt.s32 s26, s16  }
.Ltmp4:
0x46: {  	_ = 	snop;
	(pc) =	sbr.rel @!p0 .LBB2_6-.Ltmp4, $4  }
0x47: {  	s5 =	sshll.u32 s24, $0xD  }
0x48: {  	s30 =	sshll.u32 s24, $0xA;
	s6 =	sand.u32 $0xE000, s5  }
0x49: {  	s29 =	sshra.s32 s30, $0x2;
	s28 =	sadd.s32 $0x2000, s5;
	s31 =	sshrl.u32 s6, $0x1  }
0x4a: {  	s0 =	sadd.s32 $0x100, s29;
	s5 =	smov.u32 s29;
	s6 =	sadd.s32 $0xC840, s31  }
.LBB2_5:
0x4b: {  	[tilespmem:s6], [sflag:$0x1] =	stream.indirect.gather [hbm4b:s4+s20], $0x10, s5, s20, $0xb8;
	[tilespmem:$0x1CB48] =	vst v63  }
0x4c: {  	s26 =	sadd.s32 $0x1, s26  }
0x4d: {  	p0 =	slt.s32 s26, s16  }
.Ltmp5:
0x4e: {  	s5 =	smov.u32 s0;
	(pc) =	sbr.rel @p0 .LBB2_5-.Ltmp5, $4  }
0x4f: {  	_ = 	snop  }
0x50: {  	s6 =	sand.u32 $0xE000, s28  }
0x51: {  	s6 =	sshrl.u32 s6, $0x1  }
0x52: {  	s0 =	sadd.s32 $0x100, s0;
	s28 =	sadd.s32 $0x2000, s28;
	s6 =	sadd.s32 $0xC840, s6  }
.LBB2_6:
0x53: {  	[tilespmem:s6], [sflag:$0x1] =	stream.indirect.gather [hbm4b:s4+s20], $0x10, s5, s20, $0xb8;
	[tilespmem:$0x1CB48] =	vst v63  }
0x54: {  	s0 =	sshll.u32 s25, $0xD;
	s25 =	sshll.u32 s1, $0xD  }
0x55: {  	s28 =	sadd.s32 $0x700, s29;
	s16 =	sadd.s32 $0x6400, s29;
	s26 =	sadd.s32 $0xE000, s0  }
0x56: {  	s29 =	sadd.s32 $0x1, s24;
	s31 =	sadd.s32 $0x7, s24;
	s1 =	sadd.s32 s26, s25  }
0x57: {  	p1 =	slt.s32 s29, s23;
	_ =	swait.ge [sflag:s19], $0x1000;
	s1 =	sadd.s32 $0xFFFF2000, s1  }
0x58: {  	p0 =	sge.s32 s31, s23;
	[sflag:s19] =	ssyncset.done $0x0;
	s1 =	sand.u32 $0xE000, s1  }
0x59: {  	p2 =	sle.s32 @!p0 s24, s24;
	s5 =	sadd.s32 @!p0 s26, s25;
	s1 =	sshrl.u32 s1, $0x1  }
.Ltmp6:
0x5a: {  	[sflag:s19] =	ssyncadd.s32 $0xFFFFF000;
	s1 =	sadd.s32 $0xC840, s1;
	(pc) =	sbr.rel @!p1 .LBB2_8-.Ltmp6, $4  }
0x5b: {  	[spmem:s2] =	stream.indirect.scatter.add.bf16 [tilespmem:s1], [sflag:$0x2], $0x10, s16, s20, $0xb8;
	[tilespmem:$0x1CB48] =	vst v63  }
0x5c: {  	s30 =	sadd.s32 $0x100, s16;
	p2 =	por p2, p0;
	s1 =	sand.u32 @!p0 $0xE000, s5  }
0x5d: {  	s16 =	simm.s32 @!p2 $0x2;
	s5 =	simm.s32 @!p0 $0x100;
	s0 =	sshrl.u32 @!p0 s1, $0x1  }
0x5e: {  	s1 =	sadd.s32 $0x100, s28;
	_ =	swait.ge @!p2 [sflag:s16], $0x1000;
	s0 =	sadd.s32 @!p0 $0xC840, s0  }
.LBB2_7:
0x5f: {  	[sflag:s16] =	ssyncset.done @!p2 $0x0  }
0x60: {  	s26 =	sadd.s32 $0x2000, s26;
	s6 =	smov.u32 s29;
	s29 =	sadd.s32 $0x1, s29  }
0x61: {  	p1 =	slt.s32 s29, s23;
	[sflag:s16] =	ssyncadd.s32 @!p2 $0xFFFFF000  }
0x62: {  	[tilespmem:s0], [sflag:$0x1] =	stream.indirect.gather @!p0 [hbm4b:s4+s5], $0x10, s28, s5, $0xb8;
	[tilespmem:$0x1CB48] =	vst v63  }
0x63: {  	s0 =	sadd.s32 s26, s25;
	s28 =	smov.u32 s1;
	s5 =	sadd.s32 $0x7, s6  }
0x64: {  	s0 =	sadd.s32 $0xFFFF2000, s0;
	p0 =	sge.s32 s5, s23  }
0x65: {  	s0 =	sand.u32 $0xE000, s0;
	p2 =	sle.s32 @!p0 s6, s24;
	_ =	swait.ge [sflag:s19], $0x1000  }
0x66: {  	s5 =	sadd.s32 @!p0 s26, s25;
	s0 =	sshrl.u32 s0, $0x1;
	[sflag:s19] =	ssyncset.done $0x0  }
.Ltmp7:
0x67: {  	s0 =	sadd.s32 $0xC840, s0;
	[sflag:s19] =	ssyncadd.s32 $0xFFFFF000;
	(pc) =	sbr.rel @p1 .LBB2_7-.Ltmp7, $4  }
0x68: {  	[spmem:s2] =	stream.indirect.scatter.add.bf16 [tilespmem:s0], [sflag:$0x2], $0x10, s30, s20, $0xb8;
	[tilespmem:$0x1CB48] =	vst v63  }
0x69: {  	p2 =	por p2, p0;
	s0 =	sand.u32 @!p0 $0xE000, s5;
	s30 =	sadd.s32 $0x100, s30  }
0x6a: {  	s1 =	sadd.s32 $0x100, s1;
	s16 =	simm.s32 @!p2 $0x2;
	s0 =	sshrl.u32 @!p0 s0, $0x1  }
0x6b: {  	s5 =	simm.s32 @!p0 $0x100;
	s0 =	sadd.s32 @!p0 $0xC840, s0;
	_ =	swait.ge @!p2 [sflag:s16], $0x1000  }
.LBB2_8:
0x6c: {  	[sflag:s16] =	ssyncset.done @!p2 $0x0  }
0x6d: {  	[sflag:s16] =	ssyncadd.s32 @!p2 $0xFFFFF000  }
0x6e: {  	[tilespmem:s0], [sflag:$0x1] =	stream.indirect.gather @!p0 [hbm4b:s4+s5], $0x10, s28, s5, $0xb8;
	[tilespmem:$0x1CB48] =	vst v63  }
0x6f: {  	s0 =	sadd.s32 $0xFFFFFFF8, s23  }
0x70: {  	p0 =	sgt.s32 s24, s0  }
0x71: {  	s0 =	smov.u32 @p0 s24  }
0x72: {  	s0 =	sadd.s32 $0x1, s0  }
0x73: {  	p0 =	slt.s32 s0, s23  }
.Ltmp8:
0x74: {  	_ = 	snop;
	(pc) =	sbr.rel @!p0 .LBB2_10-.Ltmp8, $3  }
0x75: {  	_ =	sdelay $0x1  }
0x76: {  	_ =	swait.ge [sflag:s21], $0x1000  }
0x77: {  	[sflag:s21] =	ssyncset.done $0x0  }
.LBB2_9:
0x78: {  	s0 =	sadd.s32 $0x1, s0  }
0x79: {  	[sflag:s21] =	ssyncadd.s32 $0xFFFFF000;
	p0 =	slt.s32 s0, s23  }
.Ltmp9:
0x7a: {  	(pc) =	sbr.rel @p0 .LBB2_9-.Ltmp9, $3  }
0x7b: {  	_ =	sdelay $0x1  }
0x7c: {  	_ =	swait.ge [sflag:s21], $0x1000  }
0x7d: {  	[sflag:s21] =	ssyncset.done $0x0  }
.LBB2_10:
0x7e: {  	[sflag:s21] =	ssyncadd.s32 $0xFFFFF000  }
.LBB2_11:
0x7f: {  	s0 =	stileid.u32  }
0x80: {  	s0 =	sshll.u32 s0, $0x6  }
0x81: {  	[bflag:$0x0] =	sbarrier.arrive $0xFFFF;
	s24 =	sshrl.u32 s11, $0x3;
	s23 =	sor.u32 $0x1C03, s0  }
0x82: {  	[hbm:s8], [sflag:s23] =	dma.local [spmem:s24], $0x830  }
0x83: {  	_ =	swait.ge [sflag:s15], $0x830  }
0x84: {  	[sflag:s15] =	ssyncset.done $0x0  }
0x85: {  	[sflag:s15] =	ssyncadd.s32 $0xFFFFF7D0  }
0x86: {  	[spmem:s11] =	stream.linear.scatter [tilespmem:s17], [sflag:$0x3], $0x4180, $0x38;
	[tilespmem:$0x1CB48] =	vst v63  }
0x87: {  	_ =	swait.ge [sflag:s15], $0x4180  }
0x88: {  	[sflag:s15] =	ssyncset.done $0x0  }
0x89: {  	[sflag:s15] =	ssyncadd.s32 $0xFFFFBE80  }
0x8a: {  	[bflag:$0x0] =	sbarrier.arrive $0xFFFF  }
0x8b: {  	[tilespmem:s18], [sflag:$0x3] =	stream.linear.gather [hbm4b:s9+s3], $0x6400, $0x38;
	[tilespmem:$0x1CB48] =	vst v63  }
0x8c: {  	_ =	swait.ge [sflag:s15], $0x6400  }
0x8d: {  	[sflag:s15] =	ssyncset.done $0x0  }
0x8e: {  	[sflag:s15] =	ssyncadd.s32 $0xFFFF9C00  }
0x8f: {  	v1 =	vld [tilespmem:$0xC810]  }
0x90: {  	v2 =	vld [tilespmem:$0xC820];
	_ =	sdelay $0x3  }
0x91: {  	(v2sf) =	vpush v1, $0x0  }
0x92: {  	(v2sf) =	vpush v2, $0x0;
	_ =	sdelay $0xd  }
0x93: {  	s29 =	spop (v2sf)  }
0x94: {  	s1 =	spop (v2sf);
	s5 =	sshra.s32 s29, $0x1F;
	s6 =	sand.u32 $0xFF, s29  }
0x95: {  	p0 =	slt.s32 s29, $0x1;
	s5 =	sshrl.u32 s5, $0x18;
	p1 =	sne.s32 s6, $0x0  }
0x96: {  	s1 =	sadd.s32 $0xFF, s1;
	s0 =	sadd.s32 s5, s29;
	p0 =	por !p0, !p1  }
0x97: {  	s30 =	sand.u32 $0xFF, s1;
	s31 =	sshra.s32 s1, $0x1F;
	p6 =	slt.s32 s1, $0x1  }
0x98: {  	s28 =	sshra.s32 s0, $0x8;
	p0 =	por !p0, !p0;
	p2 =	sne.s32 s30, $0x0  }
0x99: {  	s0 =	simm.s32 $0x1;
	s5 =	sshrl.u32 s31, $0x18;
	p1 =	por !p6, !p2  }
0x9a: {  	s1 =	sadd.s32 s5, s1;
	s5 =	simm.s32 $0x1;
	p1 =	por !p1, !p1  }
0x9b: {  	s0 =	simm.s32 @!p0 $0x0;
	s1 =	sshra.s32 s1, $0x8;
	s5 =	simm.s32 @!p1 $0x0  }
0x9c: {  	s26 =	ssub.s32 s28, s0;
	s25 =	ssub.s32 s1, s5  }
0x9d: {  	p1 =	sle.s32 s25, s26  }
.Ltmp10:
0x9e: {  	_ = 	snop;
	(pc) =	sbr.rel @p1 .LBB2_19-.Ltmp10, $1  }
0x9f: {  	_ =	sdelay $0x3  }
0xa0: {  	s0 =	sadd.s32 $0x7, s26  }
0xa1: {  	s16 =	smov.u32 s25;
	p1 =	slt.s32 s0, s25  }
0xa2: {  	s1 =	simm.s32 $0xFFFFFFFF;
	s29 =	sadd.s32 $0x1, s26;
	s16 =	smov.u32 @p1 s0  }
0xa3: {  	s1 =	simm.s32 @!p0 $0x0;
	p0 =	slt.s32 s29, s16  }
.Ltmp11:
0xa4: {  	_ = 	snop;
	(pc) =	sbr.rel @!p0 .LBB2_14-.Ltmp11, $4  }
0xa5: {  	s5 =	sshll.u32 s26, $0xD  }
0xa6: {  	s7 =	sshll.u32 s26, $0xA;
	s6 =	sand.u32 $0xE000, s5  }
0xa7: {  	s31 =	sshra.s32 s7, $0x2;
	s30 =	sadd.s32 $0x2000, s5;
	s7 =	sshrl.u32 s6, $0x1  }
0xa8: {  	s0 =	sadd.s32 $0x100, s31;
	s5 =	smov.u32 s31;
	s6 =	sadd.s32 $0xC840, s7  }
.LBB2_13:
0xa9: {  	[tilespmem:s6], [sflag:$0x1] =	stream.indirect.gather [hbm4b:s4+s20], $0x10, s5, s20, $0xb8;
	[tilespmem:$0x1CB48] =	vst v63  }
0xaa: {  	s29 =	sadd.s32 $0x1, s29  }
0xab: {  	p0 =	slt.s32 s29, s16  }
.Ltmp12:
0xac: {  	s5 =	smov.u32 s0;
	(pc) =	sbr.rel @p0 .LBB2_13-.Ltmp12, $4  }
0xad: {  	_ = 	snop  }
0xae: {  	s6 =	sand.u32 $0xE000, s30  }
0xaf: {  	s6 =	sshrl.u32 s6, $0x1  }
0xb0: {  	s0 =	sadd.s32 $0x100, s0;
	s30 =	sadd.s32 $0x2000, s30;
	s6 =	sadd.s32 $0xC840, s6  }
.LBB2_14:
0xb1: {  	[tilespmem:s6], [sflag:$0x1] =	stream.indirect.gather [hbm4b:s4+s20], $0x10, s5, s20, $0xb8;
	[tilespmem:$0x1CB48] =	vst v63  }
0xb2: {  	s0 =	sshll.u32 s28, $0xD;
	s28 =	sshll.u32 s1, $0xD  }
0xb3: {  	s30 =	sadd.s32 $0x700, s31;
	s7 =	sadd.s32 $0x6400, s31;
	s31 =	sadd.s32 $0x1, s26  }
0xb4: {  	s16 =	sadd.s32 $0x7, s26;
	s29 =	sadd.s32 $0xE000, s0;
	p1 =	slt.s32 s31, s25  }
0xb5: {  	_ =	swait.ge [sflag:s19], $0x1000;
	p0 =	sge.s32 s16, s25;
	s16 =	sadd.s32 $0x100, s30  }
0xb6: {  	s1 =	sadd.s32 s29, s28;
	[sflag:s19] =	ssyncset.done $0x0;
	p2 =	sle.s32 @!p0 s26, s26  }
0xb7: {  	s5 =	sadd.s32 @!p0 s29, s28;
	s6 =	simm.s32 @!p0 $0x100;
	s1 =	sadd.s32 $0xFFFF2000, s1  }
.Ltmp13:
0xb8: {  	[sflag:s19] =	ssyncadd.s32 $0xFFFFF000;
	s1 =	sand.u32 $0xE000, s1;
	(pc) =	sbr.rel @!p1 .LBB2_16-.Ltmp13, $4  }
0xb9: {  	p2 =	por p2, p0;
	s5 =	sand.u32 @!p0 $0xE000, s5;
	s1 =	sshrl.u32 s1, $0x1  }
0xba: {  	s0 =	simm.s32 @!p2 $0x2;
	s5 =	sshrl.u32 @!p0 s5, $0x1;
	s1 =	sadd.s32 $0xC840, s1  }
0xbb: {  	[spmem:s2] =	stream.indirect.scatter.add.bf16 [tilespmem:s1], [sflag:$0x2], $0x10, s7, s20, $0xb8;
	[tilespmem:$0x1CB48] =	vst v63  }
0xbc: {  	s5 =	sadd.s32 @!p0 $0xC840, s5;
	s1 =	sadd.s32 $0x100, s7;
	_ =	swait.ge @!p2 [sflag:s0], $0x1000  }
.LBB2_15:
0xbd: {  	[sflag:s0] =	ssyncset.done @!p2 $0x0  }
0xbe: {  	s29 =	sadd.s32 $0x2000, s29;
	s7 =	smov.u32 s31;
	s31 =	sadd.s32 $0x1, s31  }
0xbf: {  	p1 =	slt.s32 s31, s25;
	[sflag:s0] =	ssyncadd.s32 @!p2 $0xFFFFF000;
	s0 =	sadd.s32 s29, s28  }
0xc0: {  	[tilespmem:s5], [sflag:$0x1] =	stream.indirect.gather @!p0 [hbm4b:s4+s6], $0x10, s30, s6, $0xb8;
	[tilespmem:$0x1CB48] =	vst v63  }
0xc1: {  	s30 =	smov.u32 s16;
	s0 =	sadd.s32 $0xFFFF2000, s0  }
0xc2: {  	s5 =	sadd.s32 $0x7, s7;
	s0 =	sand.u32 $0xE000, s0  }
0xc3: {  	p0 =	sge.s32 s5, s25;
	s0 =	sshrl.u32 s0, $0x1;
	_ =	swait.ge [sflag:s19], $0x1000  }
0xc4: {  	p2 =	sle.s32 @!p0 s7, s26;
	s5 =	sadd.s32 @!p0 s29, s28;
	[sflag:s19] =	ssyncset.done $0x0  }
.Ltmp14:
0xc5: {  	s0 =	sadd.s32 $0xC840, s0;
	[sflag:s19] =	ssyncadd.s32 $0xFFFFF000;
	(pc) =	sbr.rel @p1 .LBB2_15-.Ltmp14, $4  }
0xc6: {  	[spmem:s2] =	stream.indirect.scatter.add.bf16 [tilespmem:s0], [sflag:$0x2], $0x10, s1, s20, $0xb8;
	[tilespmem:$0x1CB48] =	vst v63  }
0xc7: {  	p2 =	por p2, p0;
	s5 =	sand.u32 @!p0 $0xE000, s5;
	s1 =	sadd.s32 $0x100, s1  }
0xc8: {  	s16 =	sadd.s32 $0x100, s16;
	s5 =	sshrl.u32 @!p0 s5, $0x1;
	s0 =	simm.s32 @!p2 $0x2  }
0xc9: {  	s6 =	simm.s32 @!p0 $0x100;
	s5 =	sadd.s32 @!p0 $0xC840, s5;
	_ =	swait.ge @!p2 [sflag:s0], $0x1000  }
.LBB2_16:
0xca: {  	[sflag:s0] =	ssyncset.done @!p2 $0x0  }
0xcb: {  	[sflag:s0] =	ssyncadd.s32 @!p2 $0xFFFFF000;
	s0 =	sadd.s32 $0xFFFFFFF8, s25  }
0xcc: {  	[tilespmem:s5], [sflag:$0x1] =	stream.indirect.gather @!p0 [hbm4b:s4+s6], $0x10, s30, s6, $0xb8;
	[tilespmem:$0x1CB48] =	vst v63  }
0xcd: {  	p0 =	sgt.s32 s26, s0  }
0xce: {  	s0 =	smov.u32 @p0 s26  }
0xcf: {  	s0 =	sadd.s32 $0x1, s0  }
0xd0: {  	p0 =	slt.s32 s0, s25  }
.Ltmp15:
0xd1: {  	_ = 	snop;
	(pc) =	sbr.rel @!p0 .LBB2_18-.Ltmp15, $3  }
0xd2: {  	_ =	sdelay $0x1  }
0xd3: {  	_ =	swait.ge [sflag:s21], $0x1000  }
0xd4: {  	[sflag:s21] =	ssyncset.done $0x0  }
.LBB2_17:
0xd5: {  	s0 =	sadd.s32 $0x1, s0  }
0xd6: {  	[sflag:s21] =	ssyncadd.s32 $0xFFFFF000;
	p0 =	slt.s32 s0, s25  }
.Ltmp16:
0xd7: {  	(pc) =	sbr.rel @p0 .LBB2_17-.Ltmp16, $3  }
0xd8: {  	_ =	sdelay $0x1  }
0xd9: {  	_ =	swait.ge [sflag:s21], $0x1000  }
0xda: {  	[sflag:s21] =	ssyncset.done $0x0  }
.LBB2_18:
0xdb: {  	[sflag:s21] =	ssyncadd.s32 $0xFFFFF000  }
.LBB2_19:
0xdc: {  	[bflag:$0x0] =	sbarrier.arrive $0xFFFF  }
0xdd: {  	[hbm:s10], [sflag:s23] =	dma.local [spmem:s24], $0x830  }
0xde: {  	_ =	swait.ge [sflag:s15], $0x830  }
0xdf: {  	[sflag:s15] =	ssyncset.done $0x0  }
0xe0: {  	[sflag:s15] =	ssyncadd.s32 $0xFFFFF7D0  }
0xe1: {  	[spmem:s11] =	stream.linear.scatter [tilespmem:s17], [sflag:$0x3], $0x4180, $0x38;
	[tilespmem:$0x1CB48] =	vst v63  }
0xe2: {  	_ =	swait.ge [sflag:s15], $0x4180  }
0xe3: {  	[sflag:s15] =	ssyncset.done $0x0  }
0xe4: {  	[sflag:s15] =	ssyncadd.s32 $0xFFFFBE80  }
0xe5: {  	[bflag:$0x0] =	sbarrier.arrive $0xFFFF  }
0xe6: {  	[tilespmem:s18], [sflag:$0x3] =	stream.linear.gather [hbm4b:s12+s3], $0x6400, $0x38;
	[tilespmem:$0x1CB48] =	vst v63  }
0xe7: {  	_ =	swait.ge [sflag:s15], $0x6400  }
0xe8: {  	[sflag:s15] =	ssyncset.done $0x0  }
0xe9: {  	[sflag:s15] =	ssyncadd.s32 $0xFFFF9C00  }
0xea: {  	v1 =	vld [tilespmem:$0xC820]  }
0xeb: {  	v2 =	vld [tilespmem:$0xC830];
	_ =	sdelay $0x3  }
0xec: {  	(v2sf) =	vpush v1, $0x0  }
0xed: {  	(v2sf) =	vpush v2, $0x0;
	_ =	sdelay $0xd  }
0xee: {  	s0 =	spop (v2sf)  }
0xef: {  	s1 =	spop (v2sf);
	s5 =	sshra.s32 s0, $0x1F;
	s6 =	sand.u32 $0xFF, s0  }
0xf0: {  	p0 =	slt.s32 s0, $0x1;
	s5 =	sshrl.u32 s5, $0x18;
	p1 =	sne.s32 s6, $0x0  }
0xf1: {  	s1 =	sadd.s32 $0xFF, s1;
	s0 =	sadd.s32 s5, s0;
	p0 =	por !p0, !p1  }
0xf2: {  	s30 =	sand.u32 $0xFF, s1;
	s31 =	sshra.s32 s1, $0x1F;
	p6 =	slt.s32 s1, $0x1  }
0xf3: {  	s28 =	sshra.s32 s0, $0x8;
	p0 =	por !p0, !p0;
	p2 =	sne.s32 s30, $0x0  }
0xf4: {  	s0 =	simm.s32 $0x1;
	s5 =	sshrl.u32 s31, $0x18;
	p1 =	por !p6, !p2  }
0xf5: {  	s1 =	sadd.s32 s5, s1;
	s5 =	simm.s32 $0x1;
	p1 =	por !p1, !p1  }
0xf6: {  	s0 =	simm.s32 @!p0 $0x0;
	s1 =	sshra.s32 s1, $0x8;
	s5 =	simm.s32 @!p1 $0x0  }
0xf7: {  	s26 =	ssub.s32 s28, s0;
	s25 =	ssub.s32 s1, s5  }
0xf8: {  	p1 =	sle.s32 s25, s26  }
.Ltmp17:
0xf9: {  	_ = 	snop;
	(pc) =	sbr.rel @p1 .LBB2_27-.Ltmp17, $1  }
0xfa: {  	_ =	sdelay $0x3  }
0xfb: {  	s0 =	sadd.s32 $0x7, s26  }
0xfc: {  	s16 =	smov.u32 s25;
	p1 =	slt.s32 s0, s25  }
0xfd: {  	s1 =	simm.s32 $0xFFFFFFFF;
	s29 =	sadd.s32 $0x1, s26;
	s16 =	smov.u32 @p1 s0  }
0xfe: {  	s1 =	simm.s32 @!p0 $0x0;
	p0 =	slt.s32 s29, s16  }
.Ltmp18:
0xff: {  	_ = 	snop;
	(pc) =	sbr.rel @!p0 .LBB2_22-.Ltmp18, $4  }
0x100: {  	s5 =	sshll.u32 s26, $0xD  }
0x101: {  	s7 =	sshll.u32 s26, $0xA;
	s6 =	sand.u32 $0xE000, s5  }
0x102: {  	s31 =	sshra.s32 s7, $0x2;
	s30 =	sadd.s32 $0x2000, s5;
	s7 =	sshrl.u32 s6, $0x1  }
0x103: {  	s0 =	sadd.s32 $0x100, s31;
	s5 =	smov.u32 s31;
	s6 =	sadd.s32 $0xC840, s7  }
.LBB2_21:
0x104: {  	[tilespmem:s6], [sflag:$0x1] =	stream.indirect.gather [hbm4b:s4+s20], $0x10, s5, s20, $0xb8;
	[tilespmem:$0x1CB48] =	vst v63  }
0x105: {  	s29 =	sadd.s32 $0x1, s29  }
0x106: {  	p0 =	slt.s32 s29, s16  }
.Ltmp19:
0x107: {  	s5 =	smov.u32 s0;
	(pc) =	sbr.rel @p0 .LBB2_21-.Ltmp19, $4  }
0x108: {  	_ = 	snop  }
0x109: {  	s6 =	sand.u32 $0xE000, s30  }
0x10a: {  	s6 =	sshrl.u32 s6, $0x1  }
0x10b: {  	s0 =	sadd.s32 $0x100, s0;
	s30 =	sadd.s32 $0x2000, s30;
	s6 =	sadd.s32 $0xC840, s6  }
.LBB2_22:
0x10c: {  	[tilespmem:s6], [sflag:$0x1] =	stream.indirect.gather [hbm4b:s4+s20], $0x10, s5, s20, $0xb8;
	[tilespmem:$0x1CB48] =	vst v63  }
0x10d: {  	s0 =	sshll.u32 s28, $0xD;
	s28 =	sshll.u32 s1, $0xD  }
0x10e: {  	s30 =	sadd.s32 $0x700, s31;
	s7 =	sadd.s32 $0x6400, s31;
	s31 =	sadd.s32 $0x1, s26  }
0x10f: {  	s16 =	sadd.s32 $0x7, s26;
	s29 =	sadd.s32 $0xE000, s0;
	p1 =	slt.s32 s31, s25  }
0x110: {  	_ =	swait.ge [sflag:s19], $0x1000;
	p0 =	sge.s32 s16, s25;
	s16 =	sadd.s32 $0x100, s30  }
0x111: {  	s1 =	sadd.s32 s29, s28;
	[sflag:s19] =	ssyncset.done $0x0;
	p2 =	sle.s32 @!p0 s26, s26  }
0x112: {  	s5 =	sadd.s32 @!p0 s29, s28;
	s6 =	simm.s32 @!p0 $0x100;
	s1 =	sadd.s32 $0xFFFF2000, s1  }
.Ltmp20:
0x113: {  	[sflag:s19] =	ssyncadd.s32 $0xFFFFF000;
	s1 =	sand.u32 $0xE000, s1;
	(pc) =	sbr.rel @!p1 .LBB2_24-.Ltmp20, $4  }
0x114: {  	p2 =	por p2, p0;
	s5 =	sand.u32 @!p0 $0xE000, s5;
	s1 =	sshrl.u32 s1, $0x1  }
0x115: {  	s0 =	simm.s32 @!p2 $0x2;
	s5 =	sshrl.u32 @!p0 s5, $0x1;
	s1 =	sadd.s32 $0xC840, s1  }
0x116: {  	[spmem:s2] =	stream.indirect.scatter.add.bf16 [tilespmem:s1], [sflag:$0x2], $0x10, s7, s20, $0xb8;
	[tilespmem:$0x1CB48] =	vst v63  }
0x117: {  	s5 =	sadd.s32 @!p0 $0xC840, s5;
	s1 =	sadd.s32 $0x100, s7;
	_ =	swait.ge @!p2 [sflag:s0], $0x1000  }
.LBB2_23:
0x118: {  	[sflag:s0] =	ssyncset.done @!p2 $0x0  }
0x119: {  	s29 =	sadd.s32 $0x2000, s29;
	s7 =	smov.u32 s31;
	s31 =	sadd.s32 $0x1, s31  }
0x11a: {  	p1 =	slt.s32 s31, s25;
	[sflag:s0] =	ssyncadd.s32 @!p2 $0xFFFFF000;
	s0 =	sadd.s32 s29, s28  }
0x11b: {  	[tilespmem:s5], [sflag:$0x1] =	stream.indirect.gather @!p0 [hbm4b:s4+s6], $0x10, s30, s6, $0xb8;
	[tilespmem:$0x1CB48] =	vst v63  }
0x11c: {  	s30 =	smov.u32 s16;
	s0 =	sadd.s32 $0xFFFF2000, s0  }
0x11d: {  	s5 =	sadd.s32 $0x7, s7;
	s0 =	sand.u32 $0xE000, s0  }
0x11e: {  	p0 =	sge.s32 s5, s25;
	s0 =	sshrl.u32 s0, $0x1;
	_ =	swait.ge [sflag:s19], $0x1000  }
0x11f: {  	p2 =	sle.s32 @!p0 s7, s26;
	s5 =	sadd.s32 @!p0 s29, s28;
	[sflag:s19] =	ssyncset.done $0x0  }
.Ltmp21:
0x120: {  	s0 =	sadd.s32 $0xC840, s0;
	[sflag:s19] =	ssyncadd.s32 $0xFFFFF000;
	(pc) =	sbr.rel @p1 .LBB2_23-.Ltmp21, $4  }
0x121: {  	[spmem:s2] =	stream.indirect.scatter.add.bf16 [tilespmem:s0], [sflag:$0x2], $0x10, s1, s20, $0xb8;
	[tilespmem:$0x1CB48] =	vst v63  }
0x122: {  	p2 =	por p2, p0;
	s5 =	sand.u32 @!p0 $0xE000, s5;
	s1 =	sadd.s32 $0x100, s1  }
0x123: {  	s16 =	sadd.s32 $0x100, s16;
	s5 =	sshrl.u32 @!p0 s5, $0x1;
	s0 =	simm.s32 @!p2 $0x2  }
0x124: {  	s6 =	simm.s32 @!p0 $0x100;
	s5 =	sadd.s32 @!p0 $0xC840, s5;
	_ =	swait.ge @!p2 [sflag:s0], $0x1000  }
.LBB2_24:
0x125: {  	[sflag:s0] =	ssyncset.done @!p2 $0x0  }
0x126: {  	[sflag:s0] =	ssyncadd.s32 @!p2 $0xFFFFF000;
	s0 =	sadd.s32 $0xFFFFFFF8, s25  }
0x127: {  	[tilespmem:s5], [sflag:$0x1] =	stream.indirect.gather @!p0 [hbm4b:s4+s6], $0x10, s30, s6, $0xb8;
	[tilespmem:$0x1CB48] =	vst v63  }
0x128: {  	p0 =	sgt.s32 s26, s0  }
0x129: {  	s0 =	smov.u32 @p0 s26  }
0x12a: {  	s0 =	sadd.s32 $0x1, s0  }
0x12b: {  	p0 =	slt.s32 s0, s25  }
.Ltmp22:
0x12c: {  	_ = 	snop;
	(pc) =	sbr.rel @!p0 .LBB2_26-.Ltmp22, $3  }
0x12d: {  	_ =	sdelay $0x1  }
0x12e: {  	_ =	swait.ge [sflag:s21], $0x1000  }
0x12f: {  	[sflag:s21] =	ssyncset.done $0x0  }
.LBB2_25:
0x130: {  	s0 =	sadd.s32 $0x1, s0  }
0x131: {  	[sflag:s21] =	ssyncadd.s32 $0xFFFFF000;
	p0 =	slt.s32 s0, s25  }
.Ltmp23:
0x132: {  	(pc) =	sbr.rel @p0 .LBB2_25-.Ltmp23, $3  }
0x133: {  	_ =	sdelay $0x1  }
0x134: {  	_ =	swait.ge [sflag:s21], $0x1000  }
0x135: {  	[sflag:s21] =	ssyncset.done $0x0  }
.Ltmp24:
0x136: {  	_ = 	snop;
	(pc) =	sbr.rel .LBB2_26-.Ltmp24, $1  }
0x137: {  	_ =	sdelay $0x3  }
.LBB2_28:
0x138: {  	_ =	sfence.sel $0x180000  }
0x139: {  	[bflag:$0x0] =	sbarrier.arrive $0xFFFF  }
0x13a: {  	_ =	strace $0x9000004D  }
0x13b: {  	s0 =	stileid.u32;
	[bflag:$0x2] =	sbarrier.arrive $0xFFFF  }
0x13c: {  	p0 =	sne.s32 s0, $0x0;
	s0 =	rddreg [dreg:$0x2]  }
0x13d: {  	s0 =	sadd.s32 @!p0 $0x100000, s0  }
0x13e: {  	[sflag:s0] =	ssyncadd.tile.s32 @!p0 $0x1;
	_ =	shalt  }
.Lfunc_end2:
_tile_overlayer_lowered:
.L_overlay_start_2:
0x13f: {  	(tag) =	ssettag $0x2  }
0x140: {  	s0 =	rddreg [dreg:$0x0];
	s2 =	stileid.u32  }
0x141: {  	s1 =	rddreg [dreg:$0x1];
	p0 =	sne.s32 s2, $0x0  }
0x142: {  	s3 =	rddreg [dreg:$0x2];
	[bflag:$0x3] =	sbarrier.arrive $0xFFFF;
	s2 =	simm.s32 @!p0 $0x1C03  }
0x143: {  	[timem:s3], [sflag:s2] =	dma.local @!p0 [hbm:s0], s1  }
0x144: {  	s0 =	simm.s32 @!p0 $0x3  }
0x145: {  	_ =	swait.ge @!p0 [sflag:s0], s1  }
0x146: {  	s1 =	ssub.s32 @!p0 $0x0, s1;
	[sflag:s0] =	ssyncset.done @!p0 $0x0  }
0x147: {  	[sflag:s0] =	ssyncadd.s32 @!p0 s1  }
0x148: {  	[bflag:$0x3] =	sbarrier.arrive $0xFFFF  }
0x149: {  	_ =	shalt  }

// kernel: gather_offload_async_start.1
scs
__scs_entry_jumppad:
0x0: {  	(pc) =	sbr.rel $0x88, $3  }
0x1: {  	(tag) =	ssettag $0x0;
	lr =	simm.s32 $0x1  }
0x2: {  	[smem:$0x3F86] =	sst lr;
	_ =	strace $0xD0000000  }
0x3: {  	_ = 	snop  }
0x4: {  	_ = 	snop  }
0x5: {  	_ = 	snop  }
0x6: {  	_ = 	snop  }
0x7: {  	_ = 	snop  }
__scs_overlays_trampoline_lowered:
0x8: {  	[smem:$0x3F95] =	sst s0  }
0x9: {  	[smem:$0x3F96] =	sst s1  }
0xa: {  	[smem:$0x3F97] =	sst s2  }
0xb: {  	[smem:$0x3F98] =	sst s3  }
0xc: {  	[smem:$0x3F99] =	sst s4  }
0xd: {  	[smem:$0x3F9A] =	sst s5  }
0xe: {  	[smem:$0x3F9B] =	sst s6  }
0xf: {  	[smem:$0x3F9C] =	sst s7  }
0x10: {  	[smem:$0x3F9D] =	sst s8  }
0x11: {  	[smem:$0x3F9E] =	sst s9;
	s0 =	simm.s32 @!p0 $0x0  }
0x12: {  	s1 =	sld [smem:$0x3F84];
	s0 =	simm.s32 @p0 $0x1  }
0x13: {  	[smem:$0x3F9F] =	sst s0;
	s0 =	simm.s32 @!p1 $0x0  }
0x14: {  	s2 =	sld [smem:$0x3F83];
	s0 =	simm.s32 @p1 $0x1  }
0x15: {  	[smem:$0x3FA0] =	sst s0;
	s0 =	simm.s32 @!p2 $0x0  }
0x16: {  	s3 =	sld [smem:$0x3FDB];
	s0 =	simm.s32 @p2 $0x1  }
0x17: {  	s4 =	simm.s32 $0x1BF5;
	[smem:$0x3FA2] =	sst s0  }
0x18: {  	s0 =	sld [smem:$0x3F85];
	_ =	swait.ge [sflag:s4], $0x0  }
0x19: {  	s7 =	sld [smem:$0x3F86]  }
0x1a: {  	s8 =	sadd.s32 $0xFFFFE003, lr  }
0x1b: {  	s9 =	sadd.s32 $0xFFFFFEF7, lr;
	s5 =	simm.s32 $0xFFFFFFFF;
	p2 =	slt.u32 s8, $0xFFFFF086  }
0x1c: {  	p1 =	slt.u32 s9, $0xF7A;
	s5 =	simm.s32 @!p2 $0x0  }
0x1d: {  	s5 =	simm.s32 @p1 $0x1;
	p0 =	seq.s32 s7, s2  }
0x1e: {  	s7 =	smul.u32 @!p0 $0xF7A, s2;
	p2 =	seq.s32 @!p0 s5, $0x0  }
0x1f: {  	s9 =	smul.u32 $0xF7A, s1;
	s8 =	simm.s32 @!p0 $0x1BF5;
	p2 =	por !p2, p0  }
0x20: {  	[sflag:s8] =	ssyncset.s32 @!p0 $0xFFFFF086;
	s6 =	sadd.s32 @!p0 s3, s7;
	s7 =	simm.s32 @!p0 $0x108  }
0x21: {  	s3 =	sadd.s32 s3, s9;
	s6 =	sadd.s32 @!p0 $0x88, s6;
	s7 =	simm.s32 @p2 $0x1082  }
0x22: {  	[simem:s7], [sflag:s8] =	dma.local @!p0 [hbm:s6], $0xF7A  }
0x23: {  	s9 =	sor.u32 $0xD0000000, s2;
	s6 =	simm.s32 $0x108;
	_ =	swait.ge @!p0 [sflag:s8], $0x0  }
0x24: {  	s3 =	sadd.s32 $0x88, s3;
	s6 =	simm.s32 @!p1 $0x1082;
	[sflag:s4] =	ssyncset.s32 $0xFFFFF086  }
0x25: {  	[simem:s6], [sflag:s4] =	dma.local [hbm:s3], $0xF7A  }
0x26: {  	[smem:$0x3F86] =	sst s1;
	(tag) =	ssettag s2;
	_ =	strace s9  }
0x27: {  	s1 =	sld [smem:$0x3F96]  }
0x28: {  	s2 =	sld [smem:$0x3F97]  }
0x29: {  	s4 =	sld [smem:$0x3F99]  }
0x2a: {  	p0 =	seq.s32 s5, $0x0;
	s5 =	sld [smem:$0x3F9A]  }
0x2b: {  	s6 =	sld [smem:$0x3F9B]  }
0x2c: {  	s7 =	sld [smem:$0x3F9C]  }
0x2d: {  	s3 =	simm.s32 $0x108;
	s8 =	sld [smem:$0x3F9D]  }
0x2e: {  	s3 =	simm.s32 @!p0 $0x1082;
	s9 =	sld [smem:$0x3F9E]  }
0x2f: {  	lr =	sadd.s32 s0, s3;
	s0 =	sld [smem:$0x3F95]  }
0x30: {  	s3 =	sld [smem:$0x3F98]  }
0x31: {  	[smem:$0x3FA1] =	sst s10  }
0x32: {  	s10 =	sld [smem:$0x3F9F];
	_ =	sdelay $0x3  }
0x33: {  	p0 =	seq.s32 s10, $0x1;
	s10 =	sld [smem:$0x3FA1];
	_ =	sdelay $0x3  }
0x34: {  	[smem:$0x3FA1] =	sst s10  }
0x35: {  	s10 =	sld [smem:$0x3FA0];
	_ =	sdelay $0x3  }
0x36: {  	p1 =	seq.s32 s10, $0x1;
	s10 =	sld [smem:$0x3FA1];
	_ =	sdelay $0x3  }
0x37: {  	[smem:$0x3FA1] =	sst s10  }
0x38: {  	s10 =	sld [smem:$0x3FA2]  }
0x39: {  	_ = 	snop;
	(pc) =	sbr.ind lr, $3  }
0x3a: {  	_ = 	snop  }
0x3b: {  	_ = 	snop  }
0x3c: {  	p2 =	seq.s32 s10, $0x1;
	s10 =	sld [smem:$0x3FA1]  }
0x3d: {  	_ =	shalt  }
0x3e: {  	_ =	shalt  }
0x3f: {  	_ =	shalt  }
0x40: {  	_ =	shalt  }
0x41: {  	_ =	shalt  }
0x42: {  	_ =	shalt  }
0x43: {  	_ =	shalt  }
0x44: {  	_ =	shalt  }
0x45: {  	_ =	shalt  }
0x46: {  	_ =	shalt  }
0x47: {  	_ =	shalt  }
0x48: {  	_ =	shalt  }
0x49: {  	_ =	shalt  }
0x4a: {  	_ =	shalt  }
0x4b: {  	_ =	shalt  }
0x4c: {  	_ =	shalt  }
0x4d: {  	_ =	shalt  }
0x4e: {  	_ =	shalt  }
0x4f: {  	_ =	shalt  }
0x50: {  	_ =	shalt  }
0x51: {  	_ =	shalt  }
0x52: {  	_ =	shalt  }
0x53: {  	_ =	shalt  }
0x54: {  	_ =	shalt  }
0x55: {  	_ =	shalt  }
0x56: {  	_ =	shalt  }
0x57: {  	_ =	shalt  }
0x58: {  	_ =	shalt  }
0x59: {  	_ =	shalt  }
0x5a: {  	_ =	shalt  }
0x5b: {  	_ =	shalt  }
0x5c: {  	_ =	shalt  }
0x5d: {  	_ =	shalt  }
0x5e: {  	_ =	shalt  }
0x5f: {  	_ =	shalt  }
0x60: {  	_ =	shalt  }
0x61: {  	_ =	shalt  }
0x62: {  	_ =	shalt  }
0x63: {  	_ =	shalt  }
0x64: {  	_ =	shalt  }
0x65: {  	_ =	shalt  }
0x66: {  	_ =	shalt  }
0x67: {  	_ =	shalt  }
0x68: {  	_ =	shalt  }
0x69: {  	_ =	shalt  }
0x6a: {  	_ =	shalt  }
0x6b: {  	_ =	shalt  }
0x6c: {  	_ =	shalt  }
0x6d: {  	_ =	shalt  }
0x6e: {  	_ =	shalt  }
0x6f: {  	_ =	shalt  }
0x70: {  	_ =	shalt  }
0x71: {  	_ =	shalt  }
0x72: {  	_ =	shalt  }
0x73: {  	_ =	shalt  }
0x74: {  	_ =	shalt  }
0x75: {  	_ =	shalt  }
0x76: {  	_ =	shalt  }
0x77: {  	_ =	shalt  }
0x78: {  	_ =	shalt  }
0x79: {  	_ =	shalt  }
0x7a: {  	_ =	shalt  }
0x7b: {  	_ =	shalt  }
0x7c: {  	_ =	shalt  }
0x7d: {  	_ =	shalt  }
0x7e: {  	_ =	shalt  }
0x7f: {  	_ =	shalt  }
0x80: {  	_ =	shalt  }
0x81: {  	_ =	shalt  }
0x82: {  	_ =	shalt  }
0x83: {  	_ =	shalt  }
0x84: {  	_ =	shalt  }
0x85: {  	_ =	shalt  }
0x86: {  	_ =	shalt  }
0x87: {  	_ =	shalt  }
.Lfunc_end0:
.L_simem_size_0:
called_computation.1_lowered:
.L_overlay_start_0:
0x88: {  	s2 =	sld [smem:$0x3FD9]  }
0x89: {  	s3 =	sld [smem:$0x3FFE];
	_ =	sdelay $0x1  }
0x8a: {  	s1 =	srdreg.scid  }
0x8b: {  	s0 =	sand.u32 $0x1, s1  }
0x8c: {  	s16 =	sshll.u32 s0, $0xA;
	s2 =	sadd.s32 s3, s2  }
0x8d: {  	s2 =	sadd.s32 s2, s16  }
0x8e: {  	[smem:$0x3FAD] =	sst s2  }
0x8f: {  	_ = 	snop  }
0x90: {  	(tm) =	ssettm $0x1  }
0x91: {  	s17 =	sld [smem:$0x3FFB];
	_ =	sdelay $0x3  }
0x92: {  	_ =	strace s17  }
0x93: {  	s2 =	sld [smem:$0x3FFC];
	_ =	sdelay $0x3  }
0x94: {  	_ =	strace s2  }
0x95: {  	s2 =	sld [smem:$0x3FFD];
	_ =	sdelay $0x3  }
0x96: {  	_ =	strace s2  }
0x97: {  	_ =	strace $0x8FFFFFFF  }
0x98: {  	s18 =	sld [smem:$0x3FDB];
	_ =	sdelay $0x1  }
0x99: {  	s19 =	simm.s32 $_scs_section_size  }
0x9a: {  	s4 =	simm.s32 $_size__tile_overlayer_lowered;
	s5 =	simm.s32 $_tile_overlayer_lowered  }
0x9b: {  	s22 =	simm.s32 $0x1BFF;
	s21 =	sshll.u32 s5, $0x1;
	s2 =	sadd.s32 s19, s18  }
0x9c: {  	s6 =	simm.s32 $0x0;
	s20 =	sshll.u32 s4, $0x1;
	s4 =	sadd.s32 s21, s2  }
0x9d: {  	[timem:s6], [sflag:s22] =	dma.local [hbm:s4], s20  }
0x9e: {  	_ =	swait.ge [sflag:s22], s20  }
0x9f: {  	s3 =	ssub.s32 $0x0, s20;
	[sflag:s22] =	ssyncset.done $0x0  }
0xa0: {  	[sflag:s22] =	ssyncadd.s32 s3;
	_ =	sdelay $0x1  }
0xa1: {  	s23 =	simm.s32 $0x1B8B  }
0xa2: {  	_ =	swait.ge [sflag:s23], $0x1  }
0xa3: {  	[sflag:s23] =	ssyncset.done $0x0  }
0xa4: {  	s25 =	simm.s32 $0x1B8E;
	s24 =	sld [smem:$0x3FFE];
	[sflag:s23] =	ssyncadd.s32 $0xFFFFFFFF  }
0xa5: {  	s26 =	simm.s32 $execute0_lowered;
	[smem:$0x3FD2] =	sst s25  }
0xa6: {  	s4 =	sshll.u32 s26, $0x1;
	_ =	strace $0x80000049;
	[dreg:$0x1] =	wrdreg $0xFFFFFFFF  }
0xa7: {  	s28 =	simm.s32 $_size_execute0_lowered;
	s2 =	sadd.s32 s2, s4;
	[dreg:$0x0] =	wrdreg $0x0  }
0xa8: {  	s4 =	sshll.u32 s28, $0x1;
	[dreg:$0x2] =	wrdreg s2  }
0xa9: {  	[dreg:$0x3] =	wrdreg s4  }
0xaa: {  	[dreg:$0x4] =	wrdreg $0xC0  }
0xab: {  	_ =	task [dreg:s6], $0x5FFFF  }
0xac: {  	[dreg:$0x1] =	wrdreg $0xFFFFFFFF  }
0xad: {  	[dreg:$0x0] =	wrdreg $0x60  }
0xae: {  	[dreg:$0x2] =	wrdreg s24  }
0xaf: {  	[dreg:$0x3] =	wrdreg $0x9  }
0xb0: {  	_ =	task.clear_ibuf [dreg:s6], $0x4FFFF;
	_ =	strace $0x90000049  }
0xb1: {  	s29 =	simm.s32 $0x9;
	_ =	strace $0x8000004B  }
0xb2: {  	_ =	swait.ge [sflag:s29], $0x1  }
0xb3: {  	[sflag:s29] =	ssyncadd.s32 $0xFFFFFFFF  }
0xb4: {  	_ =	strace $0x9000004B  }
0xb5: {  	_ =	sfence  }
0xb6: {  	s30 =	sld [smem:$0x0];
	_ =	sdelay $0x2  }
0xb7: {  	s31 =	sshll.u32 s1, $0xD;
	s1 =	sshrl.u32 s1, $0x2  }
0xb8: {  	s3 =	sand.u32 $0x4000, s31;
	s1 =	sadd.s32 s1, s30  }
0xb9: {  	s0 =	sor.u32 s3, s0;
	s1 =	sshll.u32 s1, $0x11  }
0xba: {  	s0 =	sor.u32 s1, s0  }
0xbb: {  	s0 =	sadd.s32 $0x8F2B, s0  }
0xbc: {  	[sflag:s0] =	ssyncadd.remote.s32 $0x1  }
0xbd: {  	_ =	sfence.sel $0xFFFF  }
0xbe: {  	[dreg:$0x0] =	wrdreg $0xFFFFFFFF;
	(pc) =	sbr.abs _section_cstart, $3  }
0xbf: {  	[dreg:$0x1] =	wrdreg $0xFFFFFFFF  }
0xc0: {  	_ =	task.clear_ibuf [dreg:s6], $0x2FFFF;
	_ =	strace $0x9FFFFFFF  }
0xc1: {  	(tm) =	ssettm $0x7FFFFFFF  }
tec
execute0_lowered:
.L_overlay_start_1:
0x0: {  	(tag) =	ssettag $0x1  }
0x1: {  	s8 =	rddreg [dreg:$0x0];
	s1 =	stileid.u32  }
0x2: {  	s2 =	srdreg.scid;
	s0 =	rddreg [dreg:$0x1]  }
0x3: {  	_ =	strace $0x8000004A;
	s5 =	simm.s32 $0x1;
	s9 =	simm.s32 $0x1  }
0x4: {  	s10 =	simm.s32 $0x3;
	s3 =	sand.u32 $0x1, s2;
	s4 =	sshll.u32 s1, $0x1  }
0x5: {  	s13 =	simm.s32 $0x0;
	s12 =	simm.s32 $0x0;
	s6 =	sor.u32 s4, s3  }
0x6: {  	s2 =	sadd.s32 $0x311C00, s8;
	[sflag:s5] =	ssyncpa.u1 $0x0;
	s4 =	smul.u32 $0x5000, s6  }
0x7: {  	s3 =	sadd.s32 $0x343C00, s8;
	p0 =	slt.u32 s6, $0x9;
	s6 =	simm.s32 $0xA0000  }
.Ltmp0:
0x8: {  	s6 =	simm.s32 @!p0 $0x0;
	s7 =	ssub.s32 $0xC8000, s4;
	(pc) =	sbr.rel .LBB2_1-.Ltmp0, $4  }
0x9: {  	s9 =	simm.s32 @!p0 $0x0;
	p0 =	sne.s32 s7, s6;
	s7 =	simm.s32 $0x1  }
0xa: {  	s8 =	sadd.s32 $0x3D9E00, s8;
	s6 =	simm.s32 $0x2;
	s7 =	simm.s32 @!p0 $0x0  }
0xb: {  	s11 =	smov.u32 s4;
	[sflag:s6] =	ssyncpa.u1 $0x0;
	s7 =	sadd.s32 s9, s7  }
0xc: {  	vm0 =	vmmov $0xffff;
	[sflag:s10] =	ssyncpa.u1 $0x0;
	s10 =	simm.s32 $0x0;
	s9 =	sadd.s32 $0x1, s7  }
.LBB2_4:
0xd: {  	vm1 =	veq.s32 v4, $0x80000000;
	v56 =	vand.u32 $0x1F, v4;
	v6 =	vand.u32 $0x7FFF, v6  }
0xe: {  	v2 =	vor.u32 v2, v5;
	v59 =	vshrl.u32 v1, $0x5;
	v60 =	vand.u32 $0x1F, v1  }
0xf: {  	v4 =	vsel vm1, $0xFFFFFFFF, v56;
	v6 =	vsel vm1, $0xFFFFFFFF, v6;
	v2 =	vor.u32 v3, v2  }
0x10: {  	vm1 =	veq.s32 v1, $0x80000000;
	v5 =	vand.u32 $0x7FFF, v59;
	v7 =	vshrl.u32 v4, $0x3  }
0x11: {  	v57 =	vshll.u32 v6, $0x3;
	v4 =	vshll.u32 v4, $0x7;
	v1 =	vsel vm1, $0xFFFFFFFF, v60  }
0x12: {  	v5 =	vsel vm1, $0xFFFFFFFF, v5;
	v6 =	vand.u32 $0x7F, v6;
	v7 =	vmul.u32 $0x32000, v7  }
0x13: {  	v58 =	vand.u32 $0xFFFFFC00, v57;
	v4 =	vand.u32 $0x380, v4;
	v61 =	vshrl.u32 v1, $0x3  }
0x14: {  	v62 =	vshll.u32 v5, $0x3;
	v3 =	vadd.s32 v7, v58;
	v7 =	vmul.u32 $0x32000, v61  }
0x15: {  	v1 =	vshll.u32 v1, $0x7;
	v3 =	vor.u32 v4, v3;
	v4 =	vand.u32 $0xFFFFFC00, v62  }
0x16: {  	v1 =	vand.u32 $0x380, v1;
	v3 =	vor.u32 v6, v3;
	v4 =	vadd.s32 v7, v4  }
0x17: {  	[tilespmem:s16], [sflag:$0x1] =	stream.indirect_vreg.gather [hbm4b:s2+s10], $0x1, v0, vm0, $0x4038;
	v63 =	vand.u32 $0x7F, v5;
	v1 =	vor.u32 v1, v4;
	[tilespmem:$0x14000] =	vst v63  }
0x18: {  	s15 =	sadd.s32 $0x10, s15;
	(ifvalue) =	ssetifvalue $0x7FFFFFFF;
	v0 =	vor.u32 v63, v1  }
0x19: {  	[tilespmem:s15], [sflag:$0x1] =	stream.indirect_vreg.gather [hbm4b:s2+s10], $0x1, v2, vm0, $0x4038;
	[tilespmem:$0x14000] =	vst v63  }
0x1a: {  	s15 =	sadd.s32 $0x10, s15;
	(ifvalue) =	ssetifvalue $0x7FFFFFFF  }
0x1b: {  	[tilespmem:s15], [sflag:$0x1] =	stream.indirect_vreg.gather [hbm4b:s2+s10], $0x1, v3, vm0, $0x4038;
	[tilespmem:$0x14000] =	vst v63  }
0x1c: {  	s15 =	sadd.s32 $0x10, s15;
	(ifvalue) =	ssetifvalue $0x7FFFFFFF  }
0x1d: {  	[tilespmem:s15], [sflag:$0x1] =	stream.indirect_vreg.gather [hbm4b:s2+s10], $0x1, v0, vm0, $0x4038;
	[tilespmem:$0x14000] =	vst v63  }
0x1e: {  	_ =	swait.ge [sflag:s5], $0x5000  }
0x1f: {  	s30 =	sshrl.u32 s13, $0x3;
	[sflag:s5] =	ssyncset.done $0x0  }
0x20: {  	s31 =	sand.u32 $0x7, s13;
	s15 =	sadd.s32 s8, s30;
	[sflag:s5] =	ssyncadd.s32 $0xFFFFB000  }
0x21: {  	[hbm4b:s15+s31] =	stream.linear.scatter [tilespmem:s14], [sflag:$0x3], $0x5000, $0x38;
	[tilespmem:$0x14000] =	vst v63  }
.LBB2_5:
0x22: {  	s15 =	sadd.s32 $0xA0000, s11  }
0x23: {  	p1 =	sgt.s32 s15, $0xC7FFF  }
0x24: {  	s15 =	smov.u32 @p1 s4;
	p1 =	sne.s32 s12, s9  }
.Ltmp1:
0x25: {  	p0 =	slt.u32 s12, $0x2;
	(pc) =	sbr.rel @!p1 .LBB2_6-.Ltmp1, $4  }
0x26: {  	s14 =	simm.s32 @!p0 $0x3  }
0x27: {  	_ =	swait.ge @!p0 [sflag:s14], $0x5000  }
0x28: {  	s16 =	sadd.s32 $0x1, s12;
	s13 =	smov.u32 s11;
	[sflag:s14] =	ssyncset.done @!p0 $0x0  }
0x29: {  	s12 =	smov.u32 s16;
	s11 =	smov.u32 s15;
	[sflag:s14] =	ssyncadd.s32 @!p0 $0xFFFFB000  }
.LBB2_1:
0x2a: {  	p0 =	sge.u32 s12, s7  }
0x2b: {  	s14 =	sxor.u32 @!p0 $0x1, s12  }
0x2c: {  	s14 =	smul.u32 @!p0 $0x14000, s14  }
0x2d: {  	s31 =	sadd.s32 $0xFFFFFFFF, s12;
	s15 =	sshrl.u32 @!p0 s11, $0x3  }
0x2e: {  	s16 =	sand.u32 @!p0 $0x7, s11;
	s15 =	sadd.s32 @!p0 s3, s15;
	s14 =	sshra.s32 @!p0 s14, $0x2  }
0x2f: {  	[tilespmem:s14], [sflag:$0x2] =	stream.linear.gather @!p0 [hbm4b:s15+s16], $0x5000, $0x38;
	[tilespmem:$0x14000] =	vst v63  }
0x30: {  	p0 =	sge.u32 s31, s7  }
.Ltmp2:
0x31: {  	_ = 	snop;
	(pc) =	sbr.rel @p0 .LBB2_5-.Ltmp2, $1  }
0x32: {  	_ =	sdelay $0x3  }
0x33: {  	s14 =	sand.u32 $0x1, s12  }
0x34: {  	_ =	swait.ge [sflag:s6], $0x5000;
	p0 =	seq.s32 s14, $0x1;
	s14 =	simm.s32 $0x5000  }
0x35: {  	[sflag:s6] =	ssyncset.done $0x0;
	s14 =	simm.s32 @!p0 $0x0  }
0x36: {  	[sflag:s6] =	ssyncadd.s32 $0xFFFFB000;
	(ifvalue) =	ssetifvalue $0x7FFFFFFF;
	v0 =	vld.msk [tilespmem:s14+$0x0 ss:$0x1], $0xffff  }
0x37: {  	s15 =	sadd.s32 $0x10, s14  }
0x38: {  	v1 =	vld.msk [tilespmem:s15+$0x0 ss:$0x1], $0xffff;
	_ =	sdelay $0x2  }
0x39: {  	v2 =	vshrl.u32 v0, $0x5  }
0x3a: {  	vm1 =	veq.s32 v0, $0x80000000;
	v0 =	vand.u32 $0x1F, v0;
	v2 =	vand.u32 $0x7FFF, v2  }
0x3b: {  	v0 =	vsel vm1, $0xFFFFFFFF, v0;
	v6 =	vshrl.u32 v1, $0x5;
	v2 =	vsel vm1, $0xFFFFFFFF, v2  }
0x3c: {  	v3 =	vshrl.u32 v0, $0x3;
	v0 =	vshll.u32 v0, $0x7;
	vm1 =	veq.s32 v1, $0x80000000  }
0x3d: {  	s15 =	sadd.s32 $0x10, s15;
	v1 =	vand.u32 $0x1F, v1;
	v4 =	vshll.u32 v2, $0x3;
	v3 =	vmul.u32 $0x32000, v3  }
0x3e: {  	v0 =	vand.u32 $0x380, v0;
	v7 =	vand.u32 $0x7F, v2;
	v5 =	vand.u32 $0xFFFFFC00, v4;
	v4 =	vld.msk [tilespmem:s15+$0x0 ss:$0x1], $0xffff  }
0x3f: {  	v1 =	vsel vm1, $0xFFFFFFFF, v1;
	v2 =	vadd.s32 v3, v5;
	v3 =	vand.u32 $0x7FFF, v6  }
0x40: {  	v3 =	vsel vm1, $0xFFFFFFFF, v3;
	v0 =	vor.u32 v0, v2;
	v2 =	vshrl.u32 v1, $0x3  }
0x41: {  	v1 =	vshll.u32 v1, $0x7;
	v5 =	vshll.u32 v3, $0x3;
	v8 =	vmul.u32 $0x32000, v2  }
0x42: {  	s18 =	simm.s32 $0x30;
	s14 =	sor.u32 $0xA000, s14;
	s17 =	sadd.s32 $0x10, s15;
	v2 =	vand.u32 $0x380, v1;
	v0 =	vor.u32 v7, v0;
	v5 =	vand.u32 $0xFFFFFC00, v5  }
0x43: {  	s16 =	smov.u32 s14;
	s15 =	smov.u32 s14;
	v1 =	vld.msk [tilespmem:s17+$0x0 ss:$0x1], $0xffff;
	v3 =	vand.u32 $0x7F, v3;
	(ifvalue) =	ssetifvalue $0x7FFFFFFF;
	v6 =	vshrl.u32 v4, $0x5;
	v5 =	vadd.s32 v8, v5  }
.LBB2_3:
0x44: {  	s18 =	sadd.s32 $0x10, s18  }
0x45: {  	vm1 =	veq.s32 v4, $0x80000000;
	v4 =	vand.u32 $0x1F, v4;
	v6 =	vand.u32 $0x7FFF, v6;
	s15 =	sadd.s32 $0x10, s15;
	p0 =	slt.u32 s18, $0x4FF0  }
.Ltmp3:
0x46: {  	v5 =	vor.u32 v2, v5;
	v4 =	vsel vm1, $0xFFFFFFFF, v4;
	v7 =	vsel vm1, $0xFFFFFFFF, v6;
	(pc) =	sbr.rel @p0 .LBB2_3-.Ltmp3, $4  }
0x47: {  	v2 =	vshrl.u32 v4, $0x3;
	v6 =	vshll.u32 v7, $0x3;
	v4 =	vshll.u32 v4, $0x7;
	[tilespmem:s16], [sflag:$0x1] =	stream.indirect_vreg.gather [hbm4b:s2+s10], $0x1, v0, vm0, $0x4038;
	[tilespmem:$0x14000] =	vst v63  }
0x48: {  	v0 =	vor.u32 v3, v5;
	s16 =	smov.u32 s15;
	v8 =	vmul.u32 $0x32000, v2;
	v2 =	vand.u32 $0x380, v4  }
0x49: {  	s17 =	sadd.s32 $0x10, s17;
	v9 =	vand.u32 $0xFFFFFC00, v6  }
0x4a: {  	v3 =	vand.u32 $0x7F, v7;
	v6 =	vshrl.u32 v1, $0x5;
	v5 =	vadd.s32 v8, v9;
	(ifvalue) =	ssetifvalue $0x7FFFFFFF;
	v4 =	vmovc v1;
	v1 =	vld.msk [tilespmem:s17+$0x0 ss:$0x1], $0xffff  }
.Ltmp4:
0x4b: {  	_ = 	snop;
	(pc) =	sbr.rel .LBB2_4-.Ltmp4, $1  }
0x4c: {  	_ =	sdelay $0x3  }
.LBB2_6:
0x4d: {  	_ =	sfence.sel $0x180000  }
0x4e: {  	s2 =	simm.s32 $0x2;
	[bflag:$0x0] =	sbarrier.arrive $0xFFFF  }
0x4f: {  	s30 =	simm.s32 $0x3;
	[sflag:s2] =	ssyncpa.u1 $0x1  }
0x50: {  	s31 =	simm.s32 $0x1;
	[sflag:s30] =	ssyncpa.u1 $0x1  }
0x51: {  	[sflag:s31] =	ssyncpa.u1 $0x1  }
0x52: {  	p0 =	sne.s32 s1, $0x0;
	_ =	strace $0x9000004A  }
0x53: {  	s0 =	sadd.s32 @!p0 $0x100000, s0;
	[bflag:$0x2] =	sbarrier.arrive $0xFFFF  }
0x54: {  	[sflag:s0] =	ssyncadd.tile.s32 @!p0 $0x1;
	_ =	shalt  }
.Lfunc_end2:
_tile_overlayer_lowered:
.L_overlay_start_2:
0x55: {  	(tag) =	ssettag $0x2  }
0x56: {  	s0 =	rddreg [dreg:$0x0];
	s2 =	stileid.u32  }
0x57: {  	s1 =	rddreg [dreg:$0x1];
	p0 =	sne.s32 s2, $0x0  }
0x58: {  	s3 =	rddreg [dreg:$0x2];
	[bflag:$0x3] =	sbarrier.arrive $0xFFFF;
	s2 =	simm.s32 @!p0 $0x1C01  }
0x59: {  	[timem:s3], [sflag:s2] =	dma.local @!p0 [hbm:s0], s1  }
0x5a: {  	s0 =	simm.s32 @!p0 $0x1  }
0x5b: {  	_ =	swait.ge @!p0 [sflag:s0], s1  }
0x5c: {  	s1 =	ssub.s32 @!p0 $0x0, s1;
	[sflag:s0] =	ssyncset.done @!p0 $0x0  }
0x5d: {  	[sflag:s0] =	ssyncadd.s32 @!p0 s1  }
0x5e: {  	[bflag:$0x3] =	sbarrier.arrive $0xFFFF  }
0x5f: {  	_ =	shalt  }

// kernel: gather_offload_async_start
scs
__scs_entry_jumppad:
0x0: {  	(pc) =	sbr.rel $0x88, $3  }
0x1: {  	(tag) =	ssettag $0x0;
	lr =	simm.s32 $0x1  }
0x2: {  	[smem:$0x3F86] =	sst lr;
	_ =	strace $0xD0000000  }
0x3: {  	_ = 	snop  }
0x4: {  	_ = 	snop  }
0x5: {  	_ = 	snop  }
0x6: {  	_ = 	snop  }
0x7: {  	_ = 	snop  }
__scs_overlays_trampoline_lowered:
0x8: {  	[smem:$0x3F95] =	sst s0  }
0x9: {  	[smem:$0x3F96] =	sst s1  }
0xa: {  	[smem:$0x3F97] =	sst s2  }
0xb: {  	[smem:$0x3F98] =	sst s3  }
0xc: {  	[smem:$0x3F99] =	sst s4  }
0xd: {  	[smem:$0x3F9A] =	sst s5  }
0xe: {  	[smem:$0x3F9B] =	sst s6  }
0xf: {  	[smem:$0x3F9C] =	sst s7  }
0x10: {  	[smem:$0x3F9D] =	sst s8  }
0x11: {  	[smem:$0x3F9E] =	sst s9;
	s0 =	simm.s32 @!p0 $0x0  }
0x12: {  	s1 =	sld [smem:$0x3F84];
	s0 =	simm.s32 @p0 $0x1  }
0x13: {  	[smem:$0x3F9F] =	sst s0;
	s0 =	simm.s32 @!p1 $0x0  }
0x14: {  	s2 =	sld [smem:$0x3F83];
	s0 =	simm.s32 @p1 $0x1  }
0x15: {  	[smem:$0x3FA0] =	sst s0;
	s0 =	simm.s32 @!p2 $0x0  }
0x16: {  	s3 =	sld [smem:$0x3FDB];
	s0 =	simm.s32 @p2 $0x1  }
0x17: {  	s4 =	simm.s32 $0x1BF5;
	[smem:$0x3FA2] =	sst s0  }
0x18: {  	s0 =	sld [smem:$0x3F85];
	_ =	swait.ge [sflag:s4], $0x0  }
0x19: {  	s7 =	sld [smem:$0x3F86]  }
0x1a: {  	s8 =	sadd.s32 $0xFFFFE003, lr  }
0x1b: {  	s9 =	sadd.s32 $0xFFFFFEF7, lr;
	s5 =	simm.s32 $0xFFFFFFFF;
	p2 =	slt.u32 s8, $0xFFFFF086  }
0x1c: {  	p1 =	slt.u32 s9, $0xF7A;
	s5 =	simm.s32 @!p2 $0x0  }
0x1d: {  	s5 =	simm.s32 @p1 $0x1;
	p0 =	seq.s32 s7, s2  }
0x1e: {  	s7 =	smul.u32 @!p0 $0xF7A, s2;
	p2 =	seq.s32 @!p0 s5, $0x0  }
0x1f: {  	s9 =	smul.u32 $0xF7A, s1;
	s8 =	simm.s32 @!p0 $0x1BF5;
	p2 =	por !p2, p0  }
0x20: {  	[sflag:s8] =	ssyncset.s32 @!p0 $0xFFFFF086;
	s6 =	sadd.s32 @!p0 s3, s7;
	s7 =	simm.s32 @!p0 $0x108  }
0x21: {  	s3 =	sadd.s32 s3, s9;
	s6 =	sadd.s32 @!p0 $0x88, s6;
	s7 =	simm.s32 @p2 $0x1082  }
0x22: {  	[simem:s7], [sflag:s8] =	dma.local @!p0 [hbm:s6], $0xF7A  }
0x23: {  	s9 =	sor.u32 $0xD0000000, s2;
	s6 =	simm.s32 $0x108;
	_ =	swait.ge @!p0 [sflag:s8], $0x0  }
0x24: {  	s3 =	sadd.s32 $0x88, s3;
	s6 =	simm.s32 @!p1 $0x1082;
	[sflag:s4] =	ssyncset.s32 $0xFFFFF086  }
0x25: {  	[simem:s6], [sflag:s4] =	dma.local [hbm:s3], $0xF7A  }
0x26: {  	[smem:$0x3F86] =	sst s1;
	(tag) =	ssettag s2;
	_ =	strace s9  }
0x27: {  	s1 =	sld [smem:$0x3F96]  }
0x28: {  	s2 =	sld [smem:$0x3F97]  }
0x29: {  	s4 =	sld [smem:$0x3F99]  }
0x2a: {  	p0 =	seq.s32 s5, $0x0;
	s5 =	sld [smem:$0x3F9A]  }
0x2b: {  	s6 =	sld [smem:$0x3F9B]  }
0x2c: {  	s7 =	sld [smem:$0x3F9C]  }
0x2d: {  	s3 =	simm.s32 $0x108;
	s8 =	sld [smem:$0x3F9D]  }
0x2e: {  	s3 =	simm.s32 @!p0 $0x1082;
	s9 =	sld [smem:$0x3F9E]  }
0x2f: {  	lr =	sadd.s32 s0, s3;
	s0 =	sld [smem:$0x3F95]  }
0x30: {  	s3 =	sld [smem:$0x3F98]  }
0x31: {  	[smem:$0x3FA1] =	sst s10  }
0x32: {  	s10 =	sld [smem:$0x3F9F];
	_ =	sdelay $0x3  }
0x33: {  	p0 =	seq.s32 s10, $0x1;
	s10 =	sld [smem:$0x3FA1];
	_ =	sdelay $0x3  }
0x34: {  	[smem:$0x3FA1] =	sst s10  }
0x35: {  	s10 =	sld [smem:$0x3FA0];
	_ =	sdelay $0x3  }
0x36: {  	p1 =	seq.s32 s10, $0x1;
	s10 =	sld [smem:$0x3FA1];
	_ =	sdelay $0x3  }
0x37: {  	[smem:$0x3FA1] =	sst s10  }
0x38: {  	s10 =	sld [smem:$0x3FA2]  }
0x39: {  	_ = 	snop;
	(pc) =	sbr.ind lr, $3  }
0x3a: {  	_ = 	snop  }
0x3b: {  	_ = 	snop  }
0x3c: {  	p2 =	seq.s32 s10, $0x1;
	s10 =	sld [smem:$0x3FA1]  }
0x3d: {  	_ =	shalt  }
0x3e: {  	_ =	shalt  }
0x3f: {  	_ =	shalt  }
0x40: {  	_ =	shalt  }
0x41: {  	_ =	shalt  }
0x42: {  	_ =	shalt  }
0x43: {  	_ =	shalt  }
0x44: {  	_ =	shalt  }
0x45: {  	_ =	shalt  }
0x46: {  	_ =	shalt  }
0x47: {  	_ =	shalt  }
0x48: {  	_ =	shalt  }
0x49: {  	_ =	shalt  }
0x4a: {  	_ =	shalt  }
0x4b: {  	_ =	shalt  }
0x4c: {  	_ =	shalt  }
0x4d: {  	_ =	shalt  }
0x4e: {  	_ =	shalt  }
0x4f: {  	_ =	shalt  }
0x50: {  	_ =	shalt  }
0x51: {  	_ =	shalt  }
0x52: {  	_ =	shalt  }
0x53: {  	_ =	shalt  }
0x54: {  	_ =	shalt  }
0x55: {  	_ =	shalt  }
0x56: {  	_ =	shalt  }
0x57: {  	_ =	shalt  }
0x58: {  	_ =	shalt  }
0x59: {  	_ =	shalt  }
0x5a: {  	_ =	shalt  }
0x5b: {  	_ =	shalt  }
0x5c: {  	_ =	shalt  }
0x5d: {  	_ =	shalt  }
0x5e: {  	_ =	shalt  }
0x5f: {  	_ =	shalt  }
0x60: {  	_ =	shalt  }
0x61: {  	_ =	shalt  }
0x62: {  	_ =	shalt  }
0x63: {  	_ =	shalt  }
0x64: {  	_ =	shalt  }
0x65: {  	_ =	shalt  }
0x66: {  	_ =	shalt  }
0x67: {  	_ =	shalt  }
0x68: {  	_ =	shalt  }
0x69: {  	_ =	shalt  }
0x6a: {  	_ =	shalt  }
0x6b: {  	_ =	shalt  }
0x6c: {  	_ =	shalt  }
0x6d: {  	_ =	shalt  }
0x6e: {  	_ =	shalt  }
0x6f: {  	_ =	shalt  }
0x70: {  	_ =	shalt  }
0x71: {  	_ =	shalt  }
0x72: {  	_ =	shalt  }
0x73: {  	_ =	shalt  }
0x74: {  	_ =	shalt  }
0x75: {  	_ =	shalt  }
0x76: {  	_ =	shalt  }
0x77: {  	_ =	shalt  }
0x78: {  	_ =	shalt  }
0x79: {  	_ =	shalt  }
0x7a: {  	_ =	shalt  }
0x7b: {  	_ =	shalt  }
0x7c: {  	_ =	shalt  }
0x7d: {  	_ =	shalt  }
0x7e: {  	_ =	shalt  }
0x7f: {  	_ =	shalt  }
0x80: {  	_ =	shalt  }
0x81: {  	_ =	shalt  }
0x82: {  	_ =	shalt  }
0x83: {  	_ =	shalt  }
0x84: {  	_ =	shalt  }
0x85: {  	_ =	shalt  }
0x86: {  	_ =	shalt  }
0x87: {  	_ =	shalt  }
.Lfunc_end0:
.L_simem_size_0:
called_computation_lowered:
.L_overlay_start_0:
0x88: {  	s2 =	sld [smem:$0x3FD9]  }
0x89: {  	s3 =	sld [smem:$0x3FFE];
	_ =	sdelay $0x1  }
0x8a: {  	s1 =	srdreg.scid  }
0x8b: {  	s0 =	sand.u32 $0x1, s1  }
0x8c: {  	s16 =	sshll.u32 s0, $0xA;
	s2 =	sadd.s32 s3, s2  }
0x8d: {  	s2 =	sadd.s32 s2, s16  }
0x8e: {  	[smem:$0x3FAD] =	sst s2  }
0x8f: {  	_ = 	snop  }
0x90: {  	(tm) =	ssettm $0x1  }
0x91: {  	s17 =	sld [smem:$0x3FFB];
	_ =	sdelay $0x3  }
0x92: {  	_ =	strace s17  }
0x93: {  	s2 =	sld [smem:$0x3FFC];
	_ =	sdelay $0x3  }
0x94: {  	_ =	strace s2  }
0x95: {  	s2 =	sld [smem:$0x3FFD];
	_ =	sdelay $0x3  }
0x96: {  	_ =	strace s2  }
0x97: {  	_ =	strace $0x8FFFFFFF  }
0x98: {  	s18 =	sld [smem:$0x3FDB];
	_ =	sdelay $0x1  }
0x99: {  	s19 =	simm.s32 $_scs_section_size  }
0x9a: {  	s4 =	simm.s32 $_size__tile_overlayer_lowered;
	s5 =	simm.s32 $_tile_overlayer_lowered  }
0x9b: {  	s22 =	simm.s32 $0x1BFF;
	s21 =	sshll.u32 s5, $0x1;
	s2 =	sadd.s32 s19, s18  }
0x9c: {  	s6 =	simm.s32 $0x0;
	s20 =	sshll.u32 s4, $0x1;
	s4 =	sadd.s32 s21, s2  }
0x9d: {  	[timem:s6], [sflag:s22] =	dma.local [hbm:s4], s20  }
0x9e: {  	_ =	swait.ge [sflag:s22], s20  }
0x9f: {  	s3 =	ssub.s32 $0x0, s20;
	[sflag:s22] =	ssyncset.done $0x0  }
0xa0: {  	[sflag:s22] =	ssyncadd.s32 s3;
	_ =	sdelay $0x1  }
0xa1: {  	s23 =	simm.s32 $0x1B8B  }
0xa2: {  	_ =	swait.ge [sflag:s23], $0x1  }
0xa3: {  	[sflag:s23] =	ssyncset.done $0x0  }
0xa4: {  	s25 =	simm.s32 $0x1B8E;
	s24 =	sld [smem:$0x3FFE];
	[sflag:s23] =	ssyncadd.s32 $0xFFFFFFFF  }
0xa5: {  	s26 =	simm.s32 $execute0_lowered;
	[smem:$0x3FD2] =	sst s25  }
0xa6: {  	s4 =	sshll.u32 s26, $0x1;
	_ =	strace $0x80000046;
	[dreg:$0x1] =	wrdreg $0xFFFFFFFF  }
0xa7: {  	s28 =	simm.s32 $_size_execute0_lowered;
	s2 =	sadd.s32 s2, s4;
	[dreg:$0x0] =	wrdreg $0x0  }
0xa8: {  	s4 =	sshll.u32 s28, $0x1;
	[dreg:$0x2] =	wrdreg s2  }
0xa9: {  	[dreg:$0x3] =	wrdreg s4  }
0xaa: {  	[dreg:$0x4] =	wrdreg $0xC0  }
0xab: {  	_ =	task [dreg:s6], $0x5FFFF  }
0xac: {  	[dreg:$0x1] =	wrdreg $0xFFFFFFFF  }
0xad: {  	[dreg:$0x0] =	wrdreg $0x60  }
0xae: {  	[dreg:$0x2] =	wrdreg s24  }
0xaf: {  	[dreg:$0x3] =	wrdreg $0x9  }
0xb0: {  	_ =	task.clear_ibuf [dreg:s6], $0x4FFFF;
	_ =	strace $0x90000046  }
0xb1: {  	s29 =	simm.s32 $0x9;
	_ =	strace $0x80000048  }
0xb2: {  	_ =	swait.ge [sflag:s29], $0x1  }
0xb3: {  	[sflag:s29] =	ssyncadd.s32 $0xFFFFFFFF  }
0xb4: {  	_ =	strace $0x90000048  }
0xb5: {  	_ =	sfence  }
0xb6: {  	s30 =	sld [smem:$0x0];
	_ =	sdelay $0x2  }
0xb7: {  	s31 =	sshll.u32 s1, $0xD;
	s1 =	sshrl.u32 s1, $0x2  }
0xb8: {  	s3 =	sand.u32 $0x4000, s31;
	s1 =	sadd.s32 s1, s30  }
0xb9: {  	s0 =	sor.u32 s3, s0;
	s1 =	sshll.u32 s1, $0x11  }
0xba: {  	s0 =	sor.u32 s1, s0  }
0xbb: {  	s0 =	sadd.s32 $0x8F2B, s0  }
0xbc: {  	[sflag:s0] =	ssyncadd.remote.s32 $0x1  }
0xbd: {  	_ =	sfence.sel $0xFFFF  }
0xbe: {  	[dreg:$0x0] =	wrdreg $0xFFFFFFFF;
	(pc) =	sbr.abs _section_cstart, $3  }
0xbf: {  	[dreg:$0x1] =	wrdreg $0xFFFFFFFF  }
0xc0: {  	_ =	task.clear_ibuf [dreg:s6], $0x2FFFF;
	_ =	strace $0x9FFFFFFF  }
0xc1: {  	(tm) =	ssettm $0x7FFFFFFF  }
tec
execute0_lowered:
.L_overlay_start_1:
0x0: {  	(tag) =	ssettag $0x1  }
0x1: {  	s8 =	rddreg [dreg:$0x0];
	s1 =	stileid.u32  }
0x2: {  	s2 =	srdreg.scid;
	s0 =	rddreg [dreg:$0x1]  }
0x3: {  	_ =	strace $0x80000047;
	s5 =	simm.s32 $0x1;
	s9 =	simm.s32 $0x1  }
0x4: {  	s10 =	simm.s32 $0x3;
	s3 =	sand.u32 $0x1, s2;
	s4 =	sshll.u32 s1, $0x1  }
0x5: {  	s13 =	simm.s32 $0x0;
	s12 =	simm.s32 $0x0;
	s6 =	sor.u32 s4, s3  }
0x6: {  	s2 =	sadd.s32 $0x35CC00, s8;
	[sflag:s5] =	ssyncpa.u1 $0x0;
	s4 =	smul.u32 $0x5000, s6  }
0x7: {  	s3 =	sadd.s32 $0x343C00, s8;
	p0 =	slt.u32 s6, $0x9;
	s6 =	simm.s32 $0xA0000  }
.Ltmp0:
0x8: {  	s6 =	simm.s32 @!p0 $0x0;
	s7 =	ssub.s32 $0xC8000, s4;
	(pc) =	sbr.rel .LBB2_1-.Ltmp0, $4  }
0x9: {  	s9 =	simm.s32 @!p0 $0x0;
	p0 =	sne.s32 s7, s6;
	s7 =	simm.s32 $0x1  }
0xa: {  	s8 =	sadd.s32 $0x3D9E00, s8;
	s6 =	simm.s32 $0x2;
	s7 =	simm.s32 @!p0 $0x0  }
0xb: {  	s11 =	smov.u32 s4;
	[sflag:s6] =	ssyncpa.u1 $0x0;
	s7 =	sadd.s32 s9, s7  }
0xc: {  	vm0 =	vmmov $0xffff;
	[sflag:s10] =	ssyncpa.u1 $0x0;
	s10 =	simm.s32 $0x0;
	s9 =	sadd.s32 $0x1, s7  }
.LBB2_4:
0xd: {  	vm1 =	veq.s32 v4, $0x80000000;
	v56 =	vand.u32 $0x1F, v4;
	v6 =	vand.u32 $0x7FFF, v6  }
0xe: {  	v2 =	vor.u32 v2, v5;
	v59 =	vshrl.u32 v1, $0x5;
	v60 =	vand.u32 $0x1F, v1  }
0xf: {  	v4 =	vsel vm1, $0xFFFFFFFF, v56;
	v6 =	vsel vm1, $0xFFFFFFFF, v6;
	v2 =	vor.u32 v3, v2  }
0x10: {  	vm1 =	veq.s32 v1, $0x80000000;
	v5 =	vand.u32 $0x7FFF, v59;
	v7 =	vshrl.u32 v4, $0x3  }
0x11: {  	v57 =	vshll.u32 v6, $0x3;
	v4 =	vshll.u32 v4, $0x7;
	v1 =	vsel vm1, $0xFFFFFFFF, v60  }
0x12: {  	v5 =	vsel vm1, $0xFFFFFFFF, v5;
	v6 =	vand.u32 $0x7F, v6;
	v7 =	vmul.u32 $0x32000, v7  }
0x13: {  	v58 =	vand.u32 $0xFFFFFC00, v57;
	v4 =	vand.u32 $0x380, v4;
	v61 =	vshrl.u32 v1, $0x3  }
0x14: {  	v62 =	vshll.u32 v5, $0x3;
	v3 =	vadd.s32 v7, v58;
	v7 =	vmul.u32 $0x32000, v61  }
0x15: {  	v1 =	vshll.u32 v1, $0x7;
	v3 =	vor.u32 v4, v3;
	v4 =	vand.u32 $0xFFFFFC00, v62  }
0x16: {  	v1 =	vand.u32 $0x380, v1;
	v3 =	vor.u32 v6, v3;
	v4 =	vadd.s32 v7, v4  }
0x17: {  	[tilespmem:s16], [sflag:$0x1] =	stream.indirect_vreg.gather [hbm4b:s2+s10], $0x1, v0, vm0, $0x4038;
	v63 =	vand.u32 $0x7F, v5;
	v1 =	vor.u32 v1, v4;
	[tilespmem:$0x14000] =	vst v63  }
0x18: {  	s15 =	sadd.s32 $0x10, s15;
	(ifvalue) =	ssetifvalue $0x7FFFFFFF;
	v0 =	vor.u32 v63, v1  }
0x19: {  	[tilespmem:s15], [sflag:$0x1] =	stream.indirect_vreg.gather [hbm4b:s2+s10], $0x1, v2, vm0, $0x4038;
	[tilespmem:$0x14000] =	vst v63  }
0x1a: {  	s15 =	sadd.s32 $0x10, s15;
	(ifvalue) =	ssetifvalue $0x7FFFFFFF  }
0x1b: {  	[tilespmem:s15], [sflag:$0x1] =	stream.indirect_vreg.gather [hbm4b:s2+s10], $0x1, v3, vm0, $0x4038;
	[tilespmem:$0x14000] =	vst v63  }
0x1c: {  	s15 =	sadd.s32 $0x10, s15;
	(ifvalue) =	ssetifvalue $0x7FFFFFFF  }
0x1d: {  	[tilespmem:s15], [sflag:$0x1] =	stream.indirect_vreg.gather [hbm4b:s2+s10], $0x1, v0, vm0, $0x4038;
	[tilespmem:$0x14000] =	vst v63  }
0x1e: {  	_ =	swait.ge [sflag:s5], $0x5000  }
0x1f: {  	s30 =	sshrl.u32 s13, $0x3;
	[sflag:s5] =	ssyncset.done $0x0  }
0x20: {  	s31 =	sand.u32 $0x7, s13;
	s15 =	sadd.s32 s8, s30;
	[sflag:s5] =	ssyncadd.s32 $0xFFFFB000  }
0x21: {  	[hbm4b:s15+s31] =	stream.linear.scatter [tilespmem:s14], [sflag:$0x3], $0x5000, $0x38;
	[tilespmem:$0x14000] =	vst v63  }
.LBB2_5:
0x22: {  	s15 =	sadd.s32 $0xA0000, s11  }
0x23: {  	p1 =	sgt.s32 s15, $0xC7FFF  }
0x24: {  	s15 =	smov.u32 @p1 s4;
	p1 =	sne.s32 s12, s9  }
.Ltmp1:
0x25: {  	p0 =	slt.u32 s12, $0x2;
	(pc) =	sbr.rel @!p1 .LBB2_6-.Ltmp1, $4  }
0x26: {  	s14 =	simm.s32 @!p0 $0x3  }
0x27: {  	_ =	swait.ge @!p0 [sflag:s14], $0x5000  }
0x28: {  	s16 =	sadd.s32 $0x1, s12;
	s13 =	smov.u32 s11;
	[sflag:s14] =	ssyncset.done @!p0 $0x0  }
0x29: {  	s12 =	smov.u32 s16;
	s11 =	smov.u32 s15;
	[sflag:s14] =	ssyncadd.s32 @!p0 $0xFFFFB000  }
.LBB2_1:
0x2a: {  	p0 =	sge.u32 s12, s7  }
0x2b: {  	s14 =	sxor.u32 @!p0 $0x1, s12  }
0x2c: {  	s14 =	smul.u32 @!p0 $0x14000, s14  }
0x2d: {  	s31 =	sadd.s32 $0xFFFFFFFF, s12;
	s15 =	sshrl.u32 @!p0 s11, $0x3  }
0x2e: {  	s16 =	sand.u32 @!p0 $0x7, s11;
	s15 =	sadd.s32 @!p0 s3, s15;
	s14 =	sshra.s32 @!p0 s14, $0x2  }
0x2f: {  	[tilespmem:s14], [sflag:$0x2] =	stream.linear.gather @!p0 [hbm4b:s15+s16], $0x5000, $0x38;
	[tilespmem:$0x14000] =	vst v63  }
0x30: {  	p0 =	sge.u32 s31, s7  }
.Ltmp2:
0x31: {  	_ = 	snop;
	(pc) =	sbr.rel @p0 .LBB2_5-.Ltmp2, $1  }
0x32: {  	_ =	sdelay $0x3  }
0x33: {  	s14 =	sand.u32 $0x1, s12  }
0x34: {  	_ =	swait.ge [sflag:s6], $0x5000;
	p0 =	seq.s32 s14, $0x1;
	s14 =	simm.s32 $0x5000  }
0x35: {  	[sflag:s6] =	ssyncset.done $0x0;
	s14 =	simm.s32 @!p0 $0x0  }
0x36: {  	[sflag:s6] =	ssyncadd.s32 $0xFFFFB000;
	(ifvalue) =	ssetifvalue $0x7FFFFFFF;
	v0 =	vld.msk [tilespmem:s14+$0x0 ss:$0x1], $0xffff  }
0x37: {  	s15 =	sadd.s32 $0x10, s14  }
0x38: {  	v1 =	vld.msk [tilespmem:s15+$0x0 ss:$0x1], $0xffff;
	_ =	sdelay $0x2  }
0x39: {  	v2 =	vshrl.u32 v0, $0x5  }
0x3a: {  	vm1 =	veq.s32 v0, $0x80000000;
	v0 =	vand.u32 $0x1F, v0;
	v2 =	vand.u32 $0x7FFF, v2  }
0x3b: {  	v0 =	vsel vm1, $0xFFFFFFFF, v0;
	v6 =	vshrl.u32 v1, $0x5;
	v2 =	vsel vm1, $0xFFFFFFFF, v2  }
0x3c: {  	v3 =	vshrl.u32 v0, $0x3;
	v0 =	vshll.u32 v0, $0x7;
	vm1 =	veq.s32 v1, $0x80000000  }
0x3d: {  	s15 =	sadd.s32 $0x10, s15;
	v1 =	vand.u32 $0x1F, v1;
	v4 =	vshll.u32 v2, $0x3;
	v3 =	vmul.u32 $0x32000, v3  }
0x3e: {  	v0 =	vand.u32 $0x380, v0;
	v7 =	vand.u32 $0x7F, v2;
	v5 =	vand.u32 $0xFFFFFC00, v4;
	v4 =	vld.msk [tilespmem:s15+$0x0 ss:$0x1], $0xffff  }
0x3f: {  	v1 =	vsel vm1, $0xFFFFFFFF, v1;
	v2 =	vadd.s32 v3, v5;
	v3 =	vand.u32 $0x7FFF, v6  }
0x40: {  	v3 =	vsel vm1, $0xFFFFFFFF, v3;
	v0 =	vor.u32 v0, v2;
	v2 =	vshrl.u32 v1, $0x3  }
0x41: {  	v1 =	vshll.u32 v1, $0x7;
	v5 =	vshll.u32 v3, $0x3;
	v8 =	vmul.u32 $0x32000, v2  }
0x42: {  	s18 =	simm.s32 $0x30;
	s14 =	sor.u32 $0xA000, s14;
	s17 =	sadd.s32 $0x10, s15;
	v2 =	vand.u32 $0x380, v1;
	v0 =	vor.u32 v7, v0;
	v5 =	vand.u32 $0xFFFFFC00, v5  }
0x43: {  	s16 =	smov.u32 s14;
	s15 =	smov.u32 s14;
	v1 =	vld.msk [tilespmem:s17+$0x0 ss:$0x1], $0xffff;
	v3 =	vand.u32 $0x7F, v3;
	(ifvalue) =	ssetifvalue $0x7FFFFFFF;
	v6 =	vshrl.u32 v4, $0x5;
	v5 =	vadd.s32 v8, v5  }
.LBB2_3:
0x44: {  	s18 =	sadd.s32 $0x10, s18  }
0x45: {  	vm1 =	veq.s32 v4, $0x80000000;
	v4 =	vand.u32 $0x1F, v4;
	v6 =	vand.u32 $0x7FFF, v6;
	s15 =	sadd.s32 $0x10, s15;
	p0 =	slt.u32 s18, $0x4FF0  }
.Ltmp3:
0x46: {  	v5 =	vor.u32 v2, v5;
	v4 =	vsel vm1, $0xFFFFFFFF, v4;
	v7 =	vsel vm1, $0xFFFFFFFF, v6;
	(pc) =	sbr.rel @p0 .LBB2_3-.Ltmp3, $4  }
0x47: {  	v2 =	vshrl.u32 v4, $0x3;
	v6 =	vshll.u32 v7, $0x3;
	v4 =	vshll.u32 v4, $0x7;
	[tilespmem:s16], [sflag:$0x1] =	stream.indirect_vreg.gather [hbm4b:s2+s10], $0x1, v0, vm0, $0x4038;
	[tilespmem:$0x14000] =	vst v63  }
0x48: {  	v0 =	vor.u32 v3, v5;
	s16 =	smov.u32 s15;
	v8 =	vmul.u32 $0x32000, v2;
	v2 =	vand.u32 $0x380, v4  }
0x49: {  	s17 =	sadd.s32 $0x10, s17;
	v9 =	vand.u32 $0xFFFFFC00, v6  }
0x4a: {  	v3 =	vand.u32 $0x7F, v7;
	v6 =	vshrl.u32 v1, $0x5;
	v5 =	vadd.s32 v8, v9;
	(ifvalue) =	ssetifvalue $0x7FFFFFFF;
	v4 =	vmovc v1;
	v1 =	vld.msk [tilespmem:s17+$0x0 ss:$0x1], $0xffff  }
.Ltmp4:
0x4b: {  	_ = 	snop;
	(pc) =	sbr.rel .LBB2_4-.Ltmp4, $1  }
0x4c: {  	_ =	sdelay $0x3  }
.LBB2_6:
0x4d: {  	_ =	sfence.sel $0x180000  }
0x4e: {  	s2 =	simm.s32 $0x2;
	[bflag:$0x0] =	sbarrier.arrive $0xFFFF  }
0x4f: {  	s30 =	simm.s32 $0x3;
	[sflag:s2] =	ssyncpa.u1 $0x1  }
0x50: {  	s31 =	simm.s32 $0x1;
	[sflag:s30] =	ssyncpa.u1 $0x1  }
0x51: {  	[sflag:s31] =	ssyncpa.u1 $0x1  }
0x52: {  	p0 =	sne.s32 s1, $0x0;
	_ =	strace $0x90000047  }
0x53: {  	s0 =	sadd.s32 @!p0 $0x100000, s0;
	[bflag:$0x2] =	sbarrier.arrive $0xFFFF  }
0x54: {  	[sflag:s0] =	ssyncadd.tile.s32 @!p0 $0x1;
	_ =	shalt  }
.Lfunc_end2:
_tile_overlayer_lowered:
.L_overlay_start_2:
0x55: {  	(tag) =	ssettag $0x2  }
0x56: {  	s0 =	rddreg [dreg:$0x0];
	s2 =	stileid.u32  }
0x57: {  	s1 =	rddreg [dreg:$0x1];
	p0 =	sne.s32 s2, $0x0  }
0x58: {  	s3 =	rddreg [dreg:$0x2];
	[bflag:$0x3] =	sbarrier.arrive $0xFFFF;
	s2 =	simm.s32 @!p0 $0x1C01  }
0x59: {  	[timem:s3], [sflag:s2] =	dma.local @!p0 [hbm:s0], s1  }
0x5a: {  	s0 =	simm.s32 @!p0 $0x1  }
0x5b: {  	_ =	swait.ge @!p0 [sflag:s0], s1  }
0x5c: {  	s1 =	ssub.s32 @!p0 $0x0, s1;
	[sflag:s0] =	ssyncset.done @!p0 $0x0  }
0x5d: {  	[sflag:s0] =	ssyncadd.s32 @!p0 s1  }
0x5e: {  	[bflag:$0x3] =	sbarrier.arrive $0xFFFF  }
0x5f: {  	_ =	shalt  }

</sc_bundles>
